<compile_context>
chip_gen: v7x
topology: tpu7x:2x2x1
jax: 0.10.2.dev20260603
libtpu: 0.0.44.dev20260713+nightly
codegen_flags: <defaults>
</compile_context>

<pallas_src>
import functools

import numpy as np
import jax
import jax.numpy as jnp
from jax import lax
from jax.experimental import pallas as pl
from jax.experimental.pallas import tpu as pltpu
from jax.experimental.pallas import tpu_sc as plsc

N = 100000
E = 3200000
SUPPORT = 0.025
DELTA = 0.1
C0 = float(10.0 * np.sqrt(2.0 * 9.81 * 0.3))
EPS = float(SUPPORT ** 2 * 0.1)
REST_DENSITY = 1000.0
WEND_S = float((7.0 / np.pi) / SUPPORT ** 3)
OUT_SCALE = float(SUPPORT * DELTA * C0)

LANES = 16
NC = 2
NS = 16
NW = NC * NS
EW = E // NW
B = 2000
CHUNKS = EW // B
NP_PAD = 100352
PER_TILE = NP_PAD // NS
ROWS = NP_PAD // 128
GRID = ROWS // 8


def _mesh():
    return plsc.VectorSubcoreMesh(
        core_axis_name="c", subcore_axis_name="s", num_cores=NC, num_subcores=NS
    )


def _stage_tables(zbuf, tables, tile_base):
    sl = pl.ds(tile_base, PER_TILE)
    for hbm, sh in tables:
        pltpu.sync_copy(hbm.at[sl], zbuf)
        pltpu.sync_copy(zbuf, sh.at[sl])


def _zero_accs(zbuf, accs, tile_base):
    @pl.loop(0, PER_TILE // LANES)
    def _(k):
        zbuf[pl.ds(k * LANES, LANES)] = jnp.zeros((LANES,), jnp.float32)

    for acc in accs:
        pltpu.sync_copy(zbuf, acc.at[pl.ds(tile_base, PER_TILE)])


def _dump_accs(zbuf, accs, outs, tile_base, out_base):
    for acc, oh in zip(accs, outs):
        pltpu.sync_copy(acc.at[pl.ds(tile_base, PER_TILE)], zbuf)
        pltpu.sync_copy(zbuf, oh.at[pl.ds(out_base, PER_TILE)])


def _wait_all(descs):
    for d in descs:
        d.wait()


def _sweep_one(ii_h, jj_h, dx_h, dy_h, rad_h, px_h, py_h, vol_h, den_h,
               o00_h, o01_h, o10_h, o11_h, osx_h, osy_h,
               egx_h, egy_h, erx_h, ery_h, ecf_h, evj_h,
               ii, jj, dx, dy, rad, xi, yi, xj, yj, di, dj, vj,
               c00, c01, c10, c11, csx, csy, sgx, sgy, srx, sry, scf, zbuf,
               tpx, tpy, tvol, tden,
               a00, a01, a10, a11, asx, asy, sem, sem2):
    c = lax.axis_index("c")
    s = lax.axis_index("s")
    wid = s * NC + c
    tile_base = s * PER_TILE
    accs = (a00, a01, a10, a11, asx, asy)
    _stage_tables(zbuf, ((px_h, tpx), (py_h, tpy), (vol_h, tvol),
                         (den_h, tden)), tile_base)
    _zero_accs(zbuf, accs, tile_base)
    plsc.subcore_barrier()

    base = wid * EW

    @pl.loop(0, CHUNKS)
    def _(ch):
        sl = pl.ds(base + ch * B, B)
        _wait_all([pltpu.async_copy(h.at[sl], v, sem)
                   for h, v in ((ii_h, ii), (jj_h, jj), (dx_h, dx),
                                (dy_h, dy), (rad_h, rad))])
        _wait_all([pltpu.async_copy(tpx.at[ii], xi, sem),
                   pltpu.async_copy(tpy.at[ii], yi, sem),
                   pltpu.async_copy(tpx.at[jj], xj, sem),
                   pltpu.async_copy(tpy.at[jj], yj, sem),
                   pltpu.async_copy(tden.at[ii], di, sem),
                   pltpu.async_copy(tden.at[jj], dj, sem),
                   pltpu.async_copy(tvol.at[jj], vj, sem)])

        @pl.loop(0, B // LANES)
        def _(k):
            v16 = pl.ds(k * LANES, LANES)
            q = rad[v16]
            t = 1.0 - q
            gwc = WEND_S * ((-20.0 * q) * ((t * t) * t))
            gx = gwc * dx[v16]
            gy = gwc * dy[v16]
            rx = xj[v16] - xi[v16]
            ry = yj[v16] - yi[v16]
            v = vj[v16]
            drho = dj[v16] * REST_DENSITY - di[v16] * REST_DENSITY
            coef = (drho * v) * 2.0
            c00[v16] = (rx * gx) * v
            c01[v16] = (rx * gy) * v
            c10[v16] = (ry * gx) * v
            c11[v16] = (ry * gy) * v
            csx[v16] = coef * gx
            csy[v16] = coef * gy
            sgx[v16] = gx
            sgy[v16] = gy
            srx[v16] = rx
            sry[v16] = ry
            scf[v16] = coef

        _wait_all([pltpu.async_copy(sgx, egx_h.at[sl], sem2),
                   pltpu.async_copy(sgy, egy_h.at[sl], sem2),
                   pltpu.async_copy(srx, erx_h.at[sl], sem2),
                   pltpu.async_copy(sry, ery_h.at[sl], sem2),
                   pltpu.async_copy(scf, ecf_h.at[sl], sem2),
                   pltpu.async_copy(vj, evj_h.at[sl], sem2)])
        _wait_all([pltpu.async_copy(c00, a00.at[ii], sem, add=True),
                   pltpu.async_copy(c01, a01.at[ii], sem, add=True),
                   pltpu.async_copy(c10, a10.at[ii], sem, add=True),
                   pltpu.async_copy(c11, a11.at[ii], sem, add=True),
                   pltpu.async_copy(csx, asx.at[ii], sem, add=True),
                   pltpu.async_copy(csy, asy.at[ii], sem, add=True)])

    plsc.subcore_barrier()
    _dump_accs(zbuf, accs,
               (o00_h, o01_h, o10_h, o11_h, osx_h, osy_h),
               tile_base, c * NP_PAD + tile_base)


def _sweep_two(ii_h, jj_h, egx_h, egy_h, erx_h, ery_h, ecf_h, evj_h,
               rgx_h, rgy_h, od_h, ogx_h, ogy_h,
               ii, jj, gx, gy, rx, ry, cf, vj, rgxj, rgyj, cd, cgx, cgy,
               zbuf, trgx, trgy, ad, agx, agy, sem):
    c = lax.axis_index("c")
    s = lax.axis_index("s")
    wid = s * NC + c
    tile_base = s * PER_TILE
    accs = (ad, agx, agy)
    _stage_tables(zbuf, ((rgx_h, trgx), (rgy_h, trgy)), tile_base)
    _zero_accs(zbuf, accs, tile_base)
    plsc.subcore_barrier()

    base = wid * EW

    @pl.loop(0, CHUNKS)
    def _(ch):
        sl = pl.ds(base + ch * B, B)
        _wait_all([pltpu.async_copy(h.at[sl], v, sem)
                   for h, v in ((ii_h, ii), (jj_h, jj), (egx_h, gx),
                                (egy_h, gy), (erx_h, rx), (ery_h, ry),
                                (ecf_h, cf), (evj_h, vj))])
        _wait_all([pltpu.async_copy(trgx.at[jj], rgxj, sem),
                   pltpu.async_copy(trgy.at[jj], rgyj, sem)])

        @pl.loop(0, B // LANES)
        def _(k):
            v16 = pl.ds(k * LANES, LANES)
            gxv = gx[v16]
            gyv = gy[v16]
            rxv = rx[v16]
            ryv = ry[v16]
            v = vj[v16]
            r2 = (rxv * rxv + ryv * ryv) + EPS
            qq = cf[v16] / r2
            cd[v16] = ((qq * rxv - rgxj[v16] * v) * gxv
                       + (qq * ryv - rgyj[v16] * v) * gyv)
            cgx[v16] = gxv * v
            cgy[v16] = gyv * v

        _wait_all([pltpu.async_copy(cd, ad.at[ii], sem, add=True),
                   pltpu.async_copy(cgx, agx.at[ii], sem, add=True),
                   pltpu.async_copy(cgy, agy.at[ii], sem, add=True)])

    plsc.subcore_barrier()
    _dump_accs(zbuf, accs, (od_h, ogx_h, ogy_h),
               tile_base, c * NP_PAD + tile_base)


def _pinv_rg_body(n00a, n00b, n01a, n01b, n10a, n10b, n11a, n11b,
                  sxa, sxb, sya, syb, rgx, rgy):
    m00 = n00a[...] + n00b[...]
    m01 = n01a[...] + n01b[...]
    m10 = n10a[...] + n10b[...]
    m11 = n11a[...] + n11b[...]
    sx = sxa[...] + sxb[...]
    sy = sya[...] + syb[...]
    det = m00 * m11 - m01 * m10
    dets = jnp.where(jnp.abs(det) > 1e-7, det,
                     jnp.where(det >= 0, 1e-7, -1e-7))
    l00 = m11 / dets
    l01 = -m01 / dets
    l10 = -m10 / dets
    l11 = m00 / dets
    rgx[...] = -(l00 * sx + l01 * sy)
    rgy[...] = -(l10 * sx + l11 * sy)


def _final_body(da, db, gxa, gxb, gya, gyb, rgx, rgy, o):
    gvx = gxa[...] + gxb[...]
    gvy = gya[...] + gyb[...]
    o[...] = ((da[...] + db[...])
              - (rgx[...] * gvx + rgy[...] * gvy)) * OUT_SCALE


def _tc_call(body, n_in, n_out, args):
    bs = pl.BlockSpec((8, 128), lambda g: (g, 0))
    shape = jax.ShapeDtypeStruct((ROWS, 128), jnp.float32)
    f = pl.pallas_call(
        body,
        grid=(GRID,),
        in_specs=[bs] * n_in,
        out_specs=[bs] * n_out if n_out > 1 else bs,
        out_shape=[shape] * n_out if n_out > 1 else shape,
    )
    return f(*args)


def _split2(flat):
    r = flat.reshape(2, ROWS, 128)
    return r[0], r[1]


def kernel(positions, volumes, distances, radialDistances, density, i, j):
    ii = i.astype(jnp.int32)
    jj = j.astype(jnp.int32)
    pad = NP_PAD - N
    px = jnp.pad(positions[:, 0], (0, pad))
    py = jnp.pad(positions[:, 1], (0, pad))
    vol = jnp.pad(volumes, (0, pad))
    den = jnp.pad(density, (0, pad))
    dx = distances[:, 0]
    dy = distances[:, 1]
    rad = radialDistances

    mesh = _mesh()
    ebuf = lambda: pltpu.VMEM((B,), jnp.float32)
    eibuf = lambda: pltpu.VMEM((B,), jnp.int32)
    zbuf = pltpu.VMEM((PER_TILE,), jnp.float32)
    shr = lambda: pltpu.VMEM_SHARED((NP_PAD,), jnp.float32)
    oshape = jax.ShapeDtypeStruct((2 * NP_PAD,), jnp.float32)
    eshape = jax.ShapeDtypeStruct((E,), jnp.float32)
    cparams = pltpu.CompilerParams(use_tc_tiling_on_sc=False)

    sweep1 = pl.kernel(
        _sweep_one,
        out_type=(oshape,) * 6 + (eshape,) * 6,
        mesh=mesh,
        compiler_params=cparams,
        scratch_types=(
            [eibuf(), eibuf()] + [ebuf()] * 21
            + [zbuf] + [shr() for _ in range(10)]
            + [pltpu.SemaphoreType.DMA, pltpu.SemaphoreType.DMA]
        ),
    )
    (nm00, nm01, nm10, nm11, sxp, syp,
     egx, egy, erx, ery, ecf, evj) = sweep1(
        ii, jj, dx, dy, rad, px, py, vol, den)

    parts = (_split2(nm00) + _split2(nm01) + _split2(nm10) + _split2(nm11)
             + _split2(sxp) + _split2(syp))
    rgx, rgy = _tc_call(_pinv_rg_body, 12, 2, parts)
    rgx_f = rgx.reshape(NP_PAD)
    rgy_f = rgy.reshape(NP_PAD)

    sweep2 = pl.kernel(
        _sweep_two,
        out_type=(oshape,) * 3,
        mesh=mesh,
        compiler_params=cparams,
        scratch_types=(
            [eibuf(), eibuf()] + [ebuf()] * 11
            + [zbuf] + [shr() for _ in range(5)] + [pltpu.SemaphoreType.DMA]
        ),
    )
    dd2, gvx2, gvy2 = sweep2(ii, jj, egx, egy, erx, ery, ecf, evj,
                             rgx_f, rgy_f)

    out = _tc_call(_final_body, 8, 1,
                   _split2(dd2) + _split2(gvx2) + _split2(gvy2)
                   + (rgx, rgy)).reshape(NP_PAD)
    return out[:N]

# --- scband reference (transcript-rebuilt; emitter-appended) ---
"""Pipeline reference for scband-density-diffusion-module-47021301957210 (READ-ONLY COPY).

The authoritative reference and input builder live on the scoring server;
editing this copy changes nothing except your own understanding.
"""

import jax, jax.numpy as jnp
import numpy as np

N = 100000
E = 3200000
SUPPORT = 0.025
DELTA = 0.1
C0 = float(10.0 * np.sqrt(2.0 * 9.81 * 0.3))
REST_DENSITY = 1000.0
EPS = SUPPORT ** 2 * 0.1


def kernel_gradient(radialDistances, directions, support):
    # Wendland C2 kernel gradient in 2D: W = C/h^2 * (1-q)^4 (1+4q), q in [0,1]
    C = 7.0 / np.pi
    dkdq = -20.0 * radialDistances * (1.0 - radialDistances) ** 3
    return (C / support ** 3 * dkdq)[:, None] * directions


def pinv2x2(M):
    a = M[:, 0, 0]
    b = M[:, 0, 1]
    c = M[:, 1, 0]
    d = M[:, 1, 1]
    tr = a + d
    det = a * d - b * c
    disc = jnp.sqrt(jnp.clip((tr * 0.5) ** 2 - det, 0.0))
    e1 = tr * 0.5 + disc
    e2 = tr * 0.5 - disc
    detSafe = jnp.where(jnp.abs(det) > 1e-7, det, jnp.where(det >= 0, 1e-7, -1e-7))
    row0 = jnp.stack([d, -b], axis=-1)
    row1 = jnp.stack([-c, a], axis=-1)
    inv = jnp.stack([row0, row1], axis=1) / detSafe[:, None, None]
    eigVals = jnp.stack([e1, e2], axis=-1)
    return inv, eigVals


def setup_inputs(seed: int = 0) -> dict:
    key = jax.random.key(seed)
    k1, k2, k3, k4, k5, k6, k7 = jax.random.split(key, 7)
    positions = jax.random.uniform(k1, (N, 2), dtype=jnp.float32)
    volumes = jax.random.uniform(k2, (N,), dtype=jnp.float32)
    dirs = jax.random.normal(k3, (E, 2), dtype=jnp.float32)
    distances = dirs / (jnp.linalg.norm(dirs, axis=1, keepdims=True) + 1e-7)
    radialDistances = jax.random.uniform(k4, (E,), dtype=jnp.float32)
    density = jax.random.uniform(k5, (N,), dtype=jnp.float32)
    i = jax.random.randint(k6, (E,), 0, N, dtype=jnp.int64)
    j = jax.random.randint(k7, (E,), 0, N, dtype=jnp.int64)
    return {"positions": positions, "volumes": volumes, "distances": distances,
            "radialDistances": radialDistances, "density": density, "i": i, "j": j}


def reference(positions, volumes, distances, radialDistances, density, i, j):
    gradW = kernel_gradient(radialDistances, distances, SUPPORT)
    rji = positions[j] - positions[i]
    Vj = volumes[j]
    # 1) normalization matrix: sum_j Vj * outer(r_ji, gradW)
    term = jnp.einsum('nu,nv->nuv', rji, gradW) * Vj[:, None, None]
    normMat = jax.ops.segment_sum(term, i, num_segments=N)
    L, eigVals = pinv2x2(normMat)
    # 2) renormalized density gradient
    rho = density * REST_DENSITY
    rho_ba = rho[j] - rho[i]
    grad = jnp.einsum('nuv,nv->nu', L[i], gradW)
    renormGrad = -jax.ops.segment_sum((rho_ba * Vj * 2.0)[:, None] * grad, i, num_segments=N)
    # 3) deltaSPH density diffusion
    rji2 = jnp.sum(rji * rji, axis=1) + EPS
    psi_ij = (2.0 * (rho[j] - rho[i]) / rji2)[:, None] * rji - (renormGrad[i] + renormGrad[j])
    prod = jnp.einsum('nu,nu->n', psi_ij, gradW)
    densityDiffusion = SUPPORT * DELTA * C0 * jax.ops.segment_sum(prod * Vj, i, num_segments=N)
    return densityDiffusion

if __name__ == "__main__":
    import jax
    _d = setup_inputs()
    print(jax.jit(kernel)(*tuple(_d.values())))

</pallas_src>

<mosaic_0001>
#map = affine_map<(d0, d1) -> (0)>
module attributes {stable_mosaic.version = 14 : i64} {
  func.func @_sweep_one(%arg0: i32, %arg1: i32, %arg2: memref<3200000xi32, #tpu.memory_space<hbm>>, %arg3: memref<3200000xi32, #tpu.memory_space<hbm>>, %arg4: memref<3200000xf32, #tpu.memory_space<hbm>>, %arg5: memref<3200000xf32, #tpu.memory_space<hbm>>, %arg6: memref<3200000xf32, #tpu.memory_space<hbm>>, %arg7: memref<100352xf32, #tpu.memory_space<hbm>>, %arg8: memref<100352xf32, #tpu.memory_space<hbm>>, %arg9: memref<100352xf32, #tpu.memory_space<hbm>>, %arg10: memref<100352xf32, #tpu.memory_space<hbm>>, %arg11: memref<200704xf32, #tpu.memory_space<hbm>>, %arg12: memref<200704xf32, #tpu.memory_space<hbm>>, %arg13: memref<200704xf32, #tpu.memory_space<hbm>>, %arg14: memref<200704xf32, #tpu.memory_space<hbm>>, %arg15: memref<200704xf32, #tpu.memory_space<hbm>>, %arg16: memref<200704xf32, #tpu.memory_space<hbm>>, %arg17: memref<3200000xf32, #tpu.memory_space<hbm>>, %arg18: memref<3200000xf32, #tpu.memory_space<hbm>>, %arg19: memref<3200000xf32, #tpu.memory_space<hbm>>, %arg20: memref<3200000xf32, #tpu.memory_space<hbm>>, %arg21: memref<3200000xf32, #tpu.memory_space<hbm>>, %arg22: memref<3200000xf32, #tpu.memory_space<hbm>>, %arg23: memref<2000xi32, #tpu.memory_space<vmem>>, %arg24: memref<2000xi32, #tpu.memory_space<vmem>>, %arg25: memref<2000xf32, #tpu.memory_space<vmem>>, %arg26: memref<2000xf32, #tpu.memory_space<vmem>>, %arg27: memref<2000xf32, #tpu.memory_space<vmem>>, %arg28: memref<2000xf32, #tpu.memory_space<vmem>>, %arg29: memref<2000xf32, #tpu.memory_space<vmem>>, %arg30: memref<2000xf32, #tpu.memory_space<vmem>>, %arg31: memref<2000xf32, #tpu.memory_space<vmem>>, %arg32: memref<2000xf32, #tpu.memory_space<vmem>>, %arg33: memref<2000xf32, #tpu.memory_space<vmem>>, %arg34: memref<2000xf32, #tpu.memory_space<vmem>>, %arg35: memref<2000xf32, #tpu.memory_space<vmem>>, %arg36: memref<2000xf32, #tpu.memory_space<vmem>>, %arg37: memref<2000xf32, #tpu.memory_space<vmem>>, %arg38: memref<2000xf32, #tpu.memory_space<vmem>>, %arg39: memref<2000xf32, #tpu.memory_space<vmem>>, %arg40: memref<2000xf32, #tpu.memory_space<vmem>>, %arg41: memref<2000xf32, #tpu.memory_space<vmem>>, %arg42: memref<2000xf32, #tpu.memory_space<vmem>>, %arg43: memref<2000xf32, #tpu.memory_space<vmem>>, %arg44: memref<2000xf32, #tpu.memory_space<vmem>>, %arg45: memref<2000xf32, #tpu.memory_space<vmem>>, %arg46: memref<6272xf32, #tpu.memory_space<vmem>>, %arg47: memref<100352xf32, #tpu.memory_space<vmem_shared>>, %arg48: memref<100352xf32, #tpu.memory_space<vmem_shared>>, %arg49: memref<100352xf32, #tpu.memory_space<vmem_shared>>, %arg50: memref<100352xf32, #tpu.memory_space<vmem_shared>>, %arg51: memref<100352xf32, #tpu.memory_space<vmem_shared>>, %arg52: memref<100352xf32, #tpu.memory_space<vmem_shared>>, %arg53: memref<100352xf32, #tpu.memory_space<vmem_shared>>, %arg54: memref<100352xf32, #tpu.memory_space<vmem_shared>>, %arg55: memref<100352xf32, #tpu.memory_space<vmem_shared>>, %arg56: memref<100352xf32, #tpu.memory_space<vmem_shared>>, %arg57: memref<!tpu.dma_semaphore, #tpu.memory_space<semaphore_mem>>, %arg58: memref<!tpu.dma_semaphore, #tpu.memory_space<semaphore_mem>>) attributes {dimension_semantics = [#tpu.dimension_semantics<core_parallel>, #tpu.dimension_semantics<subcore_parallel>], iteration_bounds = array<i64: 2, 16>, scalar_prefetch = 0 : i64, scratch_operands = 36 : i64, tpu.core_type = #tpu.core_type<sc_vector_subcore>, window_params = [{transform_indices = #map}, {transform_indices = #map}, {transform_indices = #map}, {transform_indices = #map}, {transform_indices = #map}, {transform_indices = #map}, {transform_indices = #map}, {transform_indices = #map}, {transform_indices = #map}, {transform_indices = #map}, {transform_indices = #map}, {transform_indices = #map}, {transform_indices = #map}, {transform_indices = #map}, {transform_indices = #map}, {transform_indices = #map}, {transform_indices = #map}, {transform_indices = #map}, {transform_indices = #map}, {transform_indices = #map}, {transform_indices = #map}]} {
    %mul3A = arith.constant 2 : i32
    %mul3A_0 = arith.muli %arg1, %mul3A : i32
    %add3A = arith.addi %mul3A_0, %arg0 : i32
    %mul3A_1 = arith.constant 6272 : i32
    %mul3A_2 = arith.muli %arg1, %mul3A_1 : i32
    "tpu.region"() ({
      %run_scoped3A = tpu.sem_alloc : memref<!tpu.dma_semaphore, #tpu.memory_space<semaphore_mem>>
      %dma_start3A = tpu.memref_slice %arg7[%mul3A_2] : memref<100352xf32, #tpu.memory_space<hbm>> -> memref<6272xf32, #tpu.memory_space<hbm>>
      %dma_start3A_18 = tpu.memref_slice %arg7[%mul3A_2] : memref<100352xf32, #tpu.memory_space<hbm>> -> memref<6272xf32, #tpu.memory_space<hbm>>
      tpu.enqueue_dma source(%dma_start3A_18 : memref<6272xf32, #tpu.memory_space<hbm>>) target(%arg46 : memref<6272xf32, #tpu.memory_space<vmem>>) target_semaphore(%run_scoped3A : memref<!tpu.dma_semaphore, #tpu.memory_space<semaphore_mem>>)
      %dma_wait3A = tpu.memref_slice %arg7[%mul3A_2] : memref<100352xf32, #tpu.memory_space<hbm>> -> memref<6272xf32, #tpu.memory_space<hbm>>
      %dma_wait3A_19 = tpu.memref_slice %arg7[%mul3A_2] : memref<100352xf32, #tpu.memory_space<hbm>> -> memref<6272xf32, #tpu.memory_space<hbm>>
      tpu.wait_dma2 semaphore(%run_scoped3A : memref<!tpu.dma_semaphore, #tpu.memory_space<semaphore_mem>>) src(%dma_wait3A_19 : memref<6272xf32, #tpu.memory_space<hbm>>) dst(%arg46 : memref<6272xf32, #tpu.memory_space<vmem>>)
      tpu.yield
    }) : () -> ()
    "tpu.region"() ({
      %run_scoped3A = tpu.sem_alloc : memref<!tpu.dma_semaphore, #tpu.memory_space<semaphore_mem>>
      %dma_start3A = tpu.memref_slice %arg47[%mul3A_2] : memref<100352xf32, #tpu.memory_space<vmem_shared>> -> memref<6272xf32, #tpu.memory_space<vmem_shared>>
      %dma_start3A_18 = tpu.memref_slice %arg47[%mul3A_2] : memref<100352xf32, #tpu.memory_space<vmem_shared>> -> memref<6272xf32, #tpu.memory_space<vmem_shared>>
      tpu.enqueue_dma source(%arg46 : memref<6272xf32, #tpu.memory_space<vmem>>) target(%dma_start3A_18 : memref<6272xf32, #tpu.memory_space<vmem_shared>>) target_semaphore(%run_scoped3A : memref<!tpu.dma_semaphore, #tpu.memory_space<semaphore_mem>>)
      %dma_wait3A = tpu.memref_slice %arg47[%mul3A_2] : memref<100352xf32, #tpu.memory_space<vmem_shared>> -> memref<6272xf32, #tpu.memory_space<vmem_shared>>
      %dma_wait3A_19 = tpu.memref_slice %arg47[%mul3A_2] : memref<100352xf32, #tpu.memory_space<vmem_shared>> -> memref<6272xf32, #tpu.memory_space<vmem_shared>>
      tpu.wait_dma2 semaphore(%run_scoped3A : memref<!tpu.dma_semaphore, #tpu.memory_space<semaphore_mem>>) src(%arg46 : memref<6272xf32, #tpu.memory_space<vmem>>) dst(%dma_wait3A_19 : memref<6272xf32, #tpu.memory_space<vmem_shared>>)
      tpu.yield
    }) : () -> ()
    "tpu.region"() ({
      %run_scoped3A = tpu.sem_alloc : memref<!tpu.dma_semaphore, #tpu.memory_space<semaphore_mem>>
      %dma_start3A = tpu.memref_slice %arg8[%mul3A_2] : memref<100352xf32, #tpu.memory_space<hbm>> -> memref<6272xf32, #tpu.memory_space<hbm>>
      %dma_start3A_18 = tpu.memref_slice %arg8[%mul3A_2] : memref<100352xf32, #tpu.memory_space<hbm>> -> memref<6272xf32, #tpu.memory_space<hbm>>
      tpu.enqueue_dma source(%dma_start3A_18 : memref<6272xf32, #tpu.memory_space<hbm>>) target(%arg46 : memref<6272xf32, #tpu.memory_space<vmem>>) target_semaphore(%run_scoped3A : memref<!tpu.dma_semaphore, #tpu.memory_space<semaphore_mem>>)
      %dma_wait3A = tpu.memref_slice %arg8[%mul3A_2] : memref<100352xf32, #tpu.memory_space<hbm>> -> memref<6272xf32, #tpu.memory_space<hbm>>
      %dma_wait3A_19 = tpu.memref_slice %arg8[%mul3A_2] : memref<100352xf32, #tpu.memory_space<hbm>> -> memref<6272xf32, #tpu.memory_space<hbm>>
      tpu.wait_dma2 semaphore(%run_scoped3A : memref<!tpu.dma_semaphore, #tpu.memory_space<semaphore_mem>>) src(%dma_wait3A_19 : memref<6272xf32, #tpu.memory_space<hbm>>) dst(%arg46 : memref<6272xf32, #tpu.memory_space<vmem>>)
      tpu.yield
    }) : () -> ()
    "tpu.region"() ({
      %run_scoped3A = tpu.sem_alloc : memref<!tpu.dma_semaphore, #tpu.memory_space<semaphore_mem>>
      %dma_start3A = tpu.memref_slice %arg48[%mul3A_2] : memref<100352xf32, #tpu.memory_space<vmem_shared>> -> memref<6272xf32, #tpu.memory_space<vmem_shared>>
      %dma_start3A_18 = tpu.memref_slice %arg48[%mul3A_2] : memref<100352xf32, #tpu.memory_space<vmem_shared>> -> memref<6272xf32, #tpu.memory_space<vmem_shared>>
      tpu.enqueue_dma source(%arg46 : memref<6272xf32, #tpu.memory_space<vmem>>) target(%dma_start3A_18 : memref<6272xf32, #tpu.memory_space<vmem_shared>>) target_semaphore(%run_scoped3A : memref<!tpu.dma_semaphore, #tpu.memory_space<semaphore_mem>>)
      %dma_wait3A = tpu.memref_slice %arg48[%mul3A_2] : memref<100352xf32, #tpu.memory_space<vmem_shared>> -> memref<6272xf32, #tpu.memory_space<vmem_shared>>
      %dma_wait3A_19 = tpu.memref_slice %arg48[%mul3A_2] : memref<100352xf32, #tpu.memory_space<vmem_shared>> -> memref<6272xf32, #tpu.memory_space<vmem_shared>>
      tpu.wait_dma2 semaphore(%run_scoped3A : memref<!tpu.dma_semaphore, #tpu.memory_space<semaphore_mem>>) src(%arg46 : memref<6272xf32, #tpu.memory_space<vmem>>) dst(%dma_wait3A_19 : memref<6272xf32, #tpu.memory_space<vmem_shared>>)
      tpu.yield
    }) : () -> ()
    "tpu.region"() ({
      %run_scoped3A = tpu.sem_alloc : memref<!tpu.dma_semaphore, #tpu.memory_space<semaphore_mem>>
      %dma_start3A = tpu.memref_slice %arg9[%mul3A_2] : memref<100352xf32, #tpu.memory_space<hbm>> -> memref<6272xf32, #tpu.memory_space<hbm>>
      %dma_start3A_18 = tpu.memref_slice %arg9[%mul3A_2] : memref<100352xf32, #tpu.memory_space<hbm>> -> memref<6272xf32, #tpu.memory_space<hbm>>
      tpu.enqueue_dma source(%dma_start3A_18 : memref<6272xf32, #tpu.memory_space<hbm>>) target(%arg46 : memref<6272xf32, #tpu.memory_space<vmem>>) target_semaphore(%run_scoped3A : memref<!tpu.dma_semaphore, #tpu.memory_space<semaphore_mem>>)
      %dma_wait3A = tpu.memref_slice %arg9[%mul3A_2] : memref<100352xf32, #tpu.memory_space<hbm>> -> memref<6272xf32, #tpu.memory_space<hbm>>
      %dma_wait3A_19 = tpu.memref_slice %arg9[%mul3A_2] : memref<100352xf32, #tpu.memory_space<hbm>> -> memref<6272xf32, #tpu.memory_space<hbm>>
      tpu.wait_dma2 semaphore(%run_scoped3A : memref<!tpu.dma_semaphore, #tpu.memory_space<semaphore_mem>>) src(%dma_wait3A_19 : memref<6272xf32, #tpu.memory_space<hbm>>) dst(%arg46 : memref<6272xf32, #tpu.memory_space<vmem>>)
      tpu.yield
    }) : () -> ()
    "tpu.region"() ({
      %run_scoped3A = tpu.sem_alloc : memref<!tpu.dma_semaphore, #tpu.memory_space<semaphore_mem>>
      %dma_start3A = tpu.memref_slice %arg49[%mul3A_2] : memref<100352xf32, #tpu.memory_space<vmem_shared>> -> memref<6272xf32, #tpu.memory_space<vmem_shared>>
      %dma_start3A_18 = tpu.memref_slice %arg49[%mul3A_2] : memref<100352xf32, #tpu.memory_space<vmem_shared>> -> memref<6272xf32, #tpu.memory_space<vmem_shared>>
      tpu.enqueue_dma source(%arg46 : memref<6272xf32, #tpu.memory_space<vmem>>) target(%dma_start3A_18 : memref<6272xf32, #tpu.memory_space<vmem_shared>>) target_semaphore(%run_scoped3A : memref<!tpu.dma_semaphore, #tpu.memory_space<semaphore_mem>>)
      %dma_wait3A = tpu.memref_slice %arg49[%mul3A_2] : memref<100352xf32, #tpu.memory_space<vmem_shared>> -> memref<6272xf32, #tpu.memory_space<vmem_shared>>
      %dma_wait3A_19 = tpu.memref_slice %arg49[%mul3A_2] : memref<100352xf32, #tpu.memory_space<vmem_shared>> -> memref<6272xf32, #tpu.memory_space<vmem_shared>>
      tpu.wait_dma2 semaphore(%run_scoped3A : memref<!tpu.dma_semaphore, #tpu.memory_space<semaphore_mem>>) src(%arg46 : memref<6272xf32, #tpu.memory_space<vmem>>) dst(%dma_wait3A_19 : memref<6272xf32, #tpu.memory_space<vmem_shared>>)
      tpu.yield
    }) : () -> ()
    "tpu.region"() ({
      %run_scoped3A = tpu.sem_alloc : memref<!tpu.dma_semaphore, #tpu.memory_space<semaphore_mem>>
      %dma_start3A = tpu.memref_slice %arg10[%mul3A_2] : memref<100352xf32, #tpu.memory_space<hbm>> -> memref<6272xf32, #tpu.memory_space<hbm>>
      %dma_start3A_18 = tpu.memref_slice %arg10[%mul3A_2] : memref<100352xf32, #tpu.memory_space<hbm>> -> memref<6272xf32, #tpu.memory_space<hbm>>
      tpu.enqueue_dma source(%dma_start3A_18 : memref<6272xf32, #tpu.memory_space<hbm>>) target(%arg46 : memref<6272xf32, #tpu.memory_space<vmem>>) target_semaphore(%run_scoped3A : memref<!tpu.dma_semaphore, #tpu.memory_space<semaphore_mem>>)
      %dma_wait3A = tpu.memref_slice %arg10[%mul3A_2] : memref<100352xf32, #tpu.memory_space<hbm>> -> memref<6272xf32, #tpu.memory_space<hbm>>
      %dma_wait3A_19 = tpu.memref_slice %arg10[%mul3A_2] : memref<100352xf32, #tpu.memory_space<hbm>> -> memref<6272xf32, #tpu.memory_space<hbm>>
      tpu.wait_dma2 semaphore(%run_scoped3A : memref<!tpu.dma_semaphore, #tpu.memory_space<semaphore_mem>>) src(%dma_wait3A_19 : memref<6272xf32, #tpu.memory_space<hbm>>) dst(%arg46 : memref<6272xf32, #tpu.memory_space<vmem>>)
      tpu.yield
    }) : () -> ()
    "tpu.region"() ({
      %run_scoped3A = tpu.sem_alloc : memref<!tpu.dma_semaphore, #tpu.memory_space<semaphore_mem>>
      %dma_start3A = tpu.memref_slice %arg50[%mul3A_2] : memref<100352xf32, #tpu.memory_space<vmem_shared>> -> memref<6272xf32, #tpu.memory_space<vmem_shared>>
      %dma_start3A_18 = tpu.memref_slice %arg50[%mul3A_2] : memref<100352xf32, #tpu.memory_space<vmem_shared>> -> memref<6272xf32, #tpu.memory_space<vmem_shared>>
      tpu.enqueue_dma source(%arg46 : memref<6272xf32, #tpu.memory_space<vmem>>) target(%dma_start3A_18 : memref<6272xf32, #tpu.memory_space<vmem_shared>>) target_semaphore(%run_scoped3A : memref<!tpu.dma_semaphore, #tpu.memory_space<semaphore_mem>>)
      %dma_wait3A = tpu.memref_slice %arg50[%mul3A_2] : memref<100352xf32, #tpu.memory_space<vmem_shared>> -> memref<6272xf32, #tpu.memory_space<vmem_shared>>
      %dma_wait3A_19 = tpu.memref_slice %arg50[%mul3A_2] : memref<100352xf32, #tpu.memory_space<vmem_shared>> -> memref<6272xf32, #tpu.memory_space<vmem_shared>>
      tpu.wait_dma2 semaphore(%run_scoped3A : memref<!tpu.dma_semaphore, #tpu.memory_space<semaphore_mem>>) src(%arg46 : memref<6272xf32, #tpu.memory_space<vmem>>) dst(%dma_wait3A_19 : memref<6272xf32, #tpu.memory_space<vmem_shared>>)
      tpu.yield
    }) : () -> ()
    %scan3A = arith.constant 0 : i32
    %scan3A_3 = arith.constant 392 : i32
    %scan3A_4 = arith.addi %scan3A, %scan3A_3 : i32
    %scan3A_5 = arith.constant 1 : i32
    scf.for %scan3A_18 = %scan3A to %scan3A_4 step %scan3A_5  : i32 {
      %mul3A_19 = arith.constant 1 : i32
      %mul3A_20 = arith.muli %scan3A_18, %mul3A_19 : i32
      %add3A_21 = arith.constant 0 : i32
      %add3A_22 = arith.addi %add3A_21, %mul3A_20 : i32
      %broadcast_in_dim3A = arith.constant 0.000000e+00 : f32
      %broadcast_in_dim3A_23 = vector.broadcast %broadcast_in_dim3A : f32 to vector<16xf32>
      %mul3A_24 = arith.constant 16 : i32
      %mul3A_25 = arith.muli %add3A_22, %mul3A_24 : i32
      %swap3A = arith.index_cast %mul3A_25 : i32 to index
      %swap3A_26 = tpu.vector_load %arg46[%swap3A] {strides = array<i32>} : memref<6272xf32, #tpu.memory_space<vmem>>, vector<16xf32>,
      %swap3A_27 = vector.shape_cast %swap3A_26 : vector<16xf32> to vector<16xf32>
      %swap3A_28 = vector.shape_cast %broadcast_in_dim3A_23 : vector<16xf32> to vector<16xf32>
      tpu.vector_store %arg46[%swap3A], %swap3A_28 {strides = array<i32>} : memref<6272xf32, #tpu.memory_space<vmem>>, vector<16xf32>,
    }
    %scan3A_6 = arith.constant 392 : i32
    "tpu.region"() ({
      %run_scoped3A = tpu.sem_alloc : memref<!tpu.dma_semaphore, #tpu.memory_space<semaphore_mem>>
      %dma_start3A = tpu.memref_slice %arg51[%mul3A_2] : memref<100352xf32, #tpu.memory_space<vmem_shared>> -> memref<6272xf32, #tpu.memory_space<vmem_shared>>
      %dma_start3A_18 = tpu.memref_slice %arg51[%mul3A_2] : memref<100352xf32, #tpu.memory_space<vmem_shared>> -> memref<6272xf32, #tpu.memory_space<vmem_shared>>
      tpu.enqueue_dma source(%arg46 : memref<6272xf32, #tpu.memory_space<vmem>>) target(%dma_start3A_18 : memref<6272xf32, #tpu.memory_space<vmem_shared>>) target_semaphore(%run_scoped3A : memref<!tpu.dma_semaphore, #tpu.memory_space<semaphore_mem>>)
      %dma_wait3A = tpu.memref_slice %arg51[%mul3A_2] : memref<100352xf32, #tpu.memory_space<vmem_shared>> -> memref<6272xf32, #tpu.memory_space<vmem_shared>>
      %dma_wait3A_19 = tpu.memref_slice %arg51[%mul3A_2] : memref<100352xf32, #tpu.memory_space<vmem_shared>> -> memref<6272xf32, #tpu.memory_space<vmem_shared>>
      tpu.wait_dma2 semaphore(%run_scoped3A : memref<!tpu.dma_semaphore, #tpu.memory_space<semaphore_mem>>) src(%arg46 : memref<6272xf32, #tpu.memory_space<vmem>>) dst(%dma_wait3A_19 : memref<6272xf32, #tpu.memory_space<vmem_shared>>)
      tpu.yield
    }) : () -> ()
    "tpu.region"() ({
      %run_scoped3A = tpu.sem_alloc : memref<!tpu.dma_semaphore, #tpu.memory_space<semaphore_mem>>
      %dma_start3A = tpu.memref_slice %arg52[%mul3A_2] : memref<100352xf32, #tpu.memory_space<vmem_shared>> -> memref<6272xf32, #tpu.memory_space<vmem_shared>>
      %dma_start3A_18 = tpu.memref_slice %arg52[%mul3A_2] : memref<100352xf32, #tpu.memory_space<vmem_shared>> -> memref<6272xf32, #tpu.memory_space<vmem_shared>>
      tpu.enqueue_dma source(%arg46 : memref<6272xf32, #tpu.memory_space<vmem>>) target(%dma_start3A_18 : memref<6272xf32, #tpu.memory_space<vmem_shared>>) target_semaphore(%run_scoped3A : memref<!tpu.dma_semaphore, #tpu.memory_space<semaphore_mem>>)
      %dma_wait3A = tpu.memref_slice %arg52[%mul3A_2] : memref<100352xf32, #tpu.memory_space<vmem_shared>> -> memref<6272xf32, #tpu.memory_space<vmem_shared>>
      %dma_wait3A_19 = tpu.memref_slice %arg52[%mul3A_2] : memref<100352xf32, #tpu.memory_space<vmem_shared>> -> memref<6272xf32, #tpu.memory_space<vmem_shared>>
      tpu.wait_dma2 semaphore(%run_scoped3A : memref<!tpu.dma_semaphore, #tpu.memory_space<semaphore_mem>>) src(%arg46 : memref<6272xf32, #tpu.memory_space<vmem>>) dst(%dma_wait3A_19 : memref<6272xf32, #tpu.memory_space<vmem_shared>>)
      tpu.yield
    }) : () -> ()
    "tpu.region"() ({
      %run_scoped3A = tpu.sem_alloc : memref<!tpu.dma_semaphore, #tpu.memory_space<semaphore_mem>>
      %dma_start3A = tpu.memref_slice %arg53[%mul3A_2] : memref<100352xf32, #tpu.memory_space<vmem_shared>> -> memref<6272xf32, #tpu.memory_space<vmem_shared>>
      %dma_start3A_18 = tpu.memref_slice %arg53[%mul3A_2] : memref<100352xf32, #tpu.memory_space<vmem_shared>> -> memref<6272xf32, #tpu.memory_space<vmem_shared>>
      tpu.enqueue_dma source(%arg46 : memref<6272xf32, #tpu.memory_space<vmem>>) target(%dma_start3A_18 : memref<6272xf32, #tpu.memory_space<vmem_shared>>) target_semaphore(%run_scoped3A : memref<!tpu.dma_semaphore, #tpu.memory_space<semaphore_mem>>)
      %dma_wait3A = tpu.memref_slice %arg53[%mul3A_2] : memref<100352xf32, #tpu.memory_space<vmem_shared>> -> memref<6272xf32, #tpu.memory_space<vmem_shared>>
      %dma_wait3A_19 = tpu.memref_slice %arg53[%mul3A_2] : memref<100352xf32, #tpu.memory_space<vmem_shared>> -> memref<6272xf32, #tpu.memory_space<vmem_shared>>
      tpu.wait_dma2 semaphore(%run_scoped3A : memref<!tpu.dma_semaphore, #tpu.memory_space<semaphore_mem>>) src(%arg46 : memref<6272xf32, #tpu.memory_space<vmem>>) dst(%dma_wait3A_19 : memref<6272xf32, #tpu.memory_space<vmem_shared>>)
      tpu.yield
    }) : () -> ()
    "tpu.region"() ({
      %run_scoped3A = tpu.sem_alloc : memref<!tpu.dma_semaphore, #tpu.memory_space<semaphore_mem>>
      %dma_start3A = tpu.memref_slice %arg54[%mul3A_2] : memref<100352xf32, #tpu.memory_space<vmem_shared>> -> memref<6272xf32, #tpu.memory_space<vmem_shared>>
      %dma_start3A_18 = tpu.memref_slice %arg54[%mul3A_2] : memref<100352xf32, #tpu.memory_space<vmem_shared>> -> memref<6272xf32, #tpu.memory_space<vmem_shared>>
      tpu.enqueue_dma source(%arg46 : memref<6272xf32, #tpu.memory_space<vmem>>) target(%dma_start3A_18 : memref<6272xf32, #tpu.memory_space<vmem_shared>>) target_semaphore(%run_scoped3A : memref<!tpu.dma_semaphore, #tpu.memory_space<semaphore_mem>>)
      %dma_wait3A = tpu.memref_slice %arg54[%mul3A_2] : memref<100352xf32, #tpu.memory_space<vmem_shared>> -> memref<6272xf32, #tpu.memory_space<vmem_shared>>
      %dma_wait3A_19 = tpu.memref_slice %arg54[%mul3A_2] : memref<100352xf32, #tpu.memory_space<vmem_shared>> -> memref<6272xf32, #tpu.memory_space<vmem_shared>>
      tpu.wait_dma2 semaphore(%run_scoped3A : memref<!tpu.dma_semaphore, #tpu.memory_space<semaphore_mem>>) src(%arg46 : memref<6272xf32, #tpu.memory_space<vmem>>) dst(%dma_wait3A_19 : memref<6272xf32, #tpu.memory_space<vmem_shared>>)
      tpu.yield
    }) : () -> ()
    "tpu.region"() ({
      %run_scoped3A = tpu.sem_alloc : memref<!tpu.dma_semaphore, #tpu.memory_space<semaphore_mem>>
      %dma_start3A = tpu.memref_slice %arg55[%mul3A_2] : memref<100352xf32, #tpu.memory_space<vmem_shared>> -> memref<6272xf32, #tpu.memory_space<vmem_shared>>
      %dma_start3A_18 = tpu.memref_slice %arg55[%mul3A_2] : memref<100352xf32, #tpu.memory_space<vmem_shared>> -> memref<6272xf32, #tpu.memory_space<vmem_shared>>
      tpu.enqueue_dma source(%arg46 : memref<6272xf32, #tpu.memory_space<vmem>>) target(%dma_start3A_18 : memref<6272xf32, #tpu.memory_space<vmem_shared>>) target_semaphore(%run_scoped3A : memref<!tpu.dma_semaphore, #tpu.memory_space<semaphore_mem>>)
      %dma_wait3A = tpu.memref_slice %arg55[%mul3A_2] : memref<100352xf32, #tpu.memory_space<vmem_shared>> -> memref<6272xf32, #tpu.memory_space<vmem_shared>>
      %dma_wait3A_19 = tpu.memref_slice %arg55[%mul3A_2] : memref<100352xf32, #tpu.memory_space<vmem_shared>> -> memref<6272xf32, #tpu.memory_space<vmem_shared>>
      tpu.wait_dma2 semaphore(%run_scoped3A : memref<!tpu.dma_semaphore, #tpu.memory_space<semaphore_mem>>) src(%arg46 : memref<6272xf32, #tpu.memory_space<vmem>>) dst(%dma_wait3A_19 : memref<6272xf32, #tpu.memory_space<vmem_shared>>)
      tpu.yield
    }) : () -> ()
    "tpu.region"() ({
      %run_scoped3A = tpu.sem_alloc : memref<!tpu.dma_semaphore, #tpu.memory_space<semaphore_mem>>
      %dma_start3A = tpu.memref_slice %arg56[%mul3A_2] : memref<100352xf32, #tpu.memory_space<vmem_shared>> -> memref<6272xf32, #tpu.memory_space<vmem_shared>>
      %dma_start3A_18 = tpu.memref_slice %arg56[%mul3A_2] : memref<100352xf32, #tpu.memory_space<vmem_shared>> -> memref<6272xf32, #tpu.memory_space<vmem_shared>>
      tpu.enqueue_dma source(%arg46 : memref<6272xf32, #tpu.memory_space<vmem>>) target(%dma_start3A_18 : memref<6272xf32, #tpu.memory_space<vmem_shared>>) target_semaphore(%run_scoped3A : memref<!tpu.dma_semaphore, #tpu.memory_space<semaphore_mem>>)
      %dma_wait3A = tpu.memref_slice %arg56[%mul3A_2] : memref<100352xf32, #tpu.memory_space<vmem_shared>> -> memref<6272xf32, #tpu.memory_space<vmem_shared>>
      %dma_wait3A_19 = tpu.memref_slice %arg56[%mul3A_2] : memref<100352xf32, #tpu.memory_space<vmem_shared>> -> memref<6272xf32, #tpu.memory_space<vmem_shared>>
      tpu.wait_dma2 semaphore(%run_scoped3A : memref<!tpu.dma_semaphore, #tpu.memory_space<semaphore_mem>>) src(%arg46 : memref<6272xf32, #tpu.memory_space<vmem>>) dst(%dma_wait3A_19 : memref<6272xf32, #tpu.memory_space<vmem_shared>>)
      tpu.yield
    }) : () -> ()
    %barrier3A = arith.constant 0 : index
    tpu.barrier barrier_id(%barrier3A)
    %mul3A_7 = arith.constant 100000 : i32
    %mul3A_8 = arith.muli %add3A, %mul3A_7 : i32
    %scan3A_9 = arith.constant 0 : i32
    %scan3A_10 = arith.constant 50 : i32
    %scan3A_11 = arith.addi %scan3A_9, %scan3A_10 : i32
    %scan3A_12 = arith.constant 1 : i32
    scf.for %scan3A_18 = %scan3A_9 to %scan3A_11 step %scan3A_12  : i32 {
      %mul3A_19 = arith.constant 1 : i32
      %mul3A_20 = arith.muli %scan3A_18, %mul3A_19 : i32
      %add3A_21 = arith.constant 0 : i32
      %add3A_22 = arith.addi %add3A_21, %mul3A_20 : i32
      %mul3A_23 = arith.constant 2000 : i32
      %mul3A_24 = arith.muli %add3A_22, %mul3A_23 : i32
      %add3A_25 = arith.addi %mul3A_8, %mul3A_24 : i32
      %dma_start3A = tpu.memref_slice %arg2[%add3A_25] : memref<3200000xi32, #tpu.memory_space<hbm>> -> memref<2000xi32, #tpu.memory_space<hbm>>
      %dma_start3A_26 = tpu.memref_slice %arg2[%add3A_25] : memref<3200000xi32, #tpu.memory_space<hbm>> -> memref<2000xi32, #tpu.memory_space<hbm>>
      tpu.enqueue_dma source(%dma_start3A_26 : memref<2000xi32, #tpu.memory_space<hbm>>) target(%arg23 : memref<2000xi32, #tpu.memory_space<vmem>>) target_semaphore(%arg57 : memref<!tpu.dma_semaphore, #tpu.memory_space<semaphore_mem>>)
      %dma_start3A_27 = tpu.memref_slice %arg3[%add3A_25] : memref<3200000xi32, #tpu.memory_space<hbm>> -> memref<2000xi32, #tpu.memory_space<hbm>>
      %dma_start3A_28 = tpu.memref_slice %arg3[%add3A_25] : memref<3200000xi32, #tpu.memory_space<hbm>> -> memref<2000xi32, #tpu.memory_space<hbm>>
      tpu.enqueue_dma source(%dma_start3A_28 : memref<2000xi32, #tpu.memory_space<hbm>>) target(%arg24 : memref<2000xi32, #tpu.memory_space<vmem>>) target_semaphore(%arg57 : memref<!tpu.dma_semaphore, #tpu.memory_space<semaphore_mem>>)
      %dma_start3A_29 = tpu.memref_slice %arg4[%add3A_25] : memref<3200000xf32, #tpu.memory_space<hbm>> -> memref<2000xf32, #tpu.memory_space<hbm>>
      %dma_start3A_30 = tpu.memref_slice %arg4[%add3A_25] : memref<3200000xf32, #tpu.memory_space<hbm>> -> memref<2000xf32, #tpu.memory_space<hbm>>
      tpu.enqueue_dma source(%dma_start3A_30 : memref<2000xf32, #tpu.memory_space<hbm>>) target(%arg25 : memref<2000xf32, #tpu.memory_space<vmem>>) target_semaphore(%arg57 : memref<!tpu.dma_semaphore, #tpu.memory_space<semaphore_mem>>)
      %dma_start3A_31 = tpu.memref_slice %arg5[%add3A_25] : memref<3200000xf32, #tpu.memory_space<hbm>> -> memref<2000xf32, #tpu.memory_space<hbm>>
      %dma_start3A_32 = tpu.memref_slice %arg5[%add3A_25] : memref<3200000xf32, #tpu.memory_space<hbm>> -> memref<2000xf32, #tpu.memory_space<hbm>>
      tpu.enqueue_dma source(%dma_start3A_32 : memref<2000xf32, #tpu.memory_space<hbm>>) target(%arg26 : memref<2000xf32, #tpu.memory_space<vmem>>) target_semaphore(%arg57 : memref<!tpu.dma_semaphore, #tpu.memory_space<semaphore_mem>>)
      %dma_start3A_33 = tpu.memref_slice %arg6[%add3A_25] : memref<3200000xf32, #tpu.memory_space<hbm>> -> memref<2000xf32, #tpu.memory_space<hbm>>
      %dma_start3A_34 = tpu.memref_slice %arg6[%add3A_25] : memref<3200000xf32, #tpu.memory_space<hbm>> -> memref<2000xf32, #tpu.memory_space<hbm>>
      tpu.enqueue_dma source(%dma_start3A_34 : memref<2000xf32, #tpu.memory_space<hbm>>) target(%arg27 : memref<2000xf32, #tpu.memory_space<vmem>>) target_semaphore(%arg57 : memref<!tpu.dma_semaphore, #tpu.memory_space<semaphore_mem>>)
      %dma_wait3A = tpu.memref_slice %arg2[%add3A_25] : memref<3200000xi32, #tpu.memory_space<hbm>> -> memref<2000xi32, #tpu.memory_space<hbm>>
      %dma_wait3A_35 = tpu.memref_slice %arg2[%add3A_25] : memref<3200000xi32, #tpu.memory_space<hbm>> -> memref<2000xi32, #tpu.memory_space<hbm>>
      tpu.wait_dma2 semaphore(%arg57 : memref<!tpu.dma_semaphore, #tpu.memory_space<semaphore_mem>>) src(%dma_wait3A_35 : memref<2000xi32, #tpu.memory_space<hbm>>) dst(%arg23 : memref<2000xi32, #tpu.memory_space<vmem>>)
      %dma_wait3A_36 = tpu.memref_slice %arg3[%add3A_25] : memref<3200000xi32, #tpu.memory_space<hbm>> -> memref<2000xi32, #tpu.memory_space<hbm>>
      %dma_wait3A_37 = tpu.memref_slice %arg3[%add3A_25] : memref<3200000xi32, #tpu.memory_space<hbm>> -> memref<2000xi32, #tpu.memory_space<hbm>>
      tpu.wait_dma2 semaphore(%arg57 : memref<!tpu.dma_semaphore, #tpu.memory_space<semaphore_mem>>) src(%dma_wait3A_37 : memref<2000xi32, #tpu.memory_space<hbm>>) dst(%arg24 : memref<2000xi32, #tpu.memory_space<vmem>>)
      %dma_wait3A_38 = tpu.memref_slice %arg4[%add3A_25] : memref<3200000xf32, #tpu.memory_space<hbm>> -> memref<2000xf32, #tpu.memory_space<hbm>>
      %dma_wait3A_39 = tpu.memref_slice %arg4[%add3A_25] : memref<3200000xf32, #tpu.memory_space<hbm>> -> memref<2000xf32, #tpu.memory_space<hbm>>
      tpu.wait_dma2 semaphore(%arg57 : memref<!tpu.dma_semaphore, #tpu.memory_space<semaphore_mem>>) src(%dma_wait3A_39 : memref<2000xf32, #tpu.memory_space<hbm>>) dst(%arg25 : memref<2000xf32, #tpu.memory_space<vmem>>)
      %dma_wait3A_40 = tpu.memref_slice %arg5[%add3A_25] : memref<3200000xf32, #tpu.memory_space<hbm>> -> memref<2000xf32, #tpu.memory_space<hbm>>
      %dma_wait3A_41 = tpu.memref_slice %arg5[%add3A_25] : memref<3200000xf32, #tpu.memory_space<hbm>> -> memref<2000xf32, #tpu.memory_space<hbm>>
      tpu.wait_dma2 semaphore(%arg57 : memref<!tpu.dma_semaphore, #tpu.memory_space<semaphore_mem>>) src(%dma_wait3A_41 : memref<2000xf32, #tpu.memory_space<hbm>>) dst(%arg26 : memref<2000xf32, #tpu.memory_space<vmem>>)
      %dma_wait3A_42 = tpu.memref_slice %arg6[%add3A_25] : memref<3200000xf32, #tpu.memory_space<hbm>> -> memref<2000xf32, #tpu.memory_space<hbm>>
      %dma_wait3A_43 = tpu.memref_slice %arg6[%add3A_25] : memref<3200000xf32, #tpu.memory_space<hbm>> -> memref<2000xf32, #tpu.memory_space<hbm>>
      tpu.wait_dma2 semaphore(%arg57 : memref<!tpu.dma_semaphore, #tpu.memory_space<semaphore_mem>>) src(%dma_wait3A_43 : memref<2000xf32, #tpu.memory_space<hbm>>) dst(%arg27 : memref<2000xf32, #tpu.memory_space<vmem>>)
      %dma_start3A_44 = arith.constant 0 : i32
      %dma_start3A_45 = tpu.memref_slice %arg47[%dma_start3A_44] : memref<100352xf32, #tpu.memory_space<vmem_shared>> -> memref<100352xf32, #tpu.memory_space<vmem_shared>>
      tpu.enqueue_indirect_dma source(%dma_start3A_45 : memref<100352xf32, #tpu.memory_space<vmem_shared>>) target(%arg28 : memref<2000xf32, #tpu.memory_space<vmem>>) offsets(%arg23 : memref<2000xi32, #tpu.memory_space<vmem>>) semaphore(%arg57 : memref<!tpu.dma_semaphore, #tpu.memory_space<semaphore_mem>>)
      %dma_start3A_46 = arith.constant 0 : i32
      %dma_start3A_47 = tpu.memref_slice %arg48[%dma_start3A_46] : memref<100352xf32, #tpu.memory_space<vmem_shared>> -> memref<100352xf32, #tpu.memory_space<vmem_shared>>
      tpu.enqueue_indirect_dma source(%dma_start3A_47 : memref<100352xf32, #tpu.memory_space<vmem_shared>>) target(%arg29 : memref<2000xf32, #tpu.memory_space<vmem>>) offsets(%arg23 : memref<2000xi32, #tpu.memory_space<vmem>>) semaphore(%arg57 : memref<!tpu.dma_semaphore, #tpu.memory_space<semaphore_mem>>)
      %dma_start3A_48 = arith.constant 0 : i32
      %dma_start3A_49 = tpu.memref_slice %arg47[%dma_start3A_48] : memref<100352xf32, #tpu.memory_space<vmem_shared>> -> memref<100352xf32, #tpu.memory_space<vmem_shared>>
      tpu.enqueue_indirect_dma source(%dma_start3A_49 : memref<100352xf32, #tpu.memory_space<vmem_shared>>) target(%arg30 : memref<2000xf32, #tpu.memory_space<vmem>>) offsets(%arg24 : memref<2000xi32, #tpu.memory_space<vmem>>) semaphore(%arg57 : memref<!tpu.dma_semaphore, #tpu.memory_space<semaphore_mem>>)
      %dma_start3A_50 = arith.constant 0 : i32
      %dma_start3A_51 = tpu.memref_slice %arg48[%dma_start3A_50] : memref<100352xf32, #tpu.memory_space<vmem_shared>> -> memref<100352xf32, #tpu.memory_space<vmem_shared>>
      tpu.enqueue_indirect_dma source(%dma_start3A_51 : memref<100352xf32, #tpu.memory_space<vmem_shared>>) target(%arg31 : memref<2000xf32, #tpu.memory_space<vmem>>) offsets(%arg24 : memref<2000xi32, #tpu.memory_space<vmem>>) semaphore(%arg57 : memref<!tpu.dma_semaphore, #tpu.memory_space<semaphore_mem>>)
      %dma_start3A_52 = arith.constant 0 : i32
      %dma_start3A_53 = tpu.memref_slice %arg50[%dma_start3A_52] : memref<100352xf32, #tpu.memory_space<vmem_shared>> -> memref<100352xf32, #tpu.memory_space<vmem_shared>>
      tpu.enqueue_indirect_dma source(%dma_start3A_53 : memref<100352xf32, #tpu.memory_space<vmem_shared>>) target(%arg32 : memref<2000xf32, #tpu.memory_space<vmem>>) offsets(%arg23 : memref<2000xi32, #tpu.memory_space<vmem>>) semaphore(%arg57 : memref<!tpu.dma_semaphore, #tpu.memory_space<semaphore_mem>>)
      %dma_start3A_54 = arith.constant 0 : i32
      %dma_start3A_55 = tpu.memref_slice %arg50[%dma_start3A_54] : memref<100352xf32, #tpu.memory_space<vmem_shared>> -> memref<100352xf32, #tpu.memory_space<vmem_shared>>
      tpu.enqueue_indirect_dma source(%dma_start3A_55 : memref<100352xf32, #tpu.memory_space<vmem_shared>>) target(%arg33 : memref<2000xf32, #tpu.memory_space<vmem>>) offsets(%arg24 : memref<2000xi32, #tpu.memory_space<vmem>>) semaphore(%arg57 : memref<!tpu.dma_semaphore, #tpu.memory_space<semaphore_mem>>)
      %dma_start3A_56 = arith.constant 0 : i32
      %dma_start3A_57 = tpu.memref_slice %arg49[%dma_start3A_56] : memref<100352xf32, #tpu.memory_space<vmem_shared>> -> memref<100352xf32, #tpu.memory_space<vmem_shared>>
      tpu.enqueue_indirect_dma source(%dma_start3A_57 : memref<100352xf32, #tpu.memory_space<vmem_shared>>) target(%arg34 : memref<2000xf32, #tpu.memory_space<vmem>>) offsets(%arg24 : memref<2000xi32, #tpu.memory_space<vmem>>) semaphore(%arg57 : memref<!tpu.dma_semaphore, #tpu.memory_space<semaphore_mem>>)
      %dma_wait3A_58 = arith.constant 0 : i32
      %dma_wait3A_59 = tpu.memref_slice %arg47[%dma_wait3A_58] : memref<100352xf32, #tpu.memory_space<vmem_shared>> -> memref<100352xf32, #tpu.memory_space<vmem_shared>>
      tpu.wait_indirect_dma semaphore(%arg57 : memref<!tpu.dma_semaphore, #tpu.memory_space<semaphore_mem>>) src(%dma_wait3A_59 : memref<100352xf32, #tpu.memory_space<vmem_shared>>) dst(%arg28 : memref<2000xf32, #tpu.memory_space<vmem>>)
      %dma_wait3A_60 = arith.constant 0 : i32
      %dma_wait3A_61 = tpu.memref_slice %arg48[%dma_wait3A_60] : memref<100352xf32, #tpu.memory_space<vmem_shared>> -> memref<100352xf32, #tpu.memory_space<vmem_shared>>
      tpu.wait_indirect_dma semaphore(%arg57 : memref<!tpu.dma_semaphore, #tpu.memory_space<semaphore_mem>>) src(%dma_wait3A_61 : memref<100352xf32, #tpu.memory_space<vmem_shared>>) dst(%arg29 : memref<2000xf32, #tpu.memory_space<vmem>>)
      %dma_wait3A_62 = arith.constant 0 : i32
      %dma_wait3A_63 = tpu.memref_slice %arg47[%dma_wait3A_62] : memref<100352xf32, #tpu.memory_space<vmem_shared>> -> memref<100352xf32, #tpu.memory_space<vmem_shared>>
      tpu.wait_indirect_dma semaphore(%arg57 : memref<!tpu.dma_semaphore, #tpu.memory_space<semaphore_mem>>) src(%dma_wait3A_63 : memref<100352xf32, #tpu.memory_space<vmem_shared>>) dst(%arg30 : memref<2000xf32, #tpu.memory_space<vmem>>)
      %dma_wait3A_64 = arith.constant 0 : i32
      %dma_wait3A_65 = tpu.memref_slice %arg48[%dma_wait3A_64] : memref<100352xf32, #tpu.memory_space<vmem_shared>> -> memref<100352xf32, #tpu.memory_space<vmem_shared>>
      tpu.wait_indirect_dma semaphore(%arg57 : memref<!tpu.dma_semaphore, #tpu.memory_space<semaphore_mem>>) src(%dma_wait3A_65 : memref<100352xf32, #tpu.memory_space<vmem_shared>>) dst(%arg31 : memref<2000xf32, #tpu.memory_space<vmem>>)
      %dma_wait3A_66 = arith.constant 0 : i32
      %dma_wait3A_67 = tpu.memref_slice %arg50[%dma_wait3A_66] : memref<100352xf32, #tpu.memory_space<vmem_shared>> -> memref<100352xf32, #tpu.memory_space<vmem_shared>>
      tpu.wait_indirect_dma semaphore(%arg57 : memref<!tpu.dma_semaphore, #tpu.memory_space<semaphore_mem>>) src(%dma_wait3A_67 : memref<100352xf32, #tpu.memory_space<vmem_shared>>) dst(%arg32 : memref<2000xf32, #tpu.memory_space<vmem>>)
      %dma_wait3A_68 = arith.constant 0 : i32
      %dma_wait3A_69 = tpu.memref_slice %arg50[%dma_wait3A_68] : memref<100352xf32, #tpu.memory_space<vmem_shared>> -> memref<100352xf32, #tpu.memory_space<vmem_shared>>
      tpu.wait_indirect_dma semaphore(%arg57 : memref<!tpu.dma_semaphore, #tpu.memory_space<semaphore_mem>>) src(%dma_wait3A_69 : memref<100352xf32, #tpu.memory_space<vmem_shared>>) dst(%arg33 : memref<2000xf32, #tpu.memory_space<vmem>>)
      %dma_wait3A_70 = arith.constant 0 : i32
      %dma_wait3A_71 = tpu.memref_slice %arg49[%dma_wait3A_70] : memref<100352xf32, #tpu.memory_space<vmem_shared>> -> memref<100352xf32, #tpu.memory_space<vmem_shared>>
      tpu.wait_indirect_dma semaphore(%arg57 : memref<!tpu.dma_semaphore, #tpu.memory_space<semaphore_mem>>) src(%dma_wait3A_71 : memref<100352xf32, #tpu.memory_space<vmem_shared>>) dst(%arg34 : memref<2000xf32, #tpu.memory_space<vmem>>)
      %scan3A_72 = arith.constant 0 : i32
      %scan3A_73 = arith.constant 125 : i32
      %scan3A_74 = arith.addi %scan3A_72, %scan3A_73 : i32
      %scan3A_75 = arith.constant 1 : i32
      scf.for %scan3A_125 = %scan3A_72 to %scan3A_74 step %scan3A_75  : i32 {
        %mul3A_126 = arith.constant 1 : i32
        %mul3A_127 = arith.muli %scan3A_125, %mul3A_126 : i32
        %add3A_128 = arith.constant 0 : i32
        %add3A_129 = arith.addi %add3A_128, %mul3A_127 : i32
        %mul3A_130 = arith.constant 16 : i32
        %mul3A_131 = arith.muli %add3A_129, %mul3A_130 : i32
        %get3A = arith.index_cast %mul3A_131 : i32 to index
        %get3A_132 = tpu.vector_load %arg27[%get3A] {strides = array<i32>} : memref<2000xf32, #tpu.memory_space<vmem>>, vector<16xf32>,
        %get3A_133 = vector.shape_cast %get3A_132 : vector<16xf32> to vector<16xf32>
        %sub3A = arith.constant 1.000000e+00 : f32
        %sub3A_134 = vector.broadcast %sub3A : f32 to vector<16xf32>
        %sub3A_135 = arith.subf %sub3A_134, %get3A_133 : vector<16xf32>
        %mul3A_136 = arith.constant -2.000000e+01 : f32
        %mul3A_137 = vector.broadcast %mul3A_136 : f32 to vector<16xf32>
        %mul3A_138 = arith.mulf %mul3A_137, %get3A_133 : vector<16xf32>
        %mul3A_139 = arith.mulf %sub3A_135, %sub3A_135 : vector<16xf32>
        %mul3A_140 = arith.mulf %mul3A_139, %sub3A_135 : vector<16xf32>
        %mul3A_141 = arith.mulf %mul3A_138, %mul3A_140 : vector<16xf32>
        %mul3A_142 = arith.constant 142602.828 : f32
        %mul3A_143 = vector.broadcast %mul3A_142 : f32 to vector<16xf32>
        %mul3A_144 = arith.mulf %mul3A_143, %mul3A_141 : vector<16xf32>
        %get3A_145 = arith.index_cast %mul3A_131 : i32 to index
        %get3A_146 = tpu.vector_load %arg25[%get3A_145] {strides = array<i32>} : memref<2000xf32, #tpu.memory_space<vmem>>, vector<16xf32>,
        %get3A_147 = vector.shape_cast %get3A_146 : vector<16xf32> to vector<16xf32>
        %mul3A_148 = arith.mulf %mul3A_144, %get3A_147 : vector<16xf32>
        %get3A_149 = arith.index_cast %mul3A_131 : i32 to index
        %get3A_150 = tpu.vector_load %arg26[%get3A_149] {strides = array<i32>} : memref<2000xf32, #tpu.memory_space<vmem>>, vector<16xf32>,
        %get3A_151 = vector.shape_cast %get3A_150 : vector<16xf32> to vector<16xf32>
        %mul3A_152 = arith.mulf %mul3A_144, %get3A_151 : vector<16xf32>
        %get3A_153 = arith.index_cast %mul3A_131 : i32 to index
        %get3A_154 = tpu.vector_load %arg30[%get3A_153] {strides = array<i32>} : memref<2000xf32, #tpu.memory_space<vmem>>, vector<16xf32>,
        %get3A_155 = vector.shape_cast %get3A_154 : vector<16xf32> to vector<16xf32>
        %get3A_156 = arith.index_cast %mul3A_131 : i32 to index
        %get3A_157 = tpu.vector_load %arg28[%get3A_156] {strides = array<i32>} : memref<2000xf32, #tpu.memory_space<vmem>>, vector<16xf32>,
        %get3A_158 = vector.shape_cast %get3A_157 : vector<16xf32> to vector<16xf32>
        %sub3A_159 = arith.subf %get3A_155, %get3A_158 : vector<16xf32>
        %get3A_160 = arith.index_cast %mul3A_131 : i32 to index
        %get3A_161 = tpu.vector_load %arg31[%get3A_160] {strides = array<i32>} : memref<2000xf32, #tpu.memory_space<vmem>>, vector<16xf32>,
        %get3A_162 = vector.shape_cast %get3A_161 : vector<16xf32> to vector<16xf32>
        %get3A_163 = arith.index_cast %mul3A_131 : i32 to index
        %get3A_164 = tpu.vector_load %arg29[%get3A_163] {strides = array<i32>} : memref<2000xf32, #tpu.memory_space<vmem>>, vector<16xf32>,
        %get3A_165 = vector.shape_cast %get3A_164 : vector<16xf32> to vector<16xf32>
        %sub3A_166 = arith.subf %get3A_162, %get3A_165 : vector<16xf32>
        %get3A_167 = arith.index_cast %mul3A_131 : i32 to index
        %get3A_168 = tpu.vector_load %arg34[%get3A_167] {strides = array<i32>} : memref<2000xf32, #tpu.memory_space<vmem>>, vector<16xf32>,
        %get3A_169 = vector.shape_cast %get3A_168 : vector<16xf32> to vector<16xf32>
        %get3A_170 = arith.index_cast %mul3A_131 : i32 to index
        %get3A_171 = tpu.vector_load %arg33[%get3A_170] {strides = array<i32>} : memref<2000xf32, #tpu.memory_space<vmem>>, vector<16xf32>,
        %get3A_172 = vector.shape_cast %get3A_171 : vector<16xf32> to vector<16xf32>
        %mul3A_173 = arith.constant 1.000000e+03 : f32
        %mul3A_174 = vector.broadcast %mul3A_173 : f32 to vector<16xf32>
        %mul3A_175 = arith.mulf %get3A_172, %mul3A_174 : vector<16xf32>
        %get3A_176 = arith.index_cast %mul3A_131 : i32 to index
        %get3A_177 = tpu.vector_load %arg32[%get3A_176] {strides = array<i32>} : memref<2000xf32, #tpu.memory_space<vmem>>, vector<16xf32>,
        %get3A_178 = vector.shape_cast %get3A_177 : vector<16xf32> to vector<16xf32>
        %mul3A_179 = arith.constant 1.000000e+03 : f32
        %mul3A_180 = vector.broadcast %mul3A_179 : f32 to vector<16xf32>
        %mul3A_181 = arith.mulf %get3A_178, %mul3A_180 : vector<16xf32>
        %sub3A_182 = arith.subf %mul3A_175, %mul3A_181 : vector<16xf32>
        %mul3A_183 = arith.mulf %sub3A_182, %get3A_169 : vector<16xf32>
        %mul3A_184 = arith.constant 2.000000e+00 : f32
        %mul3A_185 = vector.broadcast %mul3A_184 : f32 to vector<16xf32>
        %mul3A_186 = arith.mulf %mul3A_183, %mul3A_185 : vector<16xf32>
        %mul3A_187 = arith.mulf %sub3A_159, %mul3A_148 : vector<16xf32>
        %mul3A_188 = arith.mulf %mul3A_187, %get3A_169 : vector<16xf32>
        %swap3A = arith.index_cast %mul3A_131 : i32 to index
        %swap3A_189 = tpu.vector_load %arg35[%swap3A] {strides = array<i32>} : memref<2000xf32, #tpu.memory_space<vmem>>, vector<16xf32>,
        %swap3A_190 = vector.shape_cast %swap3A_189 : vector<16xf32> to vector<16xf32>
        %swap3A_191 = vector.shape_cast %mul3A_188 : vector<16xf32> to vector<16xf32>
        tpu.vector_store %arg35[%swap3A], %swap3A_191 {strides = array<i32>} : memref<2000xf32, #tpu.memory_space<vmem>>, vector<16xf32>,
        %mul3A_192 = arith.mulf %sub3A_159, %mul3A_152 : vector<16xf32>
        %mul3A_193 = arith.mulf %mul3A_192, %get3A_169 : vector<16xf32>
        %swap3A_194 = arith.index_cast %mul3A_131 : i32 to index
        %swap3A_195 = tpu.vector_load %arg36[%swap3A_194] {strides = array<i32>} : memref<2000xf32, #tpu.memory_space<vmem>>, vector<16xf32>,
        %swap3A_196 = vector.shape_cast %swap3A_195 : vector<16xf32> to vector<16xf32>
        %swap3A_197 = vector.shape_cast %mul3A_193 : vector<16xf32> to vector<16xf32>
        tpu.vector_store %arg36[%swap3A_194], %swap3A_197 {strides = array<i32>} : memref<2000xf32, #tpu.memory_space<vmem>>, vector<16xf32>,
        %mul3A_198 = arith.mulf %sub3A_166, %mul3A_148 : vector<16xf32>
        %mul3A_199 = arith.mulf %mul3A_198, %get3A_169 : vector<16xf32>
        %swap3A_200 = arith.index_cast %mul3A_131 : i32 to index
        %swap3A_201 = tpu.vector_load %arg37[%swap3A_200] {strides = array<i32>} : memref<2000xf32, #tpu.memory_space<vmem>>, vector<16xf32>,
        %swap3A_202 = vector.shape_cast %swap3A_201 : vector<16xf32> to vector<16xf32>
        %swap3A_203 = vector.shape_cast %mul3A_199 : vector<16xf32> to vector<16xf32>
        tpu.vector_store %arg37[%swap3A_200], %swap3A_203 {strides = array<i32>} : memref<2000xf32, #tpu.memory_space<vmem>>, vector<16xf32>,
        %mul3A_204 = arith.mulf %sub3A_166, %mul3A_152 : vector<16xf32>
        %mul3A_205 = arith.mulf %mul3A_204, %get3A_169 : vector<16xf32>
        %swap3A_206 = arith.index_cast %mul3A_131 : i32 to index
        %swap3A_207 = tpu.vector_load %arg38[%swap3A_206] {strides = array<i32>} : memref<2000xf32, #tpu.memory_space<vmem>>, vector<16xf32>,
        %swap3A_208 = vector.shape_cast %swap3A_207 : vector<16xf32> to vector<16xf32>
        %swap3A_209 = vector.shape_cast %mul3A_205 : vector<16xf32> to vector<16xf32>
        tpu.vector_store %arg38[%swap3A_206], %swap3A_209 {strides = array<i32>} : memref<2000xf32, #tpu.memory_space<vmem>>, vector<16xf32>,
        %mul3A_210 = arith.mulf %mul3A_186, %mul3A_148 : vector<16xf32>
        %swap3A_211 = arith.index_cast %mul3A_131 : i32 to index
        %swap3A_212 = tpu.vector_load %arg39[%swap3A_211] {strides = array<i32>} : memref<2000xf32, #tpu.memory_space<vmem>>, vector<16xf32>,
        %swap3A_213 = vector.shape_cast %swap3A_212 : vector<16xf32> to vector<16xf32>
        %swap3A_214 = vector.shape_cast %mul3A_210 : vector<16xf32> to vector<16xf32>
        tpu.vector_store %arg39[%swap3A_211], %swap3A_214 {strides = array<i32>} : memref<2000xf32, #tpu.memory_space<vmem>>, vector<16xf32>,
        %mul3A_215 = arith.mulf %mul3A_186, %mul3A_152 : vector<16xf32>
        %swap3A_216 = arith.index_cast %mul3A_131 : i32 to index
        %swap3A_217 = tpu.vector_load %arg40[%swap3A_216] {strides = array<i32>} : memref<2000xf32, #tpu.memory_space<vmem>>, vector<16xf32>,
        %swap3A_218 = vector.shape_cast %swap3A_217 : vector<16xf32> to vector<16xf32>
        %swap3A_219 = vector.shape_cast %mul3A_215 : vector<16xf32> to vector<16xf32>
        tpu.vector_store %arg40[%swap3A_216], %swap3A_219 {strides = array<i32>} : memref<2000xf32, #tpu.memory_space<vmem>>, vector<16xf32>,
        %swap3A_220 = arith.index_cast %mul3A_131 : i32 to index
        %swap3A_221 = tpu.vector_load %arg41[%swap3A_220] {strides = array<i32>} : memref<2000xf32, #tpu.memory_space<vmem>>, vector<16xf32>,
        %swap3A_222 = vector.shape_cast %swap3A_221 : vector<16xf32> to vector<16xf32>
        %swap3A_223 = vector.shape_cast %mul3A_148 : vector<16xf32> to vector<16xf32>
        tpu.vector_store %arg41[%swap3A_220], %swap3A_223 {strides = array<i32>} : memref<2000xf32, #tpu.memory_space<vmem>>, vector<16xf32>,
        %swap3A_224 = arith.index_cast %mul3A_131 : i32 to index
        %swap3A_225 = tpu.vector_load %arg42[%swap3A_224] {strides = array<i32>} : memref<2000xf32, #tpu.memory_space<vmem>>, vector<16xf32>,
        %swap3A_226 = vector.shape_cast %swap3A_225 : vector<16xf32> to vector<16xf32>
        %swap3A_227 = vector.shape_cast %mul3A_152 : vector<16xf32> to vector<16xf32>
        tpu.vector_store %arg42[%swap3A_224], %swap3A_227 {strides = array<i32>} : memref<2000xf32, #tpu.memory_space<vmem>>, vector<16xf32>,
        %swap3A_228 = arith.index_cast %mul3A_131 : i32 to index
        %swap3A_229 = tpu.vector_load %arg43[%swap3A_228] {strides = array<i32>} : memref<2000xf32, #tpu.memory_space<vmem>>, vector<16xf32>,
        %swap3A_230 = vector.shape_cast %swap3A_229 : vector<16xf32> to vector<16xf32>
        %swap3A_231 = vector.shape_cast %sub3A_159 : vector<16xf32> to vector<16xf32>
        tpu.vector_store %arg43[%swap3A_228], %swap3A_231 {strides = array<i32>} : memref<2000xf32, #tpu.memory_space<vmem>>, vector<16xf32>,
        %swap3A_232 = arith.index_cast %mul3A_131 : i32 to index
        %swap3A_233 = tpu.vector_load %arg44[%swap3A_232] {strides = array<i32>} : memref<2000xf32, #tpu.memory_space<vmem>>, vector<16xf32>,
        %swap3A_234 = vector.shape_cast %swap3A_233 : vector<16xf32> to vector<16xf32>
        %swap3A_235 = vector.shape_cast %sub3A_166 : vector<16xf32> to vector<16xf32>
        tpu.vector_store %arg44[%swap3A_232], %swap3A_235 {strides = array<i32>} : memref<2000xf32, #tpu.memory_space<vmem>>, vector<16xf32>,
        %swap3A_236 = arith.index_cast %mul3A_131 : i32 to index
        %swap3A_237 = tpu.vector_load %arg45[%swap3A_236] {strides = array<i32>} : memref<2000xf32, #tpu.memory_space<vmem>>, vector<16xf32>,
        %swap3A_238 = vector.shape_cast %swap3A_237 : vector<16xf32> to vector<16xf32>
        %swap3A_239 = vector.shape_cast %mul3A_186 : vector<16xf32> to vector<16xf32>
        tpu.vector_store %arg45[%swap3A_236], %swap3A_239 {strides = array<i32>} : memref<2000xf32, #tpu.memory_space<vmem>>, vector<16xf32>,
      }
      %scan3A_76 = arith.constant 125 : i32
      %dma_start3A_77 = tpu.memref_slice %arg17[%add3A_25] : memref<3200000xf32, #tpu.memory_space<hbm>> -> memref<2000xf32, #tpu.memory_space<hbm>>
      %dma_start3A_78 = tpu.memref_slice %arg17[%add3A_25] : memref<3200000xf32, #tpu.memory_space<hbm>> -> memref<2000xf32, #tpu.memory_space<hbm>>
      tpu.enqueue_dma source(%arg41 : memref<2000xf32, #tpu.memory_space<vmem>>) target(%dma_start3A_78 : memref<2000xf32, #tpu.memory_space<hbm>>) target_semaphore(%arg58 : memref<!tpu.dma_semaphore, #tpu.memory_space<semaphore_mem>>)
      %dma_start3A_79 = tpu.memref_slice %arg18[%add3A_25] : memref<3200000xf32, #tpu.memory_space<hbm>> -> memref<2000xf32, #tpu.memory_space<hbm>>
      %dma_start3A_80 = tpu.memref_slice %arg18[%add3A_25] : memref<3200000xf32, #tpu.memory_space<hbm>> -> memref<2000xf32, #tpu.memory_space<hbm>>
      tpu.enqueue_dma source(%arg42 : memref<2000xf32, #tpu.memory_space<vmem>>) target(%dma_start3A_80 : memref<2000xf32, #tpu.memory_space<hbm>>) target_semaphore(%arg58 : memref<!tpu.dma_semaphore, #tpu.memory_space<semaphore_mem>>)
      %dma_start3A_81 = tpu.memref_slice %arg19[%add3A_25] : memref<3200000xf32, #tpu.memory_space<hbm>> -> memref<2000xf32, #tpu.memory_space<hbm>>
      %dma_start3A_82 = tpu.memref_slice %arg19[%add3A_25] : memref<3200000xf32, #tpu.memory_space<hbm>> -> memref<2000xf32, #tpu.memory_space<hbm>>
      tpu.enqueue_dma source(%arg43 : memref<2000xf32, #tpu.memory_space<vmem>>) target(%dma_start3A_82 : memref<2000xf32, #tpu.memory_space<hbm>>) target_semaphore(%arg58 : memref<!tpu.dma_semaphore, #tpu.memory_space<semaphore_mem>>)
      %dma_start3A_83 = tpu.memref_slice %arg20[%add3A_25] : memref<3200000xf32, #tpu.memory_space<hbm>> -> memref<2000xf32, #tpu.memory_space<hbm>>
      %dma_start3A_84 = tpu.memref_slice %arg20[%add3A_25] : memref<3200000xf32, #tpu.memory_space<hbm>> -> memref<2000xf32, #tpu.memory_space<hbm>>
      tpu.enqueue_dma source(%arg44 : memref<2000xf32, #tpu.memory_space<vmem>>) target(%dma_start3A_84 : memref<2000xf32, #tpu.memory_space<hbm>>) target_semaphore(%arg58 : memref<!tpu.dma_semaphore, #tpu.memory_space<semaphore_mem>>)
      %dma_start3A_85 = tpu.memref_slice %arg21[%add3A_25] : memref<3200000xf32, #tpu.memory_space<hbm>> -> memref<2000xf32, #tpu.memory_space<hbm>>
      %dma_start3A_86 = tpu.memref_slice %arg21[%add3A_25] : memref<3200000xf32, #tpu.memory_space<hbm>> -> memref<2000xf32, #tpu.memory_space<hbm>>
      tpu.enqueue_dma source(%arg45 : memref<2000xf32, #tpu.memory_space<vmem>>) target(%dma_start3A_86 : memref<2000xf32, #tpu.memory_space<hbm>>) target_semaphore(%arg58 : memref<!tpu.dma_semaphore, #tpu.memory_space<semaphore_mem>>)
      %dma_start3A_87 = tpu.memref_slice %arg22[%add3A_25] : memref<3200000xf32, #tpu.memory_space<hbm>> -> memref<2000xf32, #tpu.memory_space<hbm>>
      %dma_start3A_88 = tpu.memref_slice %arg22[%add3A_25] : memref<3200000xf32, #tpu.memory_space<hbm>> -> memref<2000xf32, #tpu.memory_space<hbm>>
      tpu.enqueue_dma source(%arg34 : memref<2000xf32, #tpu.memory_space<vmem>>) target(%dma_start3A_88 : memref<2000xf32, #tpu.memory_space<hbm>>) target_semaphore(%arg58 : memref<!tpu.dma_semaphore, #tpu.memory_space<semaphore_mem>>)
      %dma_wait3A_89 = tpu.memref_slice %arg17[%add3A_25] : memref<3200000xf32, #tpu.memory_space<hbm>> -> memref<2000xf32, #tpu.memory_space<hbm>>
      %dma_wait3A_90 = tpu.memref_slice %arg17[%add3A_25] : memref<3200000xf32, #tpu.memory_space<hbm>> -> memref<2000xf32, #tpu.memory_space<hbm>>
      tpu.wait_dma2 semaphore(%arg58 : memref<!tpu.dma_semaphore, #tpu.memory_space<semaphore_mem>>) src(%arg41 : memref<2000xf32, #tpu.memory_space<vmem>>) dst(%dma_wait3A_90 : memref<2000xf32, #tpu.memory_space<hbm>>)
      %dma_wait3A_91 = tpu.memref_slice %arg18[%add3A_25] : memref<3200000xf32, #tpu.memory_space<hbm>> -> memref<2000xf32, #tpu.memory_space<hbm>>
      %dma_wait3A_92 = tpu.memref_slice %arg18[%add3A_25] : memref<3200000xf32, #tpu.memory_space<hbm>> -> memref<2000xf32, #tpu.memory_space<hbm>>
      tpu.wait_dma2 semaphore(%arg58 : memref<!tpu.dma_semaphore, #tpu.memory_space<semaphore_mem>>) src(%arg42 : memref<2000xf32, #tpu.memory_space<vmem>>) dst(%dma_wait3A_92 : memref<2000xf32, #tpu.memory_space<hbm>>)
      %dma_wait3A_93 = tpu.memref_slice %arg19[%add3A_25] : memref<3200000xf32, #tpu.memory_space<hbm>> -> memref<2000xf32, #tpu.memory_space<hbm>>
      %dma_wait3A_94 = tpu.memref_slice %arg19[%add3A_25] : memref<3200000xf32, #tpu.memory_space<hbm>> -> memref<2000xf32, #tpu.memory_space<hbm>>
      tpu.wait_dma2 semaphore(%arg58 : memref<!tpu.dma_semaphore, #tpu.memory_space<semaphore_mem>>) src(%arg43 : memref<2000xf32, #tpu.memory_space<vmem>>) dst(%dma_wait3A_94 : memref<2000xf32, #tpu.memory_space<hbm>>)
      %dma_wait3A_95 = tpu.memref_slice %arg20[%add3A_25] : memref<3200000xf32, #tpu.memory_space<hbm>> -> memref<2000xf32, #tpu.memory_space<hbm>>
      %dma_wait3A_96 = tpu.memref_slice %arg20[%add3A_25] : memref<3200000xf32, #tpu.memory_space<hbm>> -> memref<2000xf32, #tpu.memory_space<hbm>>
      tpu.wait_dma2 semaphore(%arg58 : memref<!tpu.dma_semaphore, #tpu.memory_space<semaphore_mem>>) src(%arg44 : memref<2000xf32, #tpu.memory_space<vmem>>) dst(%dma_wait3A_96 : memref<2000xf32, #tpu.memory_space<hbm>>)
      %dma_wait3A_97 = tpu.memref_slice %arg21[%add3A_25] : memref<3200000xf32, #tpu.memory_space<hbm>> -> memref<2000xf32, #tpu.memory_space<hbm>>
      %dma_wait3A_98 = tpu.memref_slice %arg21[%add3A_25] : memref<3200000xf32, #tpu.memory_space<hbm>> -> memref<2000xf32, #tpu.memory_space<hbm>>
      tpu.wait_dma2 semaphore(%arg58 : memref<!tpu.dma_semaphore, #tpu.memory_space<semaphore_mem>>) src(%arg45 : memref<2000xf32, #tpu.memory_space<vmem>>) dst(%dma_wait3A_98 : memref<2000xf32, #tpu.memory_space<hbm>>)
      %dma_wait3A_99 = tpu.memref_slice %arg22[%add3A_25] : memref<3200000xf32, #tpu.memory_space<hbm>> -> memref<2000xf32, #tpu.memory_space<hbm>>
      %dma_wait3A_100 = tpu.memref_slice %arg22[%add3A_25] : memref<3200000xf32, #tpu.memory_space<hbm>> -> memref<2000xf32, #tpu.memory_space<hbm>>
      tpu.wait_dma2 semaphore(%arg58 : memref<!tpu.dma_semaphore, #tpu.memory_space<semaphore_mem>>) src(%arg34 : memref<2000xf32, #tpu.memory_space<vmem>>) dst(%dma_wait3A_100 : memref<2000xf32, #tpu.memory_space<hbm>>)
      %dma_start3A_101 = arith.constant 0 : i32
      %dma_start3A_102 = tpu.memref_slice %arg51[%dma_start3A_101] : memref<100352xf32, #tpu.memory_space<vmem_shared>> -> memref<100352xf32, #tpu.memory_space<vmem_shared>>
      tpu.enqueue_indirect_dma source(%arg35 : memref<2000xf32, #tpu.memory_space<vmem>>) target(%dma_start3A_102 : memref<100352xf32, #tpu.memory_space<vmem_shared>>) offsets(%arg23 : memref<2000xi32, #tpu.memory_space<vmem>>) semaphore(%arg57 : memref<!tpu.dma_semaphore, #tpu.memory_space<semaphore_mem>>) {add = true}
      %dma_start3A_103 = arith.constant 0 : i32
      %dma_start3A_104 = tpu.memref_slice %arg52[%dma_start3A_103] : memref<100352xf32, #tpu.memory_space<vmem_shared>> -> memref<100352xf32, #tpu.memory_space<vmem_shared>>
      tpu.enqueue_indirect_dma source(%arg36 : memref<2000xf32, #tpu.memory_space<vmem>>) target(%dma_start3A_104 : memref<100352xf32, #tpu.memory_space<vmem_shared>>) offsets(%arg23 : memref<2000xi32, #tpu.memory_space<vmem>>) semaphore(%arg57 : memref<!tpu.dma_semaphore, #tpu.memory_space<semaphore_mem>>) {add = true}
      %dma_start3A_105 = arith.constant 0 : i32
      %dma_start3A_106 = tpu.memref_slice %arg53[%dma_start3A_105] : memref<100352xf32, #tpu.memory_space<vmem_shared>> -> memref<100352xf32, #tpu.memory_space<vmem_shared>>
      tpu.enqueue_indirect_dma source(%arg37 : memref<2000xf32, #tpu.memory_space<vmem>>) target(%dma_start3A_106 : memref<100352xf32, #tpu.memory_space<vmem_shared>>) offsets(%arg23 : memref<2000xi32, #tpu.memory_space<vmem>>) semaphore(%arg57 : memref<!tpu.dma_semaphore, #tpu.memory_space<semaphore_mem>>) {add = true}
      %dma_start3A_107 = arith.constant 0 : i32
      %dma_start3A_108 = tpu.memref_slice %arg54[%dma_start3A_107] : memref<100352xf32, #tpu.memory_space<vmem_shared>> -> memref<100352xf32, #tpu.memory_space<vmem_shared>>
      tpu.enqueue_indirect_dma source(%arg38 : memref<2000xf32, #tpu.memory_space<vmem>>) target(%dma_start3A_108 : memref<100352xf32, #tpu.memory_space<vmem_shared>>) offsets(%arg23 : memref<2000xi32, #tpu.memory_space<vmem>>) semaphore(%arg57 : memref<!tpu.dma_semaphore, #tpu.memory_space<semaphore_mem>>) {add = true}
      %dma_start3A_109 = arith.constant 0 : i32
      %dma_start3A_110 = tpu.memref_slice %arg55[%dma_start3A_109] : memref<100352xf32, #tpu.memory_space<vmem_shared>> -> memref<100352xf32, #tpu.memory_space<vmem_shared>>
      tpu.enqueue_indirect_dma source(%arg39 : memref<2000xf32, #tpu.memory_space<vmem>>) target(%dma_start3A_110 : memref<100352xf32, #tpu.memory_space<vmem_shared>>) offsets(%arg23 : memref<2000xi32, #tpu.memory_space<vmem>>) semaphore(%arg57 : memref<!tpu.dma_semaphore, #tpu.memory_space<semaphore_mem>>) {add = true}
      %dma_start3A_111 = arith.constant 0 : i32
      %dma_start3A_112 = tpu.memref_slice %arg56[%dma_start3A_111] : memref<100352xf32, #tpu.memory_space<vmem_shared>> -> memref<100352xf32, #tpu.memory_space<vmem_shared>>
      tpu.enqueue_indirect_dma source(%arg40 : memref<2000xf32, #tpu.memory_space<vmem>>) target(%dma_start3A_112 : memref<100352xf32, #tpu.memory_space<vmem_shared>>) offsets(%arg23 : memref<2000xi32, #tpu.memory_space<vmem>>) semaphore(%arg57 : memref<!tpu.dma_semaphore, #tpu.memory_space<semaphore_mem>>) {add = true}
      %dma_wait3A_113 = arith.constant 0 : i32
      %dma_wait3A_114 = tpu.memref_slice %arg51[%dma_wait3A_113] : memref<100352xf32, #tpu.memory_space<vmem_shared>> -> memref<100352xf32, #tpu.memory_space<vmem_shared>>
      tpu.wait_indirect_dma semaphore(%arg57 : memref<!tpu.dma_semaphore, #tpu.memory_space<semaphore_mem>>) src(%arg35 : memref<2000xf32, #tpu.memory_space<vmem>>) dst(%dma_wait3A_114 : memref<100352xf32, #tpu.memory_space<vmem_shared>>)
      %dma_wait3A_115 = arith.constant 0 : i32
      %dma_wait3A_116 = tpu.memref_slice %arg52[%dma_wait3A_115] : memref<100352xf32, #tpu.memory_space<vmem_shared>> -> memref<100352xf32, #tpu.memory_space<vmem_shared>>
      tpu.wait_indirect_dma semaphore(%arg57 : memref<!tpu.dma_semaphore, #tpu.memory_space<semaphore_mem>>) src(%arg36 : memref<2000xf32, #tpu.memory_space<vmem>>) dst(%dma_wait3A_116 : memref<100352xf32, #tpu.memory_space<vmem_shared>>)
      %dma_wait3A_117 = arith.constant 0 : i32
      %dma_wait3A_118 = tpu.memref_slice %arg53[%dma_wait3A_117] : memref<100352xf32, #tpu.memory_space<vmem_shared>> -> memref<100352xf32, #tpu.memory_space<vmem_shared>>
      tpu.wait_indirect_dma semaphore(%arg57 : memref<!tpu.dma_semaphore, #tpu.memory_space<semaphore_mem>>) src(%arg37 : memref<2000xf32, #tpu.memory_space<vmem>>) dst(%dma_wait3A_118 : memref<100352xf32, #tpu.memory_space<vmem_shared>>)
      %dma_wait3A_119 = arith.constant 0 : i32
      %dma_wait3A_120 = tpu.memref_slice %arg54[%dma_wait3A_119] : memref<100352xf32, #tpu.memory_space<vmem_shared>> -> memref<100352xf32, #tpu.memory_space<vmem_shared>>
      tpu.wait_indirect_dma semaphore(%arg57 : memref<!tpu.dma_semaphore, #tpu.memory_space<semaphore_mem>>) src(%arg38 : memref<2000xf32, #tpu.memory_space<vmem>>) dst(%dma_wait3A_120 : memref<100352xf32, #tpu.memory_space<vmem_shared>>)
      %dma_wait3A_121 = arith.constant 0 : i32
      %dma_wait3A_122 = tpu.memref_slice %arg55[%dma_wait3A_121] : memref<100352xf32, #tpu.memory_space<vmem_shared>> -> memref<100352xf32, #tpu.memory_space<vmem_shared>>
      tpu.wait_indirect_dma semaphore(%arg57 : memref<!tpu.dma_semaphore, #tpu.memory_space<semaphore_mem>>) src(%arg39 : memref<2000xf32, #tpu.memory_space<vmem>>) dst(%dma_wait3A_122 : memref<100352xf32, #tpu.memory_space<vmem_shared>>)
      %dma_wait3A_123 = arith.constant 0 : i32
      %dma_wait3A_124 = tpu.memref_slice %arg56[%dma_wait3A_123] : memref<100352xf32, #tpu.memory_space<vmem_shared>> -> memref<100352xf32, #tpu.memory_space<vmem_shared>>
      tpu.wait_indirect_dma semaphore(%arg57 : memref<!tpu.dma_semaphore, #tpu.memory_space<semaphore_mem>>) src(%arg40 : memref<2000xf32, #tpu.memory_space<vmem>>) dst(%dma_wait3A_124 : memref<100352xf32, #tpu.memory_space<vmem_shared>>)
    }
    %scan3A_13 = arith.constant 50 : i32
    %barrier3A_14 = arith.constant 0 : index
    tpu.barrier barrier_id(%barrier3A_14)
    %mul3A_15 = arith.constant 100352 : i32
    %mul3A_16 = arith.muli %arg0, %mul3A_15 : i32
    %add3A_17 = arith.addi %mul3A_16, %mul3A_2 : i32
    "tpu.region"() ({
      %run_scoped3A = tpu.sem_alloc : memref<!tpu.dma_semaphore, #tpu.memory_space<semaphore_mem>>
      %dma_start3A = tpu.memref_slice %arg51[%mul3A_2] : memref<100352xf32, #tpu.memory_space<vmem_shared>> -> memref<6272xf32, #tpu.memory_space<vmem_shared>>
      %dma_start3A_18 = tpu.memref_slice %arg51[%mul3A_2] : memref<100352xf32, #tpu.memory_space<vmem_shared>> -> memref<6272xf32, #tpu.memory_space<vmem_shared>>
      tpu.enqueue_dma source(%dma_start3A_18 : memref<6272xf32, #tpu.memory_space<vmem_shared>>) target(%arg46 : memref<6272xf32, #tpu.memory_space<vmem>>) target_semaphore(%run_scoped3A : memref<!tpu.dma_semaphore, #tpu.memory_space<semaphore_mem>>)
      %dma_wait3A = tpu.memref_slice %arg51[%mul3A_2] : memref<100352xf32, #tpu.memory_space<vmem_shared>> -> memref<6272xf32, #tpu.memory_space<vmem_shared>>
      %dma_wait3A_19 = tpu.memref_slice %arg51[%mul3A_2] : memref<100352xf32, #tpu.memory_space<vmem_shared>> -> memref<6272xf32, #tpu.memory_space<vmem_shared>>
      tpu.wait_dma2 semaphore(%run_scoped3A : memref<!tpu.dma_semaphore, #tpu.memory_space<semaphore_mem>>) src(%dma_wait3A_19 : memref<6272xf32, #tpu.memory_space<vmem_shared>>) dst(%arg46 : memref<6272xf32, #tpu.memory_space<vmem>>)
      tpu.yield
    }) : () -> ()
    "tpu.region"() ({
      %run_scoped3A = tpu.sem_alloc : memref<!tpu.dma_semaphore, #tpu.memory_space<semaphore_mem>>
      %dma_start3A = tpu.memref_slice %arg11[%add3A_17] : memref<200704xf32, #tpu.memory_space<hbm>> -> memref<6272xf32, #tpu.memory_space<hbm>>
      %dma_start3A_18 = tpu.memref_slice %arg11[%add3A_17] : memref<200704xf32, #tpu.memory_space<hbm>> -> memref<6272xf32, #tpu.memory_space<hbm>>
      tpu.enqueue_dma source(%arg46 : memref<6272xf32, #tpu.memory_space<vmem>>) target(%dma_start3A_18 : memref<6272xf32, #tpu.memory_space<hbm>>) target_semaphore(%run_scoped3A : memref<!tpu.dma_semaphore, #tpu.memory_space<semaphore_mem>>)
      %dma_wait3A = tpu.memref_slice %arg11[%add3A_17] : memref<200704xf32, #tpu.memory_space<hbm>> -> memref<6272xf32, #tpu.memory_space<hbm>>
      %dma_wait3A_19 = tpu.memref_slice %arg11[%add3A_17] : memref<200704xf32, #tpu.memory_space<hbm>> -> memref<6272xf32, #tpu.memory_space<hbm>>
      tpu.wait_dma2 semaphore(%run_scoped3A : memref<!tpu.dma_semaphore, #tpu.memory_space<semaphore_mem>>) src(%arg46 : memref<6272xf32, #tpu.memory_space<vmem>>) dst(%dma_wait3A_19 : memref<6272xf32, #tpu.memory_space<hbm>>)
      tpu.yield
    }) : () -> ()
    "tpu.region"() ({
      %run_scoped3A = tpu.sem_alloc : memref<!tpu.dma_semaphore, #tpu.memory_space<semaphore_mem>>
      %dma_start3A = tpu.memref_slice %arg52[%mul3A_2] : memref<100352xf32, #tpu.memory_space<vmem_shared>> -> memref<6272xf32, #tpu.memory_space<vmem_shared>>
      %dma_start3A_18 = tpu.memref_slice %arg52[%mul3A_2] : memref<100352xf32, #tpu.memory_space<vmem_shared>> -> memref<6272xf32, #tpu.memory_space<vmem_shared>>
      tpu.enqueue_dma source(%dma_start3A_18 : memref<6272xf32, #tpu.memory_space<vmem_shared>>) target(%arg46 : memref<6272xf32, #tpu.memory_space<vmem>>) target_semaphore(%run_scoped3A : memref<!tpu.dma_semaphore, #tpu.memory_space<semaphore_mem>>)
      %dma_wait3A = tpu.memref_slice %arg52[%mul3A_2] : memref<100352xf32, #tpu.memory_space<vmem_shared>> -> memref<6272xf32, #tpu.memory_space<vmem_shared>>
      %dma_wait3A_19 = tpu.memref_slice %arg52[%mul3A_2] : memref<100352xf32, #tpu.memory_space<vmem_shared>> -> memref<6272xf32, #tpu.memory_space<vmem_shared>>
      tpu.wait_dma2 semaphore(%run_scoped3A : memref<!tpu.dma_semaphore, #tpu.memory_space<semaphore_mem>>) src(%dma_wait3A_19 : memref<6272xf32, #tpu.memory_space<vmem_shared>>) dst(%arg46 : memref<6272xf32, #tpu.memory_space<vmem>>)
      tpu.yield
    }) : () -> ()
    "tpu.region"() ({
      %run_scoped3A = tpu.sem_alloc : memref<!tpu.dma_semaphore, #tpu.memory_space<semaphore_mem>>
      %dma_start3A = tpu.memref_slice %arg12[%add3A_17] : memref<200704xf32, #tpu.memory_space<hbm>> -> memref<6272xf32, #tpu.memory_space<hbm>>
      %dma_start3A_18 = tpu.memref_slice %arg12[%add3A_17] : memref<200704xf32, #tpu.memory_space<hbm>> -> memref<6272xf32, #tpu.memory_space<hbm>>
      tpu.enqueue_dma source(%arg46 : memref<6272xf32, #tpu.memory_space<vmem>>) target(%dma_start3A_18 : memref<6272xf32, #tpu.memory_space<hbm>>) target_semaphore(%run_scoped3A : memref<!tpu.dma_semaphore, #tpu.memory_space<semaphore_mem>>)
      %dma_wait3A = tpu.memref_slice %arg12[%add3A_17] : memref<200704xf32, #tpu.memory_space<hbm>> -> memref<6272xf32, #tpu.memory_space<hbm>>
      %dma_wait3A_19 = tpu.memref_slice %arg12[%add3A_17] : memref<200704xf32, #tpu.memory_space<hbm>> -> memref<6272xf32, #tpu.memory_space<hbm>>
      tpu.wait_dma2 semaphore(%run_scoped3A : memref<!tpu.dma_semaphore, #tpu.memory_space<semaphore_mem>>) src(%arg46 : memref<6272xf32, #tpu.memory_space<vmem>>) dst(%dma_wait3A_19 : memref<6272xf32, #tpu.memory_space<hbm>>)
      tpu.yield
    }) : () -> ()
    "tpu.region"() ({
      %run_scoped3A = tpu.sem_alloc : memref<!tpu.dma_semaphore, #tpu.memory_space<semaphore_mem>>
      %dma_start3A = tpu.memref_slice %arg53[%mul3A_2] : memref<100352xf32, #tpu.memory_space<vmem_shared>> -> memref<6272xf32, #tpu.memory_space<vmem_shared>>
      %dma_start3A_18 = tpu.memref_slice %arg53[%mul3A_2] : memref<100352xf32, #tpu.memory_space<vmem_shared>> -> memref<6272xf32, #tpu.memory_space<vmem_shared>>
      tpu.enqueue_dma source(%dma_start3A_18 : memref<6272xf32, #tpu.memory_space<vmem_shared>>) target(%arg46 : memref<6272xf32, #tpu.memory_space<vmem>>) target_semaphore(%run_scoped3A : memref<!tpu.dma_semaphore, #tpu.memory_space<semaphore_mem>>)
      %dma_wait3A = tpu.memref_slice %arg53[%mul3A_2] : memref<100352xf32, #tpu.memory_space<vmem_shared>> -> memref<6272xf32, #tpu.memory_space<vmem_shared>>
      %dma_wait3A_19 = tpu.memref_slice %arg53[%mul3A_2] : memref<100352xf32, #tpu.memory_space<vmem_shared>> -> memref<6272xf32, #tpu.memory_space<vmem_shared>>
      tpu.wait_dma2 semaphore(%run_scoped3A : memref<!tpu.dma_semaphore, #tpu.memory_space<semaphore_mem>>) src(%dma_wait3A_19 : memref<6272xf32, #tpu.memory_space<vmem_shared>>) dst(%arg46 : memref<6272xf32, #tpu.memory_space<vmem>>)
      tpu.yield
    }) : () -> ()
    "tpu.region"() ({
      %run_scoped3A = tpu.sem_alloc : memref<!tpu.dma_semaphore, #tpu.memory_space<semaphore_mem>>
      %dma_start3A = tpu.memref_slice %arg13[%add3A_17] : memref<200704xf32, #tpu.memory_space<hbm>> -> memref<6272xf32, #tpu.memory_space<hbm>>
      %dma_start3A_18 = tpu.memref_slice %arg13[%add3A_17] : memref<200704xf32, #tpu.memory_space<hbm>> -> memref<6272xf32, #tpu.memory_space<hbm>>
      tpu.enqueue_dma source(%arg46 : memref<6272xf32, #tpu.memory_space<vmem>>) target(%dma_start3A_18 : memref<6272xf32, #tpu.memory_space<hbm>>) target_semaphore(%run_scoped3A : memref<!tpu.dma_semaphore, #tpu.memory_space<semaphore_mem>>)
      %dma_wait3A = tpu.memref_slice %arg13[%add3A_17] : memref<200704xf32, #tpu.memory_space<hbm>> -> memref<6272xf32, #tpu.memory_space<hbm>>
      %dma_wait3A_19 = tpu.memref_slice %arg13[%add3A_17] : memref<200704xf32, #tpu.memory_space<hbm>> -> memref<6272xf32, #tpu.memory_space<hbm>>
      tpu.wait_dma2 semaphore(%run_scoped3A : memref<!tpu.dma_semaphore, #tpu.memory_space<semaphore_mem>>) src(%arg46 : memref<6272xf32, #tpu.memory_space<vmem>>) dst(%dma_wait3A_19 : memref<6272xf32, #tpu.memory_space<hbm>>)
      tpu.yield
    }) : () -> ()
    "tpu.region"() ({
      %run_scoped3A = tpu.sem_alloc : memref<!tpu.dma_semaphore, #tpu.memory_space<semaphore_mem>>
      %dma_start3A = tpu.memref_slice %arg54[%mul3A_2] : memref<100352xf32, #tpu.memory_space<vmem_shared>> -> memref<6272xf32, #tpu.memory_space<vmem_shared>>
      %dma_start3A_18 = tpu.memref_slice %arg54[%mul3A_2] : memref<100352xf32, #tpu.memory_space<vmem_shared>> -> memref<6272xf32, #tpu.memory_space<vmem_shared>>
      tpu.enqueue_dma source(%dma_start3A_18 : memref<6272xf32, #tpu.memory_space<vmem_shared>>) target(%arg46 : memref<6272xf32, #tpu.memory_space<vmem>>) target_semaphore(%run_scoped3A : memref<!tpu.dma_semaphore, #tpu.memory_space<semaphore_mem>>)
      %dma_wait3A = tpu.memref_slice %arg54[%mul3A_2] : memref<100352xf32, #tpu.memory_space<vmem_shared>> -> memref<6272xf32, #tpu.memory_space<vmem_shared>>
      %dma_wait3A_19 = tpu.memref_slice %arg54[%mul3A_2] : memref<100352xf32, #tpu.memory_space<vmem_shared>> -> memref<6272xf32, #tpu.memory_space<vmem_shared>>
      tpu.wait_dma2 semaphore(%run_scoped3A : memref<!tpu.dma_semaphore, #tpu.memory_space<semaphore_mem>>) src(%dma_wait3A_19 : memref<6272xf32, #tpu.memory_space<vmem_shared>>) dst(%arg46 : memref<6272xf32, #tpu.memory_space<vmem>>)
      tpu.yield
    }) : () -> ()
    "tpu.region"() ({
      %run_scoped3A = tpu.sem_alloc : memref<!tpu.dma_semaphore, #tpu.memory_space<semaphore_mem>>
      %dma_start3A = tpu.memref_slice %arg14[%add3A_17] : memref<200704xf32, #tpu.memory_space<hbm>> -> memref<6272xf32, #tpu.memory_space<hbm>>
      %dma_start3A_18 = tpu.memref_slice %arg14[%add3A_17] : memref<200704xf32, #tpu.memory_space<hbm>> -> memref<6272xf32, #tpu.memory_space<hbm>>
      tpu.enqueue_dma source(%arg46 : memref<6272xf32, #tpu.memory_space<vmem>>) target(%dma_start3A_18 : memref<6272xf32, #tpu.memory_space<hbm>>) target_semaphore(%run_scoped3A : memref<!tpu.dma_semaphore, #tpu.memory_space<semaphore_mem>>)
      %dma_wait3A = tpu.memref_slice %arg14[%add3A_17] : memref<200704xf32, #tpu.memory_space<hbm>> -> memref<6272xf32, #tpu.memory_space<hbm>>
      %dma_wait3A_19 = tpu.memref_slice %arg14[%add3A_17] : memref<200704xf32, #tpu.memory_space<hbm>> -> memref<6272xf32, #tpu.memory_space<hbm>>
      tpu.wait_dma2 semaphore(%run_scoped3A : memref<!tpu.dma_semaphore, #tpu.memory_space<semaphore_mem>>) src(%arg46 : memref<6272xf32, #tpu.memory_space<vmem>>) dst(%dma_wait3A_19 : memref<6272xf32, #tpu.memory_space<hbm>>)
      tpu.yield
    }) : () -> ()
    "tpu.region"() ({
      %run_scoped3A = tpu.sem_alloc : memref<!tpu.dma_semaphore, #tpu.memory_space<semaphore_mem>>
      %dma_start3A = tpu.memref_slice %arg55[%mul3A_2] : memref<100352xf32, #tpu.memory_space<vmem_shared>> -> memref<6272xf32, #tpu.memory_space<vmem_shared>>
      %dma_start3A_18 = tpu.memref_slice %arg55[%mul3A_2] : memref<100352xf32, #tpu.memory_space<vmem_shared>> -> memref<6272xf32, #tpu.memory_space<vmem_shared>>
      tpu.enqueue_dma source(%dma_start3A_18 : memref<6272xf32, #tpu.memory_space<vmem_shared>>) target(%arg46 : memref<6272xf32, #tpu.memory_space<vmem>>) target_semaphore(%run_scoped3A : memref<!tpu.dma_semaphore, #tpu.memory_space<semaphore_mem>>)
      %dma_wait3A = tpu.memref_slice %arg55[%mul3A_2] : memref<100352xf32, #tpu.memory_space<vmem_shared>> -> memref<6272xf32, #tpu.memory_space<vmem_shared>>
      %dma_wait3A_19 = tpu.memref_slice %arg55[%mul3A_2] : memref<100352xf32, #tpu.memory_space<vmem_shared>> -> memref<6272xf32, #tpu.memory_space<vmem_shared>>
      tpu.wait_dma2 semaphore(%run_scoped3A : memref<!tpu.dma_semaphore, #tpu.memory_space<semaphore_mem>>) src(%dma_wait3A_19 : memref<6272xf32, #tpu.memory_space<vmem_shared>>) dst(%arg46 : memref<6272xf32, #tpu.memory_space<vmem>>)
      tpu.yield
    }) : () -> ()
    "tpu.region"() ({
      %run_scoped3A = tpu.sem_alloc : memref<!tpu.dma_semaphore, #tpu.memory_space<semaphore_mem>>
      %dma_start3A = tpu.memref_slice %arg15[%add3A_17] : memref<200704xf32, #tpu.memory_space<hbm>> -> memref<6272xf32, #tpu.memory_space<hbm>>
      %dma_start3A_18 = tpu.memref_slice %arg15[%add3A_17] : memref<200704xf32, #tpu.memory_space<hbm>> -> memref<6272xf32, #tpu.memory_space<hbm>>
      tpu.enqueue_dma source(%arg46 : memref<6272xf32, #tpu.memory_space<vmem>>) target(%dma_start3A_18 : memref<6272xf32, #tpu.memory_space<hbm>>) target_semaphore(%run_scoped3A : memref<!tpu.dma_semaphore, #tpu.memory_space<semaphore_mem>>)
      %dma_wait3A = tpu.memref_slice %arg15[%add3A_17] : memref<200704xf32, #tpu.memory_space<hbm>> -> memref<6272xf32, #tpu.memory_space<hbm>>
      %dma_wait3A_19 = tpu.memref_slice %arg15[%add3A_17] : memref<200704xf32, #tpu.memory_space<hbm>> -> memref<6272xf32, #tpu.memory_space<hbm>>
      tpu.wait_dma2 semaphore(%run_scoped3A : memref<!tpu.dma_semaphore, #tpu.memory_space<semaphore_mem>>) src(%arg46 : memref<6272xf32, #tpu.memory_space<vmem>>) dst(%dma_wait3A_19 : memref<6272xf32, #tpu.memory_space<hbm>>)
      tpu.yield
    }) : () -> ()
    "tpu.region"() ({
      %run_scoped3A = tpu.sem_alloc : memref<!tpu.dma_semaphore, #tpu.memory_space<semaphore_mem>>
      %dma_start3A = tpu.memref_slice %arg56[%mul3A_2] : memref<100352xf32, #tpu.memory_space<vmem_shared>> -> memref<6272xf32, #tpu.memory_space<vmem_shared>>
      %dma_start3A_18 = tpu.memref_slice %arg56[%mul3A_2] : memref<100352xf32, #tpu.memory_space<vmem_shared>> -> memref<6272xf32, #tpu.memory_space<vmem_shared>>
      tpu.enqueue_dma source(%dma_start3A_18 : memref<6272xf32, #tpu.memory_space<vmem_shared>>) target(%arg46 : memref<6272xf32, #tpu.memory_space<vmem>>) target_semaphore(%run_scoped3A : memref<!tpu.dma_semaphore, #tpu.memory_space<semaphore_mem>>)
      %dma_wait3A = tpu.memref_slice %arg56[%mul3A_2] : memref<100352xf32, #tpu.memory_space<vmem_shared>> -> memref<6272xf32, #tpu.memory_space<vmem_shared>>
      %dma_wait3A_19 = tpu.memref_slice %arg56[%mul3A_2] : memref<100352xf32, #tpu.memory_space<vmem_shared>> -> memref<6272xf32, #tpu.memory_space<vmem_shared>>
      tpu.wait_dma2 semaphore(%run_scoped3A : memref<!tpu.dma_semaphore, #tpu.memory_space<semaphore_mem>>) src(%dma_wait3A_19 : memref<6272xf32, #tpu.memory_space<vmem_shared>>) dst(%arg46 : memref<6272xf32, #tpu.memory_space<vmem>>)
      tpu.yield
    }) : () -> ()
    "tpu.region"() ({
      %run_scoped3A = tpu.sem_alloc : memref<!tpu.dma_semaphore, #tpu.memory_space<semaphore_mem>>
      %dma_start3A = tpu.memref_slice %arg16[%add3A_17] : memref<200704xf32, #tpu.memory_space<hbm>> -> memref<6272xf32, #tpu.memory_space<hbm>>
      %dma_start3A_18 = tpu.memref_slice %arg16[%add3A_17] : memref<200704xf32, #tpu.memory_space<hbm>> -> memref<6272xf32, #tpu.memory_space<hbm>>
      tpu.enqueue_dma source(%arg46 : memref<6272xf32, #tpu.memory_space<vmem>>) target(%dma_start3A_18 : memref<6272xf32, #tpu.memory_space<hbm>>) target_semaphore(%run_scoped3A : memref<!tpu.dma_semaphore, #tpu.memory_space<semaphore_mem>>)
      %dma_wait3A = tpu.memref_slice %arg16[%add3A_17] : memref<200704xf32, #tpu.memory_space<hbm>> -> memref<6272xf32, #tpu.memory_space<hbm>>
      %dma_wait3A_19 = tpu.memref_slice %arg16[%add3A_17] : memref<200704xf32, #tpu.memory_space<hbm>> -> memref<6272xf32, #tpu.memory_space<hbm>>
      tpu.wait_dma2 semaphore(%run_scoped3A : memref<!tpu.dma_semaphore, #tpu.memory_space<semaphore_mem>>) src(%arg46 : memref<6272xf32, #tpu.memory_space<vmem>>) dst(%dma_wait3A_19 : memref<6272xf32, #tpu.memory_space<hbm>>)
      tpu.yield
    }) : () -> ()
    return
  }
}

#map = affine_map<(d0, d1) -> (0)>
module attributes {stable_mosaic.version = 14 : i64} {
  func.func @_sweep_two(%arg0: i32, %arg1: i32, %arg2: memref<3200000xi32, #tpu.memory_space<hbm>>, %arg3: memref<3200000xi32, #tpu.memory_space<hbm>>, %arg4: memref<3200000xf32, #tpu.memory_space<hbm>>, %arg5: memref<3200000xf32, #tpu.memory_space<hbm>>, %arg6: memref<3200000xf32, #tpu.memory_space<hbm>>, %arg7: memref<3200000xf32, #tpu.memory_space<hbm>>, %arg8: memref<3200000xf32, #tpu.memory_space<hbm>>, %arg9: memref<3200000xf32, #tpu.memory_space<hbm>>, %arg10: memref<100352xf32, #tpu.memory_space<hbm>>, %arg11: memref<100352xf32, #tpu.memory_space<hbm>>, %arg12: memref<200704xf32, #tpu.memory_space<hbm>>, %arg13: memref<200704xf32, #tpu.memory_space<hbm>>, %arg14: memref<200704xf32, #tpu.memory_space<hbm>>, %arg15: memref<2000xi32, #tpu.memory_space<vmem>>, %arg16: memref<2000xi32, #tpu.memory_space<vmem>>, %arg17: memref<2000xf32, #tpu.memory_space<vmem>>, %arg18: memref<2000xf32, #tpu.memory_space<vmem>>, %arg19: memref<2000xf32, #tpu.memory_space<vmem>>, %arg20: memref<2000xf32, #tpu.memory_space<vmem>>, %arg21: memref<2000xf32, #tpu.memory_space<vmem>>, %arg22: memref<2000xf32, #tpu.memory_space<vmem>>, %arg23: memref<2000xf32, #tpu.memory_space<vmem>>, %arg24: memref<2000xf32, #tpu.memory_space<vmem>>, %arg25: memref<2000xf32, #tpu.memory_space<vmem>>, %arg26: memref<2000xf32, #tpu.memory_space<vmem>>, %arg27: memref<2000xf32, #tpu.memory_space<vmem>>, %arg28: memref<6272xf32, #tpu.memory_space<vmem>>, %arg29: memref<100352xf32, #tpu.memory_space<vmem_shared>>, %arg30: memref<100352xf32, #tpu.memory_space<vmem_shared>>, %arg31: memref<100352xf32, #tpu.memory_space<vmem_shared>>, %arg32: memref<100352xf32, #tpu.memory_space<vmem_shared>>, %arg33: memref<100352xf32, #tpu.memory_space<vmem_shared>>, %arg34: memref<!tpu.dma_semaphore, #tpu.memory_space<semaphore_mem>>) attributes {dimension_semantics = [#tpu.dimension_semantics<core_parallel>, #tpu.dimension_semantics<subcore_parallel>], iteration_bounds = array<i64: 2, 16>, scalar_prefetch = 0 : i64, scratch_operands = 20 : i64, tpu.core_type = #tpu.core_type<sc_vector_subcore>, window_params = [{transform_indices = #map}, {transform_indices = #map}, {transform_indices = #map}, {transform_indices = #map}, {transform_indices = #map}, {transform_indices = #map}, {transform_indices = #map}, {transform_indices = #map}, {transform_indices = #map}, {transform_indices = #map}, {transform_indices = #map}, {transform_indices = #map}, {transform_indices = #map}]} {
    %mul3A = arith.constant 2 : i32
    %mul3A_0 = arith.muli %arg1, %mul3A : i32
    %add3A = arith.addi %mul3A_0, %arg0 : i32
    %mul3A_1 = arith.constant 6272 : i32
    %mul3A_2 = arith.muli %arg1, %mul3A_1 : i32
    "tpu.region"() ({
      %run_scoped3A = tpu.sem_alloc : memref<!tpu.dma_semaphore, #tpu.memory_space<semaphore_mem>>
      %dma_start3A = tpu.memref_slice %arg10[%mul3A_2] : memref<100352xf32, #tpu.memory_space<hbm>> -> memref<6272xf32, #tpu.memory_space<hbm>>
      %dma_start3A_18 = tpu.memref_slice %arg10[%mul3A_2] : memref<100352xf32, #tpu.memory_space<hbm>> -> memref<6272xf32, #tpu.memory_space<hbm>>
      tpu.enqueue_dma source(%dma_start3A_18 : memref<6272xf32, #tpu.memory_space<hbm>>) target(%arg28 : memref<6272xf32, #tpu.memory_space<vmem>>) target_semaphore(%run_scoped3A : memref<!tpu.dma_semaphore, #tpu.memory_space<semaphore_mem>>)
      %dma_wait3A = tpu.memref_slice %arg10[%mul3A_2] : memref<100352xf32, #tpu.memory_space<hbm>> -> memref<6272xf32, #tpu.memory_space<hbm>>
      %dma_wait3A_19 = tpu.memref_slice %arg10[%mul3A_2] : memref<100352xf32, #tpu.memory_space<hbm>> -> memref<6272xf32, #tpu.memory_space<hbm>>
      tpu.wait_dma2 semaphore(%run_scoped3A : memref<!tpu.dma_semaphore, #tpu.memory_space<semaphore_mem>>) src(%dma_wait3A_19 : memref<6272xf32, #tpu.memory_space<hbm>>) dst(%arg28 : memref<6272xf32, #tpu.memory_space<vmem>>)
      tpu.yield
    }) : () -> ()
    "tpu.region"() ({
      %run_scoped3A = tpu.sem_alloc : memref<!tpu.dma_semaphore, #tpu.memory_space<semaphore_mem>>
      %dma_start3A = tpu.memref_slice %arg29[%mul3A_2] : memref<100352xf32, #tpu.memory_space<vmem_shared>> -> memref<6272xf32, #tpu.memory_space<vmem_shared>>
      %dma_start3A_18 = tpu.memref_slice %arg29[%mul3A_2] : memref<100352xf32, #tpu.memory_space<vmem_shared>> -> memref<6272xf32, #tpu.memory_space<vmem_shared>>
      tpu.enqueue_dma source(%arg28 : memref<6272xf32, #tpu.memory_space<vmem>>) target(%dma_start3A_18 : memref<6272xf32, #tpu.memory_space<vmem_shared>>) target_semaphore(%run_scoped3A : memref<!tpu.dma_semaphore, #tpu.memory_space<semaphore_mem>>)
      %dma_wait3A = tpu.memref_slice %arg29[%mul3A_2] : memref<100352xf32, #tpu.memory_space<vmem_shared>> -> memref<6272xf32, #tpu.memory_space<vmem_shared>>
      %dma_wait3A_19 = tpu.memref_slice %arg29[%mul3A_2] : memref<100352xf32, #tpu.memory_space<vmem_shared>> -> memref<6272xf32, #tpu.memory_space<vmem_shared>>
      tpu.wait_dma2 semaphore(%run_scoped3A : memref<!tpu.dma_semaphore, #tpu.memory_space<semaphore_mem>>) src(%arg28 : memref<6272xf32, #tpu.memory_space<vmem>>) dst(%dma_wait3A_19 : memref<6272xf32, #tpu.memory_space<vmem_shared>>)
      tpu.yield
    }) : () -> ()
    "tpu.region"() ({
      %run_scoped3A = tpu.sem_alloc : memref<!tpu.dma_semaphore, #tpu.memory_space<semaphore_mem>>
      %dma_start3A = tpu.memref_slice %arg11[%mul3A_2] : memref<100352xf32, #tpu.memory_space<hbm>> -> memref<6272xf32, #tpu.memory_space<hbm>>
      %dma_start3A_18 = tpu.memref_slice %arg11[%mul3A_2] : memref<100352xf32, #tpu.memory_space<hbm>> -> memref<6272xf32, #tpu.memory_space<hbm>>
      tpu.enqueue_dma source(%dma_start3A_18 : memref<6272xf32, #tpu.memory_space<hbm>>) target(%arg28 : memref<6272xf32, #tpu.memory_space<vmem>>) target_semaphore(%run_scoped3A : memref<!tpu.dma_semaphore, #tpu.memory_space<semaphore_mem>>)
      %dma_wait3A = tpu.memref_slice %arg11[%mul3A_2] : memref<100352xf32, #tpu.memory_space<hbm>> -> memref<6272xf32, #tpu.memory_space<hbm>>
      %dma_wait3A_19 = tpu.memref_slice %arg11[%mul3A_2] : memref<100352xf32, #tpu.memory_space<hbm>> -> memref<6272xf32, #tpu.memory_space<hbm>>
      tpu.wait_dma2 semaphore(%run_scoped3A : memref<!tpu.dma_semaphore, #tpu.memory_space<semaphore_mem>>) src(%dma_wait3A_19 : memref<6272xf32, #tpu.memory_space<hbm>>) dst(%arg28 : memref<6272xf32, #tpu.memory_space<vmem>>)
      tpu.yield
    }) : () -> ()
    "tpu.region"() ({
      %run_scoped3A = tpu.sem_alloc : memref<!tpu.dma_semaphore, #tpu.memory_space<semaphore_mem>>
      %dma_start3A = tpu.memref_slice %arg30[%mul3A_2] : memref<100352xf32, #tpu.memory_space<vmem_shared>> -> memref<6272xf32, #tpu.memory_space<vmem_shared>>
      %dma_start3A_18 = tpu.memref_slice %arg30[%mul3A_2] : memref<100352xf32, #tpu.memory_space<vmem_shared>> -> memref<6272xf32, #tpu.memory_space<vmem_shared>>
      tpu.enqueue_dma source(%arg28 : memref<6272xf32, #tpu.memory_space<vmem>>) target(%dma_start3A_18 : memref<6272xf32, #tpu.memory_space<vmem_shared>>) target_semaphore(%run_scoped3A : memref<!tpu.dma_semaphore, #tpu.memory_space<semaphore_mem>>)
      %dma_wait3A = tpu.memref_slice %arg30[%mul3A_2] : memref<100352xf32, #tpu.memory_space<vmem_shared>> -> memref<6272xf32, #tpu.memory_space<vmem_shared>>
      %dma_wait3A_19 = tpu.memref_slice %arg30[%mul3A_2] : memref<100352xf32, #tpu.memory_space<vmem_shared>> -> memref<6272xf32, #tpu.memory_space<vmem_shared>>
      tpu.wait_dma2 semaphore(%run_scoped3A : memref<!tpu.dma_semaphore, #tpu.memory_space<semaphore_mem>>) src(%arg28 : memref<6272xf32, #tpu.memory_space<vmem>>) dst(%dma_wait3A_19 : memref<6272xf32, #tpu.memory_space<vmem_shared>>)
      tpu.yield
    }) : () -> ()
    %scan3A = arith.constant 0 : i32
    %scan3A_3 = arith.constant 392 : i32
    %scan3A_4 = arith.addi %scan3A, %scan3A_3 : i32
    %scan3A_5 = arith.constant 1 : i32
    scf.for %scan3A_18 = %scan3A to %scan3A_4 step %scan3A_5  : i32 {
      %mul3A_19 = arith.constant 1 : i32
      %mul3A_20 = arith.muli %scan3A_18, %mul3A_19 : i32
      %add3A_21 = arith.constant 0 : i32
      %add3A_22 = arith.addi %add3A_21, %mul3A_20 : i32
      %broadcast_in_dim3A = arith.constant 0.000000e+00 : f32
      %broadcast_in_dim3A_23 = vector.broadcast %broadcast_in_dim3A : f32 to vector<16xf32>
      %mul3A_24 = arith.constant 16 : i32
      %mul3A_25 = arith.muli %add3A_22, %mul3A_24 : i32
      %swap3A = arith.index_cast %mul3A_25 : i32 to index
      %swap3A_26 = tpu.vector_load %arg28[%swap3A] {strides = array<i32>} : memref<6272xf32, #tpu.memory_space<vmem>>, vector<16xf32>,
      %swap3A_27 = vector.shape_cast %swap3A_26 : vector<16xf32> to vector<16xf32>
      %swap3A_28 = vector.shape_cast %broadcast_in_dim3A_23 : vector<16xf32> to vector<16xf32>
      tpu.vector_store %arg28[%swap3A], %swap3A_28 {strides = array<i32>} : memref<6272xf32, #tpu.memory_space<vmem>>, vector<16xf32>,
    }
    %scan3A_6 = arith.constant 392 : i32
    "tpu.region"() ({
      %run_scoped3A = tpu.sem_alloc : memref<!tpu.dma_semaphore, #tpu.memory_space<semaphore_mem>>
      %dma_start3A = tpu.memref_slice %arg31[%mul3A_2] : memref<100352xf32, #tpu.memory_space<vmem_shared>> -> memref<6272xf32, #tpu.memory_space<vmem_shared>>
      %dma_start3A_18 = tpu.memref_slice %arg31[%mul3A_2] : memref<100352xf32, #tpu.memory_space<vmem_shared>> -> memref<6272xf32, #tpu.memory_space<vmem_shared>>
      tpu.enqueue_dma source(%arg28 : memref<6272xf32, #tpu.memory_space<vmem>>) target(%dma_start3A_18 : memref<6272xf32, #tpu.memory_space<vmem_shared>>) target_semaphore(%run_scoped3A : memref<!tpu.dma_semaphore, #tpu.memory_space<semaphore_mem>>)
      %dma_wait3A = tpu.memref_slice %arg31[%mul3A_2] : memref<100352xf32, #tpu.memory_space<vmem_shared>> -> memref<6272xf32, #tpu.memory_space<vmem_shared>>
      %dma_wait3A_19 = tpu.memref_slice %arg31[%mul3A_2] : memref<100352xf32, #tpu.memory_space<vmem_shared>> -> memref<6272xf32, #tpu.memory_space<vmem_shared>>
      tpu.wait_dma2 semaphore(%run_scoped3A : memref<!tpu.dma_semaphore, #tpu.memory_space<semaphore_mem>>) src(%arg28 : memref<6272xf32, #tpu.memory_space<vmem>>) dst(%dma_wait3A_19 : memref<6272xf32, #tpu.memory_space<vmem_shared>>)
      tpu.yield
    }) : () -> ()
    "tpu.region"() ({
      %run_scoped3A = tpu.sem_alloc : memref<!tpu.dma_semaphore, #tpu.memory_space<semaphore_mem>>
      %dma_start3A = tpu.memref_slice %arg32[%mul3A_2] : memref<100352xf32, #tpu.memory_space<vmem_shared>> -> memref<6272xf32, #tpu.memory_space<vmem_shared>>
      %dma_start3A_18 = tpu.memref_slice %arg32[%mul3A_2] : memref<100352xf32, #tpu.memory_space<vmem_shared>> -> memref<6272xf32, #tpu.memory_space<vmem_shared>>
      tpu.enqueue_dma source(%arg28 : memref<6272xf32, #tpu.memory_space<vmem>>) target(%dma_start3A_18 : memref<6272xf32, #tpu.memory_space<vmem_shared>>) target_semaphore(%run_scoped3A : memref<!tpu.dma_semaphore, #tpu.memory_space<semaphore_mem>>)
      %dma_wait3A = tpu.memref_slice %arg32[%mul3A_2] : memref<100352xf32, #tpu.memory_space<vmem_shared>> -> memref<6272xf32, #tpu.memory_space<vmem_shared>>
      %dma_wait3A_19 = tpu.memref_slice %arg32[%mul3A_2] : memref<100352xf32, #tpu.memory_space<vmem_shared>> -> memref<6272xf32, #tpu.memory_space<vmem_shared>>
      tpu.wait_dma2 semaphore(%run_scoped3A : memref<!tpu.dma_semaphore, #tpu.memory_space<semaphore_mem>>) src(%arg28 : memref<6272xf32, #tpu.memory_space<vmem>>) dst(%dma_wait3A_19 : memref<6272xf32, #tpu.memory_space<vmem_shared>>)
      tpu.yield
    }) : () -> ()
    "tpu.region"() ({
      %run_scoped3A = tpu.sem_alloc : memref<!tpu.dma_semaphore, #tpu.memory_space<semaphore_mem>>
      %dma_start3A = tpu.memref_slice %arg33[%mul3A_2] : memref<100352xf32, #tpu.memory_space<vmem_shared>> -> memref<6272xf32, #tpu.memory_space<vmem_shared>>
      %dma_start3A_18 = tpu.memref_slice %arg33[%mul3A_2] : memref<100352xf32, #tpu.memory_space<vmem_shared>> -> memref<6272xf32, #tpu.memory_space<vmem_shared>>
      tpu.enqueue_dma source(%arg28 : memref<6272xf32, #tpu.memory_space<vmem>>) target(%dma_start3A_18 : memref<6272xf32, #tpu.memory_space<vmem_shared>>) target_semaphore(%run_scoped3A : memref<!tpu.dma_semaphore, #tpu.memory_space<semaphore_mem>>)
      %dma_wait3A = tpu.memref_slice %arg33[%mul3A_2] : memref<100352xf32, #tpu.memory_space<vmem_shared>> -> memref<6272xf32, #tpu.memory_space<vmem_shared>>
      %dma_wait3A_19 = tpu.memref_slice %arg33[%mul3A_2] : memref<100352xf32, #tpu.memory_space<vmem_shared>> -> memref<6272xf32, #tpu.memory_space<vmem_shared>>
      tpu.wait_dma2 semaphore(%run_scoped3A : memref<!tpu.dma_semaphore, #tpu.memory_space<semaphore_mem>>) src(%arg28 : memref<6272xf32, #tpu.memory_space<vmem>>) dst(%dma_wait3A_19 : memref<6272xf32, #tpu.memory_space<vmem_shared>>)
      tpu.yield
    }) : () -> ()
    %barrier3A = arith.constant 0 : index
    tpu.barrier barrier_id(%barrier3A)
    %mul3A_7 = arith.constant 100000 : i32
    %mul3A_8 = arith.muli %add3A, %mul3A_7 : i32
    %scan3A_9 = arith.constant 0 : i32
    %scan3A_10 = arith.constant 50 : i32
    %scan3A_11 = arith.addi %scan3A_9, %scan3A_10 : i32
    %scan3A_12 = arith.constant 1 : i32
    scf.for %scan3A_18 = %scan3A_9 to %scan3A_11 step %scan3A_12  : i32 {
      %mul3A_19 = arith.constant 1 : i32
      %mul3A_20 = arith.muli %scan3A_18, %mul3A_19 : i32
      %add3A_21 = arith.constant 0 : i32
      %add3A_22 = arith.addi %add3A_21, %mul3A_20 : i32
      %mul3A_23 = arith.constant 2000 : i32
      %mul3A_24 = arith.muli %add3A_22, %mul3A_23 : i32
      %add3A_25 = arith.addi %mul3A_8, %mul3A_24 : i32
      %dma_start3A = tpu.memref_slice %arg2[%add3A_25] : memref<3200000xi32, #tpu.memory_space<hbm>> -> memref<2000xi32, #tpu.memory_space<hbm>>
      %dma_start3A_26 = tpu.memref_slice %arg2[%add3A_25] : memref<3200000xi32, #tpu.memory_space<hbm>> -> memref<2000xi32, #tpu.memory_space<hbm>>
      tpu.enqueue_dma source(%dma_start3A_26 : memref<2000xi32, #tpu.memory_space<hbm>>) target(%arg15 : memref<2000xi32, #tpu.memory_space<vmem>>) target_semaphore(%arg34 : memref<!tpu.dma_semaphore, #tpu.memory_space<semaphore_mem>>)
      %dma_start3A_27 = tpu.memref_slice %arg3[%add3A_25] : memref<3200000xi32, #tpu.memory_space<hbm>> -> memref<2000xi32, #tpu.memory_space<hbm>>
      %dma_start3A_28 = tpu.memref_slice %arg3[%add3A_25] : memref<3200000xi32, #tpu.memory_space<hbm>> -> memref<2000xi32, #tpu.memory_space<hbm>>
      tpu.enqueue_dma source(%dma_start3A_28 : memref<2000xi32, #tpu.memory_space<hbm>>) target(%arg16 : memref<2000xi32, #tpu.memory_space<vmem>>) target_semaphore(%arg34 : memref<!tpu.dma_semaphore, #tpu.memory_space<semaphore_mem>>)
      %dma_start3A_29 = tpu.memref_slice %arg4[%add3A_25] : memref<3200000xf32, #tpu.memory_space<hbm>> -> memref<2000xf32, #tpu.memory_space<hbm>>
      %dma_start3A_30 = tpu.memref_slice %arg4[%add3A_25] : memref<3200000xf32, #tpu.memory_space<hbm>> -> memref<2000xf32, #tpu.memory_space<hbm>>
      tpu.enqueue_dma source(%dma_start3A_30 : memref<2000xf32, #tpu.memory_space<hbm>>) target(%arg17 : memref<2000xf32, #tpu.memory_space<vmem>>) target_semaphore(%arg34 : memref<!tpu.dma_semaphore, #tpu.memory_space<semaphore_mem>>)
      %dma_start3A_31 = tpu.memref_slice %arg5[%add3A_25] : memref<3200000xf32, #tpu.memory_space<hbm>> -> memref<2000xf32, #tpu.memory_space<hbm>>
      %dma_start3A_32 = tpu.memref_slice %arg5[%add3A_25] : memref<3200000xf32, #tpu.memory_space<hbm>> -> memref<2000xf32, #tpu.memory_space<hbm>>
      tpu.enqueue_dma source(%dma_start3A_32 : memref<2000xf32, #tpu.memory_space<hbm>>) target(%arg18 : memref<2000xf32, #tpu.memory_space<vmem>>) target_semaphore(%arg34 : memref<!tpu.dma_semaphore, #tpu.memory_space<semaphore_mem>>)
      %dma_start3A_33 = tpu.memref_slice %arg6[%add3A_25] : memref<3200000xf32, #tpu.memory_space<hbm>> -> memref<2000xf32, #tpu.memory_space<hbm>>
      %dma_start3A_34 = tpu.memref_slice %arg6[%add3A_25] : memref<3200000xf32, #tpu.memory_space<hbm>> -> memref<2000xf32, #tpu.memory_space<hbm>>
      tpu.enqueue_dma source(%dma_start3A_34 : memref<2000xf32, #tpu.memory_space<hbm>>) target(%arg19 : memref<2000xf32, #tpu.memory_space<vmem>>) target_semaphore(%arg34 : memref<!tpu.dma_semaphore, #tpu.memory_space<semaphore_mem>>)
      %dma_start3A_35 = tpu.memref_slice %arg7[%add3A_25] : memref<3200000xf32, #tpu.memory_space<hbm>> -> memref<2000xf32, #tpu.memory_space<hbm>>
      %dma_start3A_36 = tpu.memref_slice %arg7[%add3A_25] : memref<3200000xf32, #tpu.memory_space<hbm>> -> memref<2000xf32, #tpu.memory_space<hbm>>
      tpu.enqueue_dma source(%dma_start3A_36 : memref<2000xf32, #tpu.memory_space<hbm>>) target(%arg20 : memref<2000xf32, #tpu.memory_space<vmem>>) target_semaphore(%arg34 : memref<!tpu.dma_semaphore, #tpu.memory_space<semaphore_mem>>)
      %dma_start3A_37 = tpu.memref_slice %arg8[%add3A_25] : memref<3200000xf32, #tpu.memory_space<hbm>> -> memref<2000xf32, #tpu.memory_space<hbm>>
      %dma_start3A_38 = tpu.memref_slice %arg8[%add3A_25] : memref<3200000xf32, #tpu.memory_space<hbm>> -> memref<2000xf32, #tpu.memory_space<hbm>>
      tpu.enqueue_dma source(%dma_start3A_38 : memref<2000xf32, #tpu.memory_space<hbm>>) target(%arg21 : memref<2000xf32, #tpu.memory_space<vmem>>) target_semaphore(%arg34 : memref<!tpu.dma_semaphore, #tpu.memory_space<semaphore_mem>>)
      %dma_start3A_39 = tpu.memref_slice %arg9[%add3A_25] : memref<3200000xf32, #tpu.memory_space<hbm>> -> memref<2000xf32, #tpu.memory_space<hbm>>
      %dma_start3A_40 = tpu.memref_slice %arg9[%add3A_25] : memref<3200000xf32, #tpu.memory_space<hbm>> -> memref<2000xf32, #tpu.memory_space<hbm>>
      tpu.enqueue_dma source(%dma_start3A_40 : memref<2000xf32, #tpu.memory_space<hbm>>) target(%arg22 : memref<2000xf32, #tpu.memory_space<vmem>>) target_semaphore(%arg34 : memref<!tpu.dma_semaphore, #tpu.memory_space<semaphore_mem>>)
      %dma_wait3A = tpu.memref_slice %arg2[%add3A_25] : memref<3200000xi32, #tpu.memory_space<hbm>> -> memref<2000xi32, #tpu.memory_space<hbm>>
      %dma_wait3A_41 = tpu.memref_slice %arg2[%add3A_25] : memref<3200000xi32, #tpu.memory_space<hbm>> -> memref<2000xi32, #tpu.memory_space<hbm>>
      tpu.wait_dma2 semaphore(%arg34 : memref<!tpu.dma_semaphore, #tpu.memory_space<semaphore_mem>>) src(%dma_wait3A_41 : memref<2000xi32, #tpu.memory_space<hbm>>) dst(%arg15 : memref<2000xi32, #tpu.memory_space<vmem>>)
      %dma_wait3A_42 = tpu.memref_slice %arg3[%add3A_25] : memref<3200000xi32, #tpu.memory_space<hbm>> -> memref<2000xi32, #tpu.memory_space<hbm>>
      %dma_wait3A_43 = tpu.memref_slice %arg3[%add3A_25] : memref<3200000xi32, #tpu.memory_space<hbm>> -> memref<2000xi32, #tpu.memory_space<hbm>>
      tpu.wait_dma2 semaphore(%arg34 : memref<!tpu.dma_semaphore, #tpu.memory_space<semaphore_mem>>) src(%dma_wait3A_43 : memref<2000xi32, #tpu.memory_space<hbm>>) dst(%arg16 : memref<2000xi32, #tpu.memory_space<vmem>>)
      %dma_wait3A_44 = tpu.memref_slice %arg4[%add3A_25] : memref<3200000xf32, #tpu.memory_space<hbm>> -> memref<2000xf32, #tpu.memory_space<hbm>>
      %dma_wait3A_45 = tpu.memref_slice %arg4[%add3A_25] : memref<3200000xf32, #tpu.memory_space<hbm>> -> memref<2000xf32, #tpu.memory_space<hbm>>
      tpu.wait_dma2 semaphore(%arg34 : memref<!tpu.dma_semaphore, #tpu.memory_space<semaphore_mem>>) src(%dma_wait3A_45 : memref<2000xf32, #tpu.memory_space<hbm>>) dst(%arg17 : memref<2000xf32, #tpu.memory_space<vmem>>)
      %dma_wait3A_46 = tpu.memref_slice %arg5[%add3A_25] : memref<3200000xf32, #tpu.memory_space<hbm>> -> memref<2000xf32, #tpu.memory_space<hbm>>
      %dma_wait3A_47 = tpu.memref_slice %arg5[%add3A_25] : memref<3200000xf32, #tpu.memory_space<hbm>> -> memref<2000xf32, #tpu.memory_space<hbm>>
      tpu.wait_dma2 semaphore(%arg34 : memref<!tpu.dma_semaphore, #tpu.memory_space<semaphore_mem>>) src(%dma_wait3A_47 : memref<2000xf32, #tpu.memory_space<hbm>>) dst(%arg18 : memref<2000xf32, #tpu.memory_space<vmem>>)
      %dma_wait3A_48 = tpu.memref_slice %arg6[%add3A_25] : memref<3200000xf32, #tpu.memory_space<hbm>> -> memref<2000xf32, #tpu.memory_space<hbm>>
      %dma_wait3A_49 = tpu.memref_slice %arg6[%add3A_25] : memref<3200000xf32, #tpu.memory_space<hbm>> -> memref<2000xf32, #tpu.memory_space<hbm>>
      tpu.wait_dma2 semaphore(%arg34 : memref<!tpu.dma_semaphore, #tpu.memory_space<semaphore_mem>>) src(%dma_wait3A_49 : memref<2000xf32, #tpu.memory_space<hbm>>) dst(%arg19 : memref<2000xf32, #tpu.memory_space<vmem>>)
      %dma_wait3A_50 = tpu.memref_slice %arg7[%add3A_25] : memref<3200000xf32, #tpu.memory_space<hbm>> -> memref<2000xf32, #tpu.memory_space<hbm>>
      %dma_wait3A_51 = tpu.memref_slice %arg7[%add3A_25] : memref<3200000xf32, #tpu.memory_space<hbm>> -> memref<2000xf32, #tpu.memory_space<hbm>>
      tpu.wait_dma2 semaphore(%arg34 : memref<!tpu.dma_semaphore, #tpu.memory_space<semaphore_mem>>) src(%dma_wait3A_51 : memref<2000xf32, #tpu.memory_space<hbm>>) dst(%arg20 : memref<2000xf32, #tpu.memory_space<vmem>>)
      %dma_wait3A_52 = tpu.memref_slice %arg8[%add3A_25] : memref<3200000xf32, #tpu.memory_space<hbm>> -> memref<2000xf32, #tpu.memory_space<hbm>>
      %dma_wait3A_53 = tpu.memref_slice %arg8[%add3A_25] : memref<3200000xf32, #tpu.memory_space<hbm>> -> memref<2000xf32, #tpu.memory_space<hbm>>
      tpu.wait_dma2 semaphore(%arg34 : memref<!tpu.dma_semaphore, #tpu.memory_space<semaphore_mem>>) src(%dma_wait3A_53 : memref<2000xf32, #tpu.memory_space<hbm>>) dst(%arg21 : memref<2000xf32, #tpu.memory_space<vmem>>)
      %dma_wait3A_54 = tpu.memref_slice %arg9[%add3A_25] : memref<3200000xf32, #tpu.memory_space<hbm>> -> memref<2000xf32, #tpu.memory_space<hbm>>
      %dma_wait3A_55 = tpu.memref_slice %arg9[%add3A_25] : memref<3200000xf32, #tpu.memory_space<hbm>> -> memref<2000xf32, #tpu.memory_space<hbm>>
      tpu.wait_dma2 semaphore(%arg34 : memref<!tpu.dma_semaphore, #tpu.memory_space<semaphore_mem>>) src(%dma_wait3A_55 : memref<2000xf32, #tpu.memory_space<hbm>>) dst(%arg22 : memref<2000xf32, #tpu.memory_space<vmem>>)
      %dma_start3A_56 = arith.constant 0 : i32
      %dma_start3A_57 = tpu.memref_slice %arg29[%dma_start3A_56] : memref<100352xf32, #tpu.memory_space<vmem_shared>> -> memref<100352xf32, #tpu.memory_space<vmem_shared>>
      tpu.enqueue_indirect_dma source(%dma_start3A_57 : memref<100352xf32, #tpu.memory_space<vmem_shared>>) target(%arg23 : memref<2000xf32, #tpu.memory_space<vmem>>) offsets(%arg16 : memref<2000xi32, #tpu.memory_space<vmem>>) semaphore(%arg34 : memref<!tpu.dma_semaphore, #tpu.memory_space<semaphore_mem>>)
      %dma_start3A_58 = arith.constant 0 : i32
      %dma_start3A_59 = tpu.memref_slice %arg30[%dma_start3A_58] : memref<100352xf32, #tpu.memory_space<vmem_shared>> -> memref<100352xf32, #tpu.memory_space<vmem_shared>>
      tpu.enqueue_indirect_dma source(%dma_start3A_59 : memref<100352xf32, #tpu.memory_space<vmem_shared>>) target(%arg24 : memref<2000xf32, #tpu.memory_space<vmem>>) offsets(%arg16 : memref<2000xi32, #tpu.memory_space<vmem>>) semaphore(%arg34 : memref<!tpu.dma_semaphore, #tpu.memory_space<semaphore_mem>>)
      %dma_wait3A_60 = arith.constant 0 : i32
      %dma_wait3A_61 = tpu.memref_slice %arg29[%dma_wait3A_60] : memref<100352xf32, #tpu.memory_space<vmem_shared>> -> memref<100352xf32, #tpu.memory_space<vmem_shared>>
      tpu.wait_indirect_dma semaphore(%arg34 : memref<!tpu.dma_semaphore, #tpu.memory_space<semaphore_mem>>) src(%dma_wait3A_61 : memref<100352xf32, #tpu.memory_space<vmem_shared>>) dst(%arg23 : memref<2000xf32, #tpu.memory_space<vmem>>)
      %dma_wait3A_62 = arith.constant 0 : i32
      %dma_wait3A_63 = tpu.memref_slice %arg30[%dma_wait3A_62] : memref<100352xf32, #tpu.memory_space<vmem_shared>> -> memref<100352xf32, #tpu.memory_space<vmem_shared>>
      tpu.wait_indirect_dma semaphore(%arg34 : memref<!tpu.dma_semaphore, #tpu.memory_space<semaphore_mem>>) src(%dma_wait3A_63 : memref<100352xf32, #tpu.memory_space<vmem_shared>>) dst(%arg24 : memref<2000xf32, #tpu.memory_space<vmem>>)
      %scan3A_64 = arith.constant 0 : i32
      %scan3A_65 = arith.constant 125 : i32
      %scan3A_66 = arith.addi %scan3A_64, %scan3A_65 : i32
      %scan3A_67 = arith.constant 1 : i32
      scf.for %scan3A_81 = %scan3A_64 to %scan3A_66 step %scan3A_67  : i32 {
        %mul3A_82 = arith.constant 1 : i32
        %mul3A_83 = arith.muli %scan3A_81, %mul3A_82 : i32
        %add3A_84 = arith.constant 0 : i32
        %add3A_85 = arith.addi %add3A_84, %mul3A_83 : i32
        %mul3A_86 = arith.constant 16 : i32
        %mul3A_87 = arith.muli %add3A_85, %mul3A_86 : i32
        %get3A = arith.index_cast %mul3A_87 : i32 to index
        %get3A_88 = tpu.vector_load %arg17[%get3A] {strides = array<i32>} : memref<2000xf32, #tpu.memory_space<vmem>>, vector<16xf32>,
        %get3A_89 = vector.shape_cast %get3A_88 : vector<16xf32> to vector<16xf32>
        %get3A_90 = arith.index_cast %mul3A_87 : i32 to index
        %get3A_91 = tpu.vector_load %arg18[%get3A_90] {strides = array<i32>} : memref<2000xf32, #tpu.memory_space<vmem>>, vector<16xf32>,
        %get3A_92 = vector.shape_cast %get3A_91 : vector<16xf32> to vector<16xf32>
        %get3A_93 = arith.index_cast %mul3A_87 : i32 to index
        %get3A_94 = tpu.vector_load %arg19[%get3A_93] {strides = array<i32>} : memref<2000xf32, #tpu.memory_space<vmem>>, vector<16xf32>,
        %get3A_95 = vector.shape_cast %get3A_94 : vector<16xf32> to vector<16xf32>
        %get3A_96 = arith.index_cast %mul3A_87 : i32 to index
        %get3A_97 = tpu.vector_load %arg20[%get3A_96] {strides = array<i32>} : memref<2000xf32, #tpu.memory_space<vmem>>, vector<16xf32>,
        %get3A_98 = vector.shape_cast %get3A_97 : vector<16xf32> to vector<16xf32>
        %get3A_99 = arith.index_cast %mul3A_87 : i32 to index
        %get3A_100 = tpu.vector_load %arg22[%get3A_99] {strides = array<i32>} : memref<2000xf32, #tpu.memory_space<vmem>>, vector<16xf32>,
        %get3A_101 = vector.shape_cast %get3A_100 : vector<16xf32> to vector<16xf32>
        %mul3A_102 = arith.mulf %get3A_95, %get3A_95 : vector<16xf32>
        %mul3A_103 = arith.mulf %get3A_98, %get3A_98 : vector<16xf32>
        %add3A_104 = arith.addf %mul3A_102, %mul3A_103 : vector<16xf32>
        %add3A_105 = arith.constant 6.250000e-05 : f32
        %add3A_106 = vector.broadcast %add3A_105 : f32 to vector<16xf32>
        %add3A_107 = arith.addf %add3A_104, %add3A_106 : vector<16xf32>
        %get3A_108 = arith.index_cast %mul3A_87 : i32 to index
        %get3A_109 = tpu.vector_load %arg21[%get3A_108] {strides = array<i32>} : memref<2000xf32, #tpu.memory_space<vmem>>, vector<16xf32>,
        %get3A_110 = vector.shape_cast %get3A_109 : vector<16xf32> to vector<16xf32>
        %div3A = arith.divf %get3A_110, %add3A_107 : vector<16xf32>
        %mul3A_111 = arith.mulf %div3A, %get3A_95 : vector<16xf32>
        %get3A_112 = arith.index_cast %mul3A_87 : i32 to index
        %get3A_113 = tpu.vector_load %arg23[%get3A_112] {strides = array<i32>} : memref<2000xf32, #tpu.memory_space<vmem>>, vector<16xf32>,
        %get3A_114 = vector.shape_cast %get3A_113 : vector<16xf32> to vector<16xf32>
        %mul3A_115 = arith.mulf %get3A_114, %get3A_101 : vector<16xf32>
        %sub3A = arith.subf %mul3A_111, %mul3A_115 : vector<16xf32>
        %mul3A_116 = arith.mulf %sub3A, %get3A_89 : vector<16xf32>
        %mul3A_117 = arith.mulf %div3A, %get3A_98 : vector<16xf32>
        %get3A_118 = arith.index_cast %mul3A_87 : i32 to index
        %get3A_119 = tpu.vector_load %arg24[%get3A_118] {strides = array<i32>} : memref<2000xf32, #tpu.memory_space<vmem>>, vector<16xf32>,
        %get3A_120 = vector.shape_cast %get3A_119 : vector<16xf32> to vector<16xf32>
        %mul3A_121 = arith.mulf %get3A_120, %get3A_101 : vector<16xf32>
        %sub3A_122 = arith.subf %mul3A_117, %mul3A_121 : vector<16xf32>
        %mul3A_123 = arith.mulf %sub3A_122, %get3A_92 : vector<16xf32>
        %add3A_124 = arith.addf %mul3A_116, %mul3A_123 : vector<16xf32>
        %swap3A = arith.index_cast %mul3A_87 : i32 to index
        %swap3A_125 = tpu.vector_load %arg25[%swap3A] {strides = array<i32>} : memref<2000xf32, #tpu.memory_space<vmem>>, vector<16xf32>,
        %swap3A_126 = vector.shape_cast %swap3A_125 : vector<16xf32> to vector<16xf32>
        %swap3A_127 = vector.shape_cast %add3A_124 : vector<16xf32> to vector<16xf32>
        tpu.vector_store %arg25[%swap3A], %swap3A_127 {strides = array<i32>} : memref<2000xf32, #tpu.memory_space<vmem>>, vector<16xf32>,
        %mul3A_128 = arith.mulf %get3A_89, %get3A_101 : vector<16xf32>
        %swap3A_129 = arith.index_cast %mul3A_87 : i32 to index
        %swap3A_130 = tpu.vector_load %arg26[%swap3A_129] {strides = array<i32>} : memref<2000xf32, #tpu.memory_space<vmem>>, vector<16xf32>,
        %swap3A_131 = vector.shape_cast %swap3A_130 : vector<16xf32> to vector<16xf32>
        %swap3A_132 = vector.shape_cast %mul3A_128 : vector<16xf32> to vector<16xf32>
        tpu.vector_store %arg26[%swap3A_129], %swap3A_132 {strides = array<i32>} : memref<2000xf32, #tpu.memory_space<vmem>>, vector<16xf32>,
        %mul3A_133 = arith.mulf %get3A_92, %get3A_101 : vector<16xf32>
        %swap3A_134 = arith.index_cast %mul3A_87 : i32 to index
        %swap3A_135 = tpu.vector_load %arg27[%swap3A_134] {strides = array<i32>} : memref<2000xf32, #tpu.memory_space<vmem>>, vector<16xf32>,
        %swap3A_136 = vector.shape_cast %swap3A_135 : vector<16xf32> to vector<16xf32>
        %swap3A_137 = vector.shape_cast %mul3A_133 : vector<16xf32> to vector<16xf32>
        tpu.vector_store %arg27[%swap3A_134], %swap3A_137 {strides = array<i32>} : memref<2000xf32, #tpu.memory_space<vmem>>, vector<16xf32>,
      }
      %scan3A_68 = arith.constant 125 : i32
      %dma_start3A_69 = arith.constant 0 : i32
      %dma_start3A_70 = tpu.memref_slice %arg31[%dma_start3A_69] : memref<100352xf32, #tpu.memory_space<vmem_shared>> -> memref<100352xf32, #tpu.memory_space<vmem_shared>>
      tpu.enqueue_indirect_dma source(%arg25 : memref<2000xf32, #tpu.memory_space<vmem>>) target(%dma_start3A_70 : memref<100352xf32, #tpu.memory_space<vmem_shared>>) offsets(%arg15 : memref<2000xi32, #tpu.memory_space<vmem>>) semaphore(%arg34 : memref<!tpu.dma_semaphore, #tpu.memory_space<semaphore_mem>>) {add = true}
      %dma_start3A_71 = arith.constant 0 : i32
      %dma_start3A_72 = tpu.memref_slice %arg32[%dma_start3A_71] : memref<100352xf32, #tpu.memory_space<vmem_shared>> -> memref<100352xf32, #tpu.memory_space<vmem_shared>>
      tpu.enqueue_indirect_dma source(%arg26 : memref<2000xf32, #tpu.memory_space<vmem>>) target(%dma_start3A_72 : memref<100352xf32, #tpu.memory_space<vmem_shared>>) offsets(%arg15 : memref<2000xi32, #tpu.memory_space<vmem>>) semaphore(%arg34 : memref<!tpu.dma_semaphore, #tpu.memory_space<semaphore_mem>>) {add = true}
      %dma_start3A_73 = arith.constant 0 : i32
      %dma_start3A_74 = tpu.memref_slice %arg33[%dma_start3A_73] : memref<100352xf32, #tpu.memory_space<vmem_shared>> -> memref<100352xf32, #tpu.memory_space<vmem_shared>>
      tpu.enqueue_indirect_dma source(%arg27 : memref<2000xf32, #tpu.memory_space<vmem>>) target(%dma_start3A_74 : memref<100352xf32, #tpu.memory_space<vmem_shared>>) offsets(%arg15 : memref<2000xi32, #tpu.memory_space<vmem>>) semaphore(%arg34 : memref<!tpu.dma_semaphore, #tpu.memory_space<semaphore_mem>>) {add = true}
      %dma_wait3A_75 = arith.constant 0 : i32
      %dma_wait3A_76 = tpu.memref_slice %arg31[%dma_wait3A_75] : memref<100352xf32, #tpu.memory_space<vmem_shared>> -> memref<100352xf32, #tpu.memory_space<vmem_shared>>
      tpu.wait_indirect_dma semaphore(%arg34 : memref<!tpu.dma_semaphore, #tpu.memory_space<semaphore_mem>>) src(%arg25 : memref<2000xf32, #tpu.memory_space<vmem>>) dst(%dma_wait3A_76 : memref<100352xf32, #tpu.memory_space<vmem_shared>>)
      %dma_wait3A_77 = arith.constant 0 : i32
      %dma_wait3A_78 = tpu.memref_slice %arg32[%dma_wait3A_77] : memref<100352xf32, #tpu.memory_space<vmem_shared>> -> memref<100352xf32, #tpu.memory_space<vmem_shared>>
      tpu.wait_indirect_dma semaphore(%arg34 : memref<!tpu.dma_semaphore, #tpu.memory_space<semaphore_mem>>) src(%arg26 : memref<2000xf32, #tpu.memory_space<vmem>>) dst(%dma_wait3A_78 : memref<100352xf32, #tpu.memory_space<vmem_shared>>)
      %dma_wait3A_79 = arith.constant 0 : i32
      %dma_wait3A_80 = tpu.memref_slice %arg33[%dma_wait3A_79] : memref<100352xf32, #tpu.memory_space<vmem_shared>> -> memref<100352xf32, #tpu.memory_space<vmem_shared>>
      tpu.wait_indirect_dma semaphore(%arg34 : memref<!tpu.dma_semaphore, #tpu.memory_space<semaphore_mem>>) src(%arg27 : memref<2000xf32, #tpu.memory_space<vmem>>) dst(%dma_wait3A_80 : memref<100352xf32, #tpu.memory_space<vmem_shared>>)
    }
    %scan3A_13 = arith.constant 50 : i32
    %barrier3A_14 = arith.constant 0 : index
    tpu.barrier barrier_id(%barrier3A_14)
    %mul3A_15 = arith.constant 100352 : i32
    %mul3A_16 = arith.muli %arg0, %mul3A_15 : i32
    %add3A_17 = arith.addi %mul3A_16, %mul3A_2 : i32
    "tpu.region"() ({
      %run_scoped3A = tpu.sem_alloc : memref<!tpu.dma_semaphore, #tpu.memory_space<semaphore_mem>>
      %dma_start3A = tpu.memref_slice %arg31[%mul3A_2] : memref<100352xf32, #tpu.memory_space<vmem_shared>> -> memref<6272xf32, #tpu.memory_space<vmem_shared>>
      %dma_start3A_18 = tpu.memref_slice %arg31[%mul3A_2] : memref<100352xf32, #tpu.memory_space<vmem_shared>> -> memref<6272xf32, #tpu.memory_space<vmem_shared>>
      tpu.enqueue_dma source(%dma_start3A_18 : memref<6272xf32, #tpu.memory_space<vmem_shared>>) target(%arg28 : memref<6272xf32, #tpu.memory_space<vmem>>) target_semaphore(%run_scoped3A : memref<!tpu.dma_semaphore, #tpu.memory_space<semaphore_mem>>)
      %dma_wait3A = tpu.memref_slice %arg31[%mul3A_2] : memref<100352xf32, #tpu.memory_space<vmem_shared>> -> memref<6272xf32, #tpu.memory_space<vmem_shared>>
      %dma_wait3A_19 = tpu.memref_slice %arg31[%mul3A_2] : memref<100352xf32, #tpu.memory_space<vmem_shared>> -> memref<6272xf32, #tpu.memory_space<vmem_shared>>
      tpu.wait_dma2 semaphore(%run_scoped3A : memref<!tpu.dma_semaphore, #tpu.memory_space<semaphore_mem>>) src(%dma_wait3A_19 : memref<6272xf32, #tpu.memory_space<vmem_shared>>) dst(%arg28 : memref<6272xf32, #tpu.memory_space<vmem>>)
      tpu.yield
    }) : () -> ()
    "tpu.region"() ({
      %run_scoped3A = tpu.sem_alloc : memref<!tpu.dma_semaphore, #tpu.memory_space<semaphore_mem>>
      %dma_start3A = tpu.memref_slice %arg12[%add3A_17] : memref<200704xf32, #tpu.memory_space<hbm>> -> memref<6272xf32, #tpu.memory_space<hbm>>
      %dma_start3A_18 = tpu.memref_slice %arg12[%add3A_17] : memref<200704xf32, #tpu.memory_space<hbm>> -> memref<6272xf32, #tpu.memory_space<hbm>>
      tpu.enqueue_dma source(%arg28 : memref<6272xf32, #tpu.memory_space<vmem>>) target(%dma_start3A_18 : memref<6272xf32, #tpu.memory_space<hbm>>) target_semaphore(%run_scoped3A : memref<!tpu.dma_semaphore, #tpu.memory_space<semaphore_mem>>)
      %dma_wait3A = tpu.memref_slice %arg12[%add3A_17] : memref<200704xf32, #tpu.memory_space<hbm>> -> memref<6272xf32, #tpu.memory_space<hbm>>
      %dma_wait3A_19 = tpu.memref_slice %arg12[%add3A_17] : memref<200704xf32, #tpu.memory_space<hbm>> -> memref<6272xf32, #tpu.memory_space<hbm>>
      tpu.wait_dma2 semaphore(%run_scoped3A : memref<!tpu.dma_semaphore, #tpu.memory_space<semaphore_mem>>) src(%arg28 : memref<6272xf32, #tpu.memory_space<vmem>>) dst(%dma_wait3A_19 : memref<6272xf32, #tpu.memory_space<hbm>>)
      tpu.yield
    }) : () -> ()
    "tpu.region"() ({
      %run_scoped3A = tpu.sem_alloc : memref<!tpu.dma_semaphore, #tpu.memory_space<semaphore_mem>>
      %dma_start3A = tpu.memref_slice %arg32[%mul3A_2] : memref<100352xf32, #tpu.memory_space<vmem_shared>> -> memref<6272xf32, #tpu.memory_space<vmem_shared>>
      %dma_start3A_18 = tpu.memref_slice %arg32[%mul3A_2] : memref<100352xf32, #tpu.memory_space<vmem_shared>> -> memref<6272xf32, #tpu.memory_space<vmem_shared>>
      tpu.enqueue_dma source(%dma_start3A_18 : memref<6272xf32, #tpu.memory_space<vmem_shared>>) target(%arg28 : memref<6272xf32, #tpu.memory_space<vmem>>) target_semaphore(%run_scoped3A : memref<!tpu.dma_semaphore, #tpu.memory_space<semaphore_mem>>)
      %dma_wait3A = tpu.memref_slice %arg32[%mul3A_2] : memref<100352xf32, #tpu.memory_space<vmem_shared>> -> memref<6272xf32, #tpu.memory_space<vmem_shared>>
      %dma_wait3A_19 = tpu.memref_slice %arg32[%mul3A_2] : memref<100352xf32, #tpu.memory_space<vmem_shared>> -> memref<6272xf32, #tpu.memory_space<vmem_shared>>
      tpu.wait_dma2 semaphore(%run_scoped3A : memref<!tpu.dma_semaphore, #tpu.memory_space<semaphore_mem>>) src(%dma_wait3A_19 : memref<6272xf32, #tpu.memory_space<vmem_shared>>) dst(%arg28 : memref<6272xf32, #tpu.memory_space<vmem>>)
      tpu.yield
    }) : () -> ()
    "tpu.region"() ({
      %run_scoped3A = tpu.sem_alloc : memref<!tpu.dma_semaphore, #tpu.memory_space<semaphore_mem>>
      %dma_start3A = tpu.memref_slice %arg13[%add3A_17] : memref<200704xf32, #tpu.memory_space<hbm>> -> memref<6272xf32, #tpu.memory_space<hbm>>
      %dma_start3A_18 = tpu.memref_slice %arg13[%add3A_17] : memref<200704xf32, #tpu.memory_space<hbm>> -> memref<6272xf32, #tpu.memory_space<hbm>>
      tpu.enqueue_dma source(%arg28 : memref<6272xf32, #tpu.memory_space<vmem>>) target(%dma_start3A_18 : memref<6272xf32, #tpu.memory_space<hbm>>) target_semaphore(%run_scoped3A : memref<!tpu.dma_semaphore, #tpu.memory_space<semaphore_mem>>)
      %dma_wait3A = tpu.memref_slice %arg13[%add3A_17] : memref<200704xf32, #tpu.memory_space<hbm>> -> memref<6272xf32, #tpu.memory_space<hbm>>
      %dma_wait3A_19 = tpu.memref_slice %arg13[%add3A_17] : memref<200704xf32, #tpu.memory_space<hbm>> -> memref<6272xf32, #tpu.memory_space<hbm>>
      tpu.wait_dma2 semaphore(%run_scoped3A : memref<!tpu.dma_semaphore, #tpu.memory_space<semaphore_mem>>) src(%arg28 : memref<6272xf32, #tpu.memory_space<vmem>>) dst(%dma_wait3A_19 : memref<6272xf32, #tpu.memory_space<hbm>>)
      tpu.yield
    }) : () -> ()
    "tpu.region"() ({
      %run_scoped3A = tpu.sem_alloc : memref<!tpu.dma_semaphore, #tpu.memory_space<semaphore_mem>>
      %dma_start3A = tpu.memref_slice %arg33[%mul3A_2] : memref<100352xf32, #tpu.memory_space<vmem_shared>> -> memref<6272xf32, #tpu.memory_space<vmem_shared>>
      %dma_start3A_18 = tpu.memref_slice %arg33[%mul3A_2] : memref<100352xf32, #tpu.memory_space<vmem_shared>> -> memref<6272xf32, #tpu.memory_space<vmem_shared>>
      tpu.enqueue_dma source(%dma_start3A_18 : memref<6272xf32, #tpu.memory_space<vmem_shared>>) target(%arg28 : memref<6272xf32, #tpu.memory_space<vmem>>) target_semaphore(%run_scoped3A : memref<!tpu.dma_semaphore, #tpu.memory_space<semaphore_mem>>)
      %dma_wait3A = tpu.memref_slice %arg33[%mul3A_2] : memref<100352xf32, #tpu.memory_space<vmem_shared>> -> memref<6272xf32, #tpu.memory_space<vmem_shared>>
      %dma_wait3A_19 = tpu.memref_slice %arg33[%mul3A_2] : memref<100352xf32, #tpu.memory_space<vmem_shared>> -> memref<6272xf32, #tpu.memory_space<vmem_shared>>
      tpu.wait_dma2 semaphore(%run_scoped3A : memref<!tpu.dma_semaphore, #tpu.memory_space<semaphore_mem>>) src(%dma_wait3A_19 : memref<6272xf32, #tpu.memory_space<vmem_shared>>) dst(%arg28 : memref<6272xf32, #tpu.memory_space<vmem>>)
      tpu.yield
    }) : () -> ()
    "tpu.region"() ({
      %run_scoped3A = tpu.sem_alloc : memref<!tpu.dma_semaphore, #tpu.memory_space<semaphore_mem>>
      %dma_start3A = tpu.memref_slice %arg14[%add3A_17] : memref<200704xf32, #tpu.memory_space<hbm>> -> memref<6272xf32, #tpu.memory_space<hbm>>
      %dma_start3A_18 = tpu.memref_slice %arg14[%add3A_17] : memref<200704xf32, #tpu.memory_space<hbm>> -> memref<6272xf32, #tpu.memory_space<hbm>>
      tpu.enqueue_dma source(%arg28 : memref<6272xf32, #tpu.memory_space<vmem>>) target(%dma_start3A_18 : memref<6272xf32, #tpu.memory_space<hbm>>) target_semaphore(%run_scoped3A : memref<!tpu.dma_semaphore, #tpu.memory_space<semaphore_mem>>)
      %dma_wait3A = tpu.memref_slice %arg14[%add3A_17] : memref<200704xf32, #tpu.memory_space<hbm>> -> memref<6272xf32, #tpu.memory_space<hbm>>
      %dma_wait3A_19 = tpu.memref_slice %arg14[%add3A_17] : memref<200704xf32, #tpu.memory_space<hbm>> -> memref<6272xf32, #tpu.memory_space<hbm>>
      tpu.wait_dma2 semaphore(%run_scoped3A : memref<!tpu.dma_semaphore, #tpu.memory_space<semaphore_mem>>) src(%arg28 : memref<6272xf32, #tpu.memory_space<vmem>>) dst(%dma_wait3A_19 : memref<6272xf32, #tpu.memory_space<hbm>>)
      tpu.yield
    }) : () -> ()
    return
  }
}

module attributes {stable_mosaic.version = 14 : i64} {
  func.func @_pinv_rg_body(%arg0: i32, %arg1: memref<8x128xf32, #tpu.memory_space<vmem>>, %arg2: memref<8x128xf32, #tpu.memory_space<vmem>>, %arg3: memref<8x128xf32, #tpu.memory_space<vmem>>, %arg4: memref<8x128xf32, #tpu.memory_space<vmem>>, %arg5: memref<8x128xf32, #tpu.memory_space<vmem>>, %arg6: memref<8x128xf32, #tpu.memory_space<vmem>>, %arg7: memref<8x128xf32, #tpu.memory_space<vmem>>, %arg8: memref<8x128xf32, #tpu.memory_space<vmem>>, %arg9: memref<8x128xf32, #tpu.memory_space<vmem>>, %arg10: memref<8x128xf32, #tpu.memory_space<vmem>>, %arg11: memref<8x128xf32, #tpu.memory_space<vmem>>, %arg12: memref<8x128xf32, #tpu.memory_space<vmem>>, %arg13: memref<8x128xf32, #tpu.memory_space<vmem>>, %arg14: memref<8x128xf32, #tpu.memory_space<vmem>>) attributes {dimension_semantics = [#tpu.dimension_semantics<arbitrary>], iteration_bounds = array<i64: 98>, scalar_prefetch = 0 : i64, scratch_operands = 0 : i64, tpu.core_type = #tpu.core_type<tc>, window_params = [{transform_indices = @transform_0, window_bounds = array<i64: 8, 128>}, {transform_indices = @transform_1, window_bounds = array<i64: 8, 128>}, {transform_indices = @transform_2, window_bounds = array<i64: 8, 128>}, {transform_indices = @transform_3, window_bounds = array<i64: 8, 128>}, {transform_indices = @transform_4, window_bounds = array<i64: 8, 128>}, {transform_indices = @transform_5, window_bounds = array<i64: 8, 128>}, {transform_indices = @transform_6, window_bounds = array<i64: 8, 128>}, {transform_indices = @transform_7, window_bounds = array<i64: 8, 128>}, {transform_indices = @transform_8, window_bounds = array<i64: 8, 128>}, {transform_indices = @transform_9, window_bounds = array<i64: 8, 128>}, {transform_indices = @transform_10, window_bounds = array<i64: 8, 128>}, {transform_indices = @transform_11, window_bounds = array<i64: 8, 128>}, {transform_indices = @transform_12, window_bounds = array<i64: 8, 128>}, {transform_indices = @transform_13, window_bounds = array<i64: 8, 128>}]} {
    %get3A = arith.constant 0 : index
    %get3A_0 = arith.constant 0 : index
    %get3A_1 = vector.load %arg1[%get3A, %get3A_0] : memref<8x128xf32, #tpu.memory_space<vmem>>, vector<8x128xf32>
    %get3A_2 = arith.constant 0 : index
    %get3A_3 = arith.constant 0 : index
    %get3A_4 = vector.load %arg2[%get3A_2, %get3A_3] : memref<8x128xf32, #tpu.memory_space<vmem>>, vector<8x128xf32>
    %add3A = arith.addf %get3A_1, %get3A_4 : vector<8x128xf32>
    %get3A_5 = arith.constant 0 : index
    %get3A_6 = arith.constant 0 : index
    %get3A_7 = vector.load %arg3[%get3A_5, %get3A_6] : memref<8x128xf32, #tpu.memory_space<vmem>>, vector<8x128xf32>
    %get3A_8 = arith.constant 0 : index
    %get3A_9 = arith.constant 0 : index
    %get3A_10 = vector.load %arg4[%get3A_8, %get3A_9] : memref<8x128xf32, #tpu.memory_space<vmem>>, vector<8x128xf32>
    %add3A_11 = arith.addf %get3A_7, %get3A_10 : vector<8x128xf32>
    %get3A_12 = arith.constant 0 : index
    %get3A_13 = arith.constant 0 : index
    %get3A_14 = vector.load %arg5[%get3A_12, %get3A_13] : memref<8x128xf32, #tpu.memory_space<vmem>>, vector<8x128xf32>
    %get3A_15 = arith.constant 0 : index
    %get3A_16 = arith.constant 0 : index
    %get3A_17 = vector.load %arg6[%get3A_15, %get3A_16] : memref<8x128xf32, #tpu.memory_space<vmem>>, vector<8x128xf32>
    %add3A_18 = arith.addf %get3A_14, %get3A_17 : vector<8x128xf32>
    %get3A_19 = arith.constant 0 : index
    %get3A_20 = arith.constant 0 : index
    %get3A_21 = vector.load %arg7[%get3A_19, %get3A_20] : memref<8x128xf32, #tpu.memory_space<vmem>>, vector<8x128xf32>
    %get3A_22 = arith.constant 0 : index
    %get3A_23 = arith.constant 0 : index
    %get3A_24 = vector.load %arg8[%get3A_22, %get3A_23] : memref<8x128xf32, #tpu.memory_space<vmem>>, vector<8x128xf32>
    %add3A_25 = arith.addf %get3A_21, %get3A_24 : vector<8x128xf32>
    %get3A_26 = arith.constant 0 : index
    %get3A_27 = arith.constant 0 : index
    %get3A_28 = vector.load %arg9[%get3A_26, %get3A_27] : memref<8x128xf32, #tpu.memory_space<vmem>>, vector<8x128xf32>
    %get3A_29 = arith.constant 0 : index
    %get3A_30 = arith.constant 0 : index
    %get3A_31 = vector.load %arg10[%get3A_29, %get3A_30] : memref<8x128xf32, #tpu.memory_space<vmem>>, vector<8x128xf32>
    %add3A_32 = arith.addf %get3A_28, %get3A_31 : vector<8x128xf32>
    %get3A_33 = arith.constant 0 : index
    %get3A_34 = arith.constant 0 : index
    %get3A_35 = vector.load %arg11[%get3A_33, %get3A_34] : memref<8x128xf32, #tpu.memory_space<vmem>>, vector<8x128xf32>
    %get3A_36 = arith.constant 0 : index
    %get3A_37 = arith.constant 0 : index
    %get3A_38 = vector.load %arg12[%get3A_36, %get3A_37] : memref<8x128xf32, #tpu.memory_space<vmem>>, vector<8x128xf32>
    %add3A_39 = arith.addf %get3A_35, %get3A_38 : vector<8x128xf32>
    %mul3A = arith.mulf %add3A, %add3A_25 : vector<8x128xf32>
    %mul3A_40 = arith.mulf %add3A_11, %add3A_18 : vector<8x128xf32>
    %sub3A = arith.subf %mul3A, %mul3A_40 : vector<8x128xf32>
    %abs3A = math.absf %sub3A : vector<8x128xf32>
    %gt3A = arith.constant 1.000000e-07 : f32
    %gt3A_41 = vector.broadcast %gt3A : f32 to vector<8x128xf32>
    %gt3A_42 = arith.cmpf ogt, %abs3A, %gt3A_41 : vector<8x128xf32>
    %ge3A = arith.constant 0.000000e+00 : f32
    %ge3A_43 = vector.broadcast %ge3A : f32 to vector<8x128xf32>
    %ge3A_44 = arith.cmpf oge, %sub3A, %ge3A_43 : vector<8x128xf32>
    %jit3A = arith.constant 1.000000e-07 : f32
    %jit3A_45 = arith.constant -1.000000e-07 : f32
    %broadcast_in_dim3A = vector.broadcast %jit3A : f32 to vector<8x128xf32>
    %broadcast_in_dim3A_46 = vector.broadcast %jit3A_45 : f32 to vector<8x128xf32>
    %select_n3A = arith.select %ge3A_44, %broadcast_in_dim3A, %broadcast_in_dim3A_46 : vector<8x128xi1>, vector<8x128xf32>
    %select_n3A_47 = arith.select %gt3A_42, %sub3A, %select_n3A : vector<8x128xi1>, vector<8x128xf32>
    %div3A = arith.divf %add3A_25, %select_n3A_47 : vector<8x128xf32>
    %neg3A = arith.constant 0.000000e+00 : f32
    %neg3A_48 = vector.broadcast %neg3A : f32 to vector<8x128xf32>
    %neg3A_49 = arith.subf %neg3A_48, %add3A_11 : vector<8x128xf32>
    %div3A_50 = arith.divf %neg3A_49, %select_n3A_47 : vector<8x128xf32>
    %neg3A_51 = arith.constant 0.000000e+00 : f32
    %neg3A_52 = vector.broadcast %neg3A_51 : f32 to vector<8x128xf32>
    %neg3A_53 = arith.subf %neg3A_52, %add3A_18 : vector<8x128xf32>
    %div3A_54 = arith.divf %neg3A_53, %select_n3A_47 : vector<8x128xf32>
    %div3A_55 = arith.divf %add3A, %select_n3A_47 : vector<8x128xf32>
    %mul3A_56 = arith.mulf %div3A, %add3A_32 : vector<8x128xf32>
    %mul3A_57 = arith.mulf %div3A_50, %add3A_39 : vector<8x128xf32>
    %add3A_58 = arith.addf %mul3A_56, %mul3A_57 : vector<8x128xf32>
    %neg3A_59 = arith.constant 0.000000e+00 : f32
    %neg3A_60 = vector.broadcast %neg3A_59 : f32 to vector<8x128xf32>
    %neg3A_61 = arith.subf %neg3A_60, %add3A_58 : vector<8x128xf32>
    %swap3A = arith.constant 0 : index
    %swap3A_62 = arith.constant 0 : index
    %swap3A_63 = vector.load %arg13[%swap3A, %swap3A_62] : memref<8x128xf32, #tpu.memory_space<vmem>>, vector<8x128xf32>
    tpu.vector_store %arg13[%swap3A, %swap3A_62], %neg3A_61 {strides = array<i32>} : memref<8x128xf32, #tpu.memory_space<vmem>>, vector<8x128xf32>,
    %mul3A_64 = arith.mulf %div3A_54, %add3A_32 : vector<8x128xf32>
    %mul3A_65 = arith.mulf %div3A_55, %add3A_39 : vector<8x128xf32>
    %add3A_66 = arith.addf %mul3A_64, %mul3A_65 : vector<8x128xf32>
    %neg3A_67 = arith.constant 0.000000e+00 : f32
    %neg3A_68 = vector.broadcast %neg3A_67 : f32 to vector<8x128xf32>
    %neg3A_69 = arith.subf %neg3A_68, %add3A_66 : vector<8x128xf32>
    %swap3A_70 = arith.constant 0 : index
    %swap3A_71 = arith.constant 0 : index
    %swap3A_72 = vector.load %arg14[%swap3A_70, %swap3A_71] : memref<8x128xf32, #tpu.memory_space<vmem>>, vector<8x128xf32>
    tpu.vector_store %arg14[%swap3A_70, %swap3A_71], %neg3A_69 {strides = array<i32>} : memref<8x128xf32, #tpu.memory_space<vmem>>, vector<8x128xf32>,
    return
  }
  func.func @transform_0(%arg0: i32) -> (i32, i32) {
    %c0_i32 = arith.constant 0 : i32
    %c0_i32_0 = arith.constant 0 : i32
    return %arg0, %c0_i32 : i32, i32
  }
  func.func @transform_1(%arg0: i32) -> (i32, i32) {
    %c0_i32 = arith.constant 0 : i32
    %c0_i32_0 = arith.constant 0 : i32
    return %arg0, %c0_i32 : i32, i32
  }
  func.func @transform_2(%arg0: i32) -> (i32, i32) {
    %c0_i32 = arith.constant 0 : i32
    %c0_i32_0 = arith.constant 0 : i32
    return %arg0, %c0_i32 : i32, i32
  }
  func.func @transform_3(%arg0: i32) -> (i32, i32) {
    %c0_i32 = arith.constant 0 : i32
    %c0_i32_0 = arith.constant 0 : i32
    return %arg0, %c0_i32 : i32, i32
  }
  func.func @transform_4(%arg0: i32) -> (i32, i32) {
    %c0_i32 = arith.constant 0 : i32
    %c0_i32_0 = arith.constant 0 : i32
    return %arg0, %c0_i32 : i32, i32
  }
  func.func @transform_5(%arg0: i32) -> (i32, i32) {
    %c0_i32 = arith.constant 0 : i32
    %c0_i32_0 = arith.constant 0 : i32
    return %arg0, %c0_i32 : i32, i32
  }
  func.func @transform_6(%arg0: i32) -> (i32, i32) {
    %c0_i32 = arith.constant 0 : i32
    %c0_i32_0 = arith.constant 0 : i32
    return %arg0, %c0_i32 : i32, i32
  }
  func.func @transform_7(%arg0: i32) -> (i32, i32) {
    %c0_i32 = arith.constant 0 : i32
    %c0_i32_0 = arith.constant 0 : i32
    return %arg0, %c0_i32 : i32, i32
  }
  func.func @transform_8(%arg0: i32) -> (i32, i32) {
    %c0_i32 = arith.constant 0 : i32
    %c0_i32_0 = arith.constant 0 : i32
    return %arg0, %c0_i32 : i32, i32
  }
  func.func @transform_9(%arg0: i32) -> (i32, i32) {
    %c0_i32 = arith.constant 0 : i32
    %c0_i32_0 = arith.constant 0 : i32
    return %arg0, %c0_i32 : i32, i32
  }
  func.func @transform_10(%arg0: i32) -> (i32, i32) {
    %c0_i32 = arith.constant 0 : i32
    %c0_i32_0 = arith.constant 0 : i32
    return %arg0, %c0_i32 : i32, i32
  }
  func.func @transform_11(%arg0: i32) -> (i32, i32) {
    %c0_i32 = arith.constant 0 : i32
    %c0_i32_0 = arith.constant 0 : i32
    return %arg0, %c0_i32 : i32, i32
  }
  func.func @transform_12(%arg0: i32) -> (i32, i32) {
    %c0_i32 = arith.constant 0 : i32
    %c0_i32_0 = arith.constant 0 : i32
    return %arg0, %c0_i32 : i32, i32
  }
  func.func @transform_13(%arg0: i32) -> (i32, i32) {
    %c0_i32 = arith.constant 0 : i32
    %c0_i32_0 = arith.constant 0 : i32
    return %arg0, %c0_i32 : i32, i32
  }
}

module attributes {stable_mosaic.version = 14 : i64} {
  func.func @_final_body(%arg0: i32, %arg1: memref<8x128xf32, #tpu.memory_space<vmem>>, %arg2: memref<8x128xf32, #tpu.memory_space<vmem>>, %arg3: memref<8x128xf32, #tpu.memory_space<vmem>>, %arg4: memref<8x128xf32, #tpu.memory_space<vmem>>, %arg5: memref<8x128xf32, #tpu.memory_space<vmem>>, %arg6: memref<8x128xf32, #tpu.memory_space<vmem>>, %arg7: memref<8x128xf32, #tpu.memory_space<vmem>>, %arg8: memref<8x128xf32, #tpu.memory_space<vmem>>, %arg9: memref<8x128xf32, #tpu.memory_space<vmem>>) attributes {dimension_semantics = [#tpu.dimension_semantics<arbitrary>], iteration_bounds = array<i64: 98>, scalar_prefetch = 0 : i64, scratch_operands = 0 : i64, tpu.core_type = #tpu.core_type<tc>, window_params = [{transform_indices = @transform_0, window_bounds = array<i64: 8, 128>}, {transform_indices = @transform_1, window_bounds = array<i64: 8, 128>}, {transform_indices = @transform_2, window_bounds = array<i64: 8, 128>}, {transform_indices = @transform_3, window_bounds = array<i64: 8, 128>}, {transform_indices = @transform_4, window_bounds = array<i64: 8, 128>}, {transform_indices = @transform_5, window_bounds = array<i64: 8, 128>}, {transform_indices = @transform_6, window_bounds = array<i64: 8, 128>}, {transform_indices = @transform_7, window_bounds = array<i64: 8, 128>}, {transform_indices = @transform_8, window_bounds = array<i64: 8, 128>}]} {
    %get3A = arith.constant 0 : index
    %get3A_0 = arith.constant 0 : index
    %get3A_1 = vector.load %arg3[%get3A, %get3A_0] : memref<8x128xf32, #tpu.memory_space<vmem>>, vector<8x128xf32>
    %get3A_2 = arith.constant 0 : index
    %get3A_3 = arith.constant 0 : index
    %get3A_4 = vector.load %arg4[%get3A_2, %get3A_3] : memref<8x128xf32, #tpu.memory_space<vmem>>, vector<8x128xf32>
    %add3A = arith.addf %get3A_1, %get3A_4 : vector<8x128xf32>
    %get3A_5 = arith.constant 0 : index
    %get3A_6 = arith.constant 0 : index
    %get3A_7 = vector.load %arg5[%get3A_5, %get3A_6] : memref<8x128xf32, #tpu.memory_space<vmem>>, vector<8x128xf32>
    %get3A_8 = arith.constant 0 : index
    %get3A_9 = arith.constant 0 : index
    %get3A_10 = vector.load %arg6[%get3A_8, %get3A_9] : memref<8x128xf32, #tpu.memory_space<vmem>>, vector<8x128xf32>
    %add3A_11 = arith.addf %get3A_7, %get3A_10 : vector<8x128xf32>
    %get3A_12 = arith.constant 0 : index
    %get3A_13 = arith.constant 0 : index
    %get3A_14 = vector.load %arg1[%get3A_12, %get3A_13] : memref<8x128xf32, #tpu.memory_space<vmem>>, vector<8x128xf32>
    %get3A_15 = arith.constant 0 : index
    %get3A_16 = arith.constant 0 : index
    %get3A_17 = vector.load %arg2[%get3A_15, %get3A_16] : memref<8x128xf32, #tpu.memory_space<vmem>>, vector<8x128xf32>
    %add3A_18 = arith.addf %get3A_14, %get3A_17 : vector<8x128xf32>
    %get3A_19 = arith.constant 0 : index
    %get3A_20 = arith.constant 0 : index
    %get3A_21 = vector.load %arg7[%get3A_19, %get3A_20] : memref<8x128xf32, #tpu.memory_space<vmem>>, vector<8x128xf32>
    %mul3A = arith.mulf %get3A_21, %add3A : vector<8x128xf32>
    %get3A_22 = arith.constant 0 : index
    %get3A_23 = arith.constant 0 : index
    %get3A_24 = vector.load %arg8[%get3A_22, %get3A_23] : memref<8x128xf32, #tpu.memory_space<vmem>>, vector<8x128xf32>
    %mul3A_25 = arith.mulf %get3A_24, %add3A_11 : vector<8x128xf32>
    %add3A_26 = arith.addf %mul3A, %mul3A_25 : vector<8x128xf32>
    %sub3A = arith.subf %add3A_18, %add3A_26 : vector<8x128xf32>
    %mul3A_27 = arith.constant 6.065270e-02 : f32
    %mul3A_28 = vector.broadcast %mul3A_27 : f32 to vector<8x128xf32>
    %mul3A_29 = arith.mulf %sub3A, %mul3A_28 : vector<8x128xf32>
    %swap3A = arith.constant 0 : index
    %swap3A_30 = arith.constant 0 : index
    %swap3A_31 = vector.load %arg9[%swap3A, %swap3A_30] : memref<8x128xf32, #tpu.memory_space<vmem>>, vector<8x128xf32>
    tpu.vector_store %arg9[%swap3A, %swap3A_30], %mul3A_29 {strides = array<i32>} : memref<8x128xf32, #tpu.memory_space<vmem>>, vector<8x128xf32>,
    return
  }
  func.func @transform_0(%arg0: i32) -> (i32, i32) {
    %c0_i32 = arith.constant 0 : i32
    %c0_i32_0 = arith.constant 0 : i32
    return %arg0, %c0_i32 : i32, i32
  }
  func.func @transform_1(%arg0: i32) -> (i32, i32) {
    %c0_i32 = arith.constant 0 : i32
    %c0_i32_0 = arith.constant 0 : i32
    return %arg0, %c0_i32 : i32, i32
  }
  func.func @transform_2(%arg0: i32) -> (i32, i32) {
    %c0_i32 = arith.constant 0 : i32
    %c0_i32_0 = arith.constant 0 : i32
    return %arg0, %c0_i32 : i32, i32
  }
  func.func @transform_3(%arg0: i32) -> (i32, i32) {
    %c0_i32 = arith.constant 0 : i32
    %c0_i32_0 = arith.constant 0 : i32
    return %arg0, %c0_i32 : i32, i32
  }
  func.func @transform_4(%arg0: i32) -> (i32, i32) {
    %c0_i32 = arith.constant 0 : i32
    %c0_i32_0 = arith.constant 0 : i32
    return %arg0, %c0_i32 : i32, i32
  }
  func.func @transform_5(%arg0: i32) -> (i32, i32) {
    %c0_i32 = arith.constant 0 : i32
    %c0_i32_0 = arith.constant 0 : i32
    return %arg0, %c0_i32 : i32, i32
  }
  func.func @transform_6(%arg0: i32) -> (i32, i32) {
    %c0_i32 = arith.constant 0 : i32
    %c0_i32_0 = arith.constant 0 : i32
    return %arg0, %c0_i32 : i32, i32
  }
  func.func @transform_7(%arg0: i32) -> (i32, i32) {
    %c0_i32 = arith.constant 0 : i32
    %c0_i32_0 = arith.constant 0 : i32
    return %arg0, %c0_i32 : i32, i32
  }
  func.func @transform_8(%arg0: i32) -> (i32, i32) {
    %c0_i32 = arith.constant 0 : i32
    %c0_i32_0 = arith.constant 0 : i32
    return %arg0, %c0_i32 : i32, i32
  }
}

</mosaic_0001>

<sc_bundles>
// kernel: kernel.6.cloned.1.call-start
scs
__scs_entry_jumppad:
0x0: {  	(pc) =	sbr.rel $0x88, $3  }
0x1: {  	(tag) =	ssettag $0x0;
	lr =	simm.s32 $0x1  }
0x2: {  	[smem:$0x3F9A] =	sst lr;
	_ =	strace $0xD0000000  }
0x3: {  	_ = 	snop  }
0x4: {  	_ = 	snop  }
0x5: {  	_ = 	snop  }
0x6: {  	_ = 	snop  }
0x7: {  	_ = 	snop  }
__scs_overlays_trampoline_lowered:
0x8: {  	[smem:$0x3FA9] =	sst s0  }
0x9: {  	[smem:$0x3FAA] =	sst s1  }
0xa: {  	[smem:$0x3FAB] =	sst s2  }
0xb: {  	[smem:$0x3FAC] =	sst s3  }
0xc: {  	[smem:$0x3FAD] =	sst s4  }
0xd: {  	[smem:$0x3FAE] =	sst s5  }
0xe: {  	[smem:$0x3FAF] =	sst s6  }
0xf: {  	[smem:$0x3FB0] =	sst s7  }
0x10: {  	[smem:$0x3FB1] =	sst s8  }
0x11: {  	[smem:$0x3FB2] =	sst s9;
	s0 =	simm.s32 @!p0 $0x0  }
0x12: {  	s1 =	sld [smem:$0x3F98];
	s0 =	simm.s32 @p0 $0x1  }
0x13: {  	[smem:$0x3FB3] =	sst s0;
	s0 =	simm.s32 @!p1 $0x0  }
0x14: {  	s2 =	sld [smem:$0x3F97];
	s0 =	simm.s32 @p1 $0x1  }
0x15: {  	[smem:$0x3FB4] =	sst s0;
	s0 =	simm.s32 @!p2 $0x0  }
0x16: {  	s3 =	sld [smem:$0x3FDB];
	s0 =	simm.s32 @p2 $0x1  }
0x17: {  	s4 =	simm.s32 $0x1BF5;
	[smem:$0x3FB6] =	sst s0  }
0x18: {  	s0 =	sld [smem:$0x3F99];
	_ =	swait.ge [sflag:s4], $0x0  }
0x19: {  	s7 =	sld [smem:$0x3F9A]  }
0x1a: {  	s8 =	sadd.s32 $0xFFFFE003, lr  }
0x1b: {  	s9 =	sadd.s32 $0xFFFFFEF7, lr;
	s5 =	simm.s32 $0xFFFFFFFF;
	p2 =	slt.u32 s8, $0xFFFFF086  }
0x1c: {  	p1 =	slt.u32 s9, $0xF7A;
	s5 =	simm.s32 @!p2 $0x0  }
0x1d: {  	s5 =	simm.s32 @p1 $0x1;
	p0 =	seq.s32 s7, s2  }
0x1e: {  	s7 =	smul.u32 @!p0 $0xF7A, s2;
	p2 =	seq.s32 @!p0 s5, $0x0  }
0x1f: {  	s9 =	smul.u32 $0xF7A, s1;
	s8 =	simm.s32 @!p0 $0x1BF5;
	p2 =	por !p2, p0  }
0x20: {  	[sflag:s8] =	ssyncset.s32 @!p0 $0xFFFFF086;
	s6 =	sadd.s32 @!p0 s3, s7;
	s7 =	simm.s32 @!p0 $0x108  }
0x21: {  	s3 =	sadd.s32 s3, s9;
	s6 =	sadd.s32 @!p0 $0x88, s6;
	s7 =	simm.s32 @p2 $0x1082  }
0x22: {  	[simem:s7], [sflag:s8] =	dma.local @!p0 [hbm:s6], $0xF7A  }
0x23: {  	s9 =	sor.u32 $0xD0000000, s2;
	s6 =	simm.s32 $0x108;
	_ =	swait.ge @!p0 [sflag:s8], $0x0  }
0x24: {  	s3 =	sadd.s32 $0x88, s3;
	s6 =	simm.s32 @!p1 $0x1082;
	[sflag:s4] =	ssyncset.s32 $0xFFFFF086  }
0x25: {  	[simem:s6], [sflag:s4] =	dma.local [hbm:s3], $0xF7A  }
0x26: {  	[smem:$0x3F9A] =	sst s1;
	(tag) =	ssettag s2;
	_ =	strace s9  }
0x27: {  	s1 =	sld [smem:$0x3FAA]  }
0x28: {  	s2 =	sld [smem:$0x3FAB]  }
0x29: {  	s4 =	sld [smem:$0x3FAD]  }
0x2a: {  	p0 =	seq.s32 s5, $0x0;
	s5 =	sld [smem:$0x3FAE]  }
0x2b: {  	s6 =	sld [smem:$0x3FAF]  }
0x2c: {  	s7 =	sld [smem:$0x3FB0]  }
0x2d: {  	s3 =	simm.s32 $0x108;
	s8 =	sld [smem:$0x3FB1]  }
0x2e: {  	s3 =	simm.s32 @!p0 $0x1082;
	s9 =	sld [smem:$0x3FB2]  }
0x2f: {  	lr =	sadd.s32 s0, s3;
	s0 =	sld [smem:$0x3FA9]  }
0x30: {  	s3 =	sld [smem:$0x3FAC]  }
0x31: {  	[smem:$0x3FB5] =	sst s10  }
0x32: {  	s10 =	sld [smem:$0x3FB3];
	_ =	sdelay $0x3  }
0x33: {  	p0 =	seq.s32 s10, $0x1;
	s10 =	sld [smem:$0x3FB5];
	_ =	sdelay $0x3  }
0x34: {  	[smem:$0x3FB5] =	sst s10  }
0x35: {  	s10 =	sld [smem:$0x3FB4];
	_ =	sdelay $0x3  }
0x36: {  	p1 =	seq.s32 s10, $0x1;
	s10 =	sld [smem:$0x3FB5];
	_ =	sdelay $0x3  }
0x37: {  	[smem:$0x3FB5] =	sst s10  }
0x38: {  	s10 =	sld [smem:$0x3FB6]  }
0x39: {  	_ = 	snop;
	(pc) =	sbr.ind lr, $3  }
0x3a: {  	_ = 	snop  }
0x3b: {  	_ = 	snop  }
0x3c: {  	p2 =	seq.s32 s10, $0x1;
	s10 =	sld [smem:$0x3FB5]  }
0x3d: {  	_ =	shalt  }
0x3e: {  	_ =	shalt  }
0x3f: {  	_ =	shalt  }
0x40: {  	_ =	shalt  }
0x41: {  	_ =	shalt  }
0x42: {  	_ =	shalt  }
0x43: {  	_ =	shalt  }
0x44: {  	_ =	shalt  }
0x45: {  	_ =	shalt  }
0x46: {  	_ =	shalt  }
0x47: {  	_ =	shalt  }
0x48: {  	_ =	shalt  }
0x49: {  	_ =	shalt  }
0x4a: {  	_ =	shalt  }
0x4b: {  	_ =	shalt  }
0x4c: {  	_ =	shalt  }
0x4d: {  	_ =	shalt  }
0x4e: {  	_ =	shalt  }
0x4f: {  	_ =	shalt  }
0x50: {  	_ =	shalt  }
0x51: {  	_ =	shalt  }
0x52: {  	_ =	shalt  }
0x53: {  	_ =	shalt  }
0x54: {  	_ =	shalt  }
0x55: {  	_ =	shalt  }
0x56: {  	_ =	shalt  }
0x57: {  	_ =	shalt  }
0x58: {  	_ =	shalt  }
0x59: {  	_ =	shalt  }
0x5a: {  	_ =	shalt  }
0x5b: {  	_ =	shalt  }
0x5c: {  	_ =	shalt  }
0x5d: {  	_ =	shalt  }
0x5e: {  	_ =	shalt  }
0x5f: {  	_ =	shalt  }
0x60: {  	_ =	shalt  }
0x61: {  	_ =	shalt  }
0x62: {  	_ =	shalt  }
0x63: {  	_ =	shalt  }
0x64: {  	_ =	shalt  }
0x65: {  	_ =	shalt  }
0x66: {  	_ =	shalt  }
0x67: {  	_ =	shalt  }
0x68: {  	_ =	shalt  }
0x69: {  	_ =	shalt  }
0x6a: {  	_ =	shalt  }
0x6b: {  	_ =	shalt  }
0x6c: {  	_ =	shalt  }
0x6d: {  	_ =	shalt  }
0x6e: {  	_ =	shalt  }
0x6f: {  	_ =	shalt  }
0x70: {  	_ =	shalt  }
0x71: {  	_ =	shalt  }
0x72: {  	_ =	shalt  }
0x73: {  	_ =	shalt  }
0x74: {  	_ =	shalt  }
0x75: {  	_ =	shalt  }
0x76: {  	_ =	shalt  }
0x77: {  	_ =	shalt  }
0x78: {  	_ =	shalt  }
0x79: {  	_ =	shalt  }
0x7a: {  	_ =	shalt  }
0x7b: {  	_ =	shalt  }
0x7c: {  	_ =	shalt  }
0x7d: {  	_ =	shalt  }
0x7e: {  	_ =	shalt  }
0x7f: {  	_ =	shalt  }
0x80: {  	_ =	shalt  }
0x81: {  	_ =	shalt  }
0x82: {  	_ =	shalt  }
0x83: {  	_ =	shalt  }
0x84: {  	_ =	shalt  }
0x85: {  	_ =	shalt  }
0x86: {  	_ =	shalt  }
0x87: {  	_ =	shalt  }
.Lfunc_end0:
.L_simem_size_0:
called_computation_lowered:
.L_overlay_start_0:
0x88: {  	s2 =	sld [smem:$0x3FD9]  }
0x89: {  	s3 =	sld [smem:$0x3FFE];
	_ =	sdelay $0x1  }
0x8a: {  	s1 =	srdreg.scid  }
0x8b: {  	s0 =	sand.u32 $0x1, s1  }
0x8c: {  	s12 =	sshll.u32 s0, $0xA;
	s2 =	sadd.s32 s3, s2  }
0x8d: {  	s2 =	sadd.s32 s2, s12  }
0x8e: {  	[smem:$0x3FC1] =	sst s2  }
0x8f: {  	_ = 	snop  }
0x90: {  	s2 =	sld [smem:$0x3FC6]  }
0x91: {  	s5 =	sld [smem:$0x3FC4]  }
0x92: {  	s6 =	sld [smem:$0x3FC3]  }
0x93: {  	s4 =	sld [smem:$0x3FD0];
	(tm) =	ssettm $0x1  }
0x94: {  	s13 =	sld [smem:$0x3FFB];
	_ =	sdelay $0x3  }
0x95: {  	_ =	strace s13  }
0x96: {  	s3 =	sld [smem:$0x3FFC];
	_ =	sdelay $0x3  }
0x97: {  	_ =	strace s3  }
0x98: {  	s3 =	sld [smem:$0x3FFD];
	_ =	sdelay $0x3  }
0x99: {  	_ =	strace s3  }
0x9a: {  	_ =	strace $0x8FFFFFFF  }
0x9b: {  	s14 =	sld [smem:$0x3FDB];
	_ =	sdelay $0x1  }
0x9c: {  	s7 =	simm.s32 $_scs_section_size  }
0x9d: {  	s8 =	simm.s32 $_size__tile_task_arg_handler_lowered;
	s9 =	simm.s32 $_tile_task_arg_handler_lowered  }
0x9e: {  	s17 =	simm.s32 $0x1BFF;
	s16 =	sshll.u32 s9, $0x1;
	s7 =	sadd.s32 s7, s14  }
0x9f: {  	s10 =	simm.s32 $0x60;
	s15 =	sshll.u32 s8, $0x1;
	s8 =	sadd.s32 s16, s7  }
0xa0: {  	[timem:s10], [sflag:s17] =	dma.local [hbm:s8], s15  }
0xa1: {  	_ =	swait.ge [sflag:s17], s15  }
0xa2: {  	s18 =	simm.s32 $_tile_overlayer_lowered;
	s3 =	ssub.s32 $0x0, s15;
	[sflag:s17] =	ssyncset.done $0x0  }
0xa3: {  	s19 =	simm.s32 $_size__tile_overlayer_lowered;
	s8 =	sshll.u32 s18, $0x1;
	[sflag:s17] =	ssyncadd.s32 s3  }
0xa4: {  	s21 =	simm.s32 $0x0;
	s20 =	sshll.u32 s19, $0x1;
	s8 =	sadd.s32 s8, s7  }
0xa5: {  	[timem:s21], [sflag:s17] =	dma.local [hbm:s8], s20  }
0xa6: {  	_ =	swait.ge [sflag:s17], s20  }
0xa7: {  	s22 =	ssub.s32 $0x0, s20;
	[sflag:s17] =	ssyncset.done $0x0  }
0xa8: {  	[sflag:s17] =	ssyncadd.s32 s22;
	_ =	sdelay $0x1  }
0xa9: {  	s23 =	simm.s32 $0x1B8B  }
0xaa: {  	_ =	swait.ge [sflag:s23], $0x1  }
0xab: {  	[sflag:s23] =	ssyncset.done $0x0  }
0xac: {  	s25 =	simm.s32 $0x1B8E;
	s24 =	sld [smem:$0x3FFE];
	[sflag:s23] =	ssyncadd.s32 $0xFFFFFFFF  }
0xad: {  	s26 =	simm.s32 $execute0_lowered;
	[smem:$0x3FD2] =	sst s25  }
0xae: {  	s9 =	sshll.u32 s26, $0x1;
	_ =	strace $0x80000046;
	[dreg:$0x1] =	wrdreg $0xFFFFFFFF  }
0xaf: {  	s28 =	simm.s32 $_size_execute0_lowered;
	s7 =	sadd.s32 s7, s9;
	[dreg:$0x0] =	wrdreg $0x0  }
0xb0: {  	s9 =	sshll.u32 s28, $0x1;
	[dreg:$0x2] =	wrdreg s7  }
0xb1: {  	[dreg:$0x3] =	wrdreg s9  }
0xb2: {  	[dreg:$0x4] =	wrdreg $0xC0  }
0xb3: {  	_ =	task [dreg:s21], $0x5FFFF  }
0xb4: {  	[dreg:$0x1] =	wrdreg $0xFFFFFFFF  }
0xb5: {  	[dreg:$0x0] =	wrdreg $0x30  }
0xb6: {  	[dreg:$0x2] =	wrdreg $0x0  }
0xb7: {  	[dreg:$0x3] =	wrdreg $0x1A8B00  }
0xb8: {  	[dreg:$0x4] =	wrdreg $0x9  }
0xb9: {  	_ =	task [dreg:s21], $0x5FFFF  }
0xba: {  	[dreg:$0x1] =	wrdreg $0xFFFFFFFF  }
0xbb: {  	[dreg:$0x0] =	wrdreg $0x60  }
0xbc: {  	[dreg:$0x2] =	wrdreg s5  }
0xbd: {  	[dreg:$0x3] =	wrdreg s6  }
0xbe: {  	[dreg:$0x4] =	wrdreg s24  }
0xbf: {  	[dreg:$0x5] =	wrdreg s2  }
0xc0: {  	[dreg:$0x6] =	wrdreg s4  }
0xc1: {  	[dreg:$0x7] =	wrdreg $0xCC300  }
0xc2: {  	[dreg:$0x8] =	wrdreg $0xE4B00  }
0xc3: {  	[dreg:$0x9] =	wrdreg $0xFD300  }
0xc4: {  	[dreg:$0xa] =	wrdreg $0x115B00  }
0xc5: {  	[dreg:$0xb] =	wrdreg $0x12E300  }
0xc6: {  	[dreg:$0xc] =	wrdreg $0x146B00  }
0xc7: {  	[dreg:$0xd] =	wrdreg $0x15F300  }
0xc8: {  	[dreg:$0xe] =	wrdreg $0x177B00  }
0xc9: {  	[dreg:$0xf] =	wrdreg $0x190300  }
0xca: {  	_ =	task.clear_ibuf [dreg:s21], $0x10FFFF;
	_ =	strace $0x90000046  }
0xcb: {  	s29 =	simm.s32 $0x9;
	_ =	strace $0x80000048  }
0xcc: {  	_ =	swait.ge [sflag:s29], $0x1  }
0xcd: {  	[sflag:s29] =	ssyncadd.s32 $0xFFFFFFFF  }
0xce: {  	_ =	strace $0x90000048  }
0xcf: {  	_ =	sfence  }
0xd0: {  	s30 =	sld [smem:$0x0];
	_ =	sdelay $0x2  }
0xd1: {  	s31 =	sshll.u32 s1, $0xD;
	s1 =	sshrl.u32 s1, $0x2  }
0xd2: {  	s4 =	sand.u32 $0x4000, s31;
	s1 =	sadd.s32 s1, s30  }
0xd3: {  	s0 =	sor.u32 s4, s0;
	s1 =	sshll.u32 s1, $0x11  }
0xd4: {  	s0 =	sor.u32 s1, s0  }
0xd5: {  	s0 =	sadd.s32 $0x8F2B, s0  }
0xd6: {  	[sflag:s0] =	ssyncadd.remote.s32 $0x1  }
0xd7: {  	_ =	sfence.sel $0xFFFF  }
0xd8: {  	[dreg:$0x0] =	wrdreg $0xFFFFFFFF;
	(pc) =	sbr.abs _section_cstart, $3  }
0xd9: {  	[dreg:$0x1] =	wrdreg $0xFFFFFFFF  }
0xda: {  	_ =	task.clear_ibuf [dreg:s21], $0x2FFFF;
	_ =	strace $0x9FFFFFFF  }
0xdb: {  	(tm) =	ssettm $0x7FFFFFFF  }
tec
_tile_task_arg_handler_lowered:
.L_overlay_start_1:
0x0: {  	(tag) =	ssettag $0x1  }
0x1: {  	s0 =	rddreg [dreg:$0x0]  }
0x2: {  	s1 =	rddreg [dreg:$0x1]  }
0x3: {  	s2 =	rddreg [dreg:$0x2]  }
0x4: {  	s3 =	rddreg [dreg:$0x3]  }
0x5: {  	s4 =	rddreg [dreg:$0x4]  }
0x6: {  	s5 =	rddreg [dreg:$0x5]  }
0x7: {  	s6 =	rddreg [dreg:$0x6]  }
0x8: {  	s7 =	rddreg [dreg:$0x7]  }
0x9: {  	s8 =	rddreg [dreg:$0x8]  }
0xa: {  	s9 =	rddreg [dreg:$0x9]  }
0xb: {  	s10 =	rddreg [dreg:$0xa]  }
0xc: {  	s11 =	rddreg [dreg:$0xb]  }
0xd: {  	s12 =	rddreg [dreg:$0xc]  }
0xe: {  	s13 =	rddreg [dreg:$0xd]  }
0xf: {  	[smem:s0] =	sst s1  }
0x10: {  	[smem:s0+$0x1] =	sst s2  }
0x11: {  	[smem:s0+$0x2] =	sst s3  }
0x12: {  	[smem:s0+$0x3] =	sst s4  }
0x13: {  	[smem:s0+$0x4] =	sst s5  }
0x14: {  	[smem:s0+$0x5] =	sst s6  }
0x15: {  	[smem:s0+$0x6] =	sst s7  }
0x16: {  	[smem:s0+$0x7] =	sst s8  }
0x17: {  	[smem:s0+$0x8] =	sst s9  }
0x18: {  	[smem:s0+$0x9] =	sst s10  }
0x19: {  	[smem:s0+$0xA] =	sst s11  }
0x1a: {  	[smem:s0+$0xB] =	sst s12  }
0x1b: {  	[smem:s0+$0xC] =	sst s13;
	_ =	shalt  }
.Lfunc_end2:
execute0_lowered:
.L_overlay_start_2:
0x1c: {  	(tag) =	ssettag $0x2  }
0x1d: {  	s0 =	rddreg [dreg:$0x2]  }
0x1e: {  	s1 =	rddreg [dreg:$0x4]  }
0x1f: {  	s3 =	rddreg [dreg:$0x5]  }
0x20: {  	s4 =	rddreg [dreg:$0x6]  }
0x21: {  	s11 =	rddreg [dreg:$0x7]  }
0x22: {  	s6 =	rddreg [dreg:$0x8]  }
0x23: {  	s12 =	rddreg [dreg:$0x9]  }
0x24: {  	s14 =	rddreg [dreg:$0xa]  }
0x25: {  	s18 =	rddreg [dreg:$0xb]  }
0x26: {  	s25 =	rddreg [dreg:$0xc];
	s13 =	simm.s32 $0x0  }
0x27: {  	s19 =	stileid.u32;
	[smem:$0x7FF] =	sst s13  }
0x28: {  	s5 =	smul.u32 $0x1880, s19;
	s2 =	sld [smem:$0x1]  }
0x29: {  	s26 =	rddreg [dreg:$0xd];
	s23 =	srdreg.scid;
	s31 =	simm.s32 $0x3  }
0x2a: {  	s28 =	simm.s32 $0x1;
	s15 =	sld [smem:$0x0];
	s10 =	sshrl.u32 s5, $0x3  }
0x2b: {  	s26 =	sadd.s32 s5, s26;
	[dreg:$0xe] =	wrdreg s2;
	s2 =	sand.u32 $0x1, s23  }
0x2c: {  	s1 =	sadd.s32 s1, s10;
	s7 =	ssub.s32 $0x2, s2;
	s8 =	smul.u32 $0x18800, s2  }
0x2d: {  	_ =	strace $0x80000047;
	[dreg:$0xf] =	wrdreg s1;
	s9 =	sshrl.u32 s7, $0x1  }
0x2e: {  	s7 =	ssub.s32 s7, s9;
	s9 =	sadd.s32 s10, s0;
	s8 =	sadd.s32 s5, s8  }
0x2f: {  	[dreg:$0x1b] =	wrdreg s26;
	s8 =	sshrl.u32 s8, $0x3;
	s10 =	sadd.s32 $0x8400, s9  }
0x30: {  	s1 =	sadd.s32 s8, s0;
	[dreg:$0x10] =	wrdreg s10;
	s8 =	sadd.s32 $0x2000, s9  }
0x31: {  	s29 =	simm.s32 $0x6590;
	s10 =	sadd.s32 $0x5200, s9;
	[dreg:$0x11] =	wrdreg s8  }
0x32: {  	s16 =	sadd.s32 $0x6D200, s0;
	s9 =	sadd.s32 s5, s4;
	[dreg:$0x12] =	wrdreg s10  }
0x33: {  	s24 =	sshll.u32 s19, $0x1;
	s8 =	sadd.s32 s5, s3;
	[dreg:$0x14] =	wrdreg s9  }
0x34: {  	s2 =	sor.u32 s2, s24;
	s10 =	sadd.s32 s5, s11;
	[dreg:$0x13] =	wrdreg s8  }
0x35: {  	s30 =	smul.u32 $0x186A0, s2;
	s11 =	sadd.s32 s5, s6;
	[dreg:$0x15] =	wrdreg s10  }
0x36: {  	s2 =	sadd.s32 $0xED800, s1;
	s9 =	sadd.s32 $0xCEE00, s1;
	[dreg:$0x16] =	wrdreg s11  }
0x37: {  	s10 =	sadd.s32 s5, s12;
	s11 =	sadd.s32 s5, s14;
	[dreg:$0x1e] =	wrdreg s2  }
0x38: {  	s12 =	sadd.s32 s5, s18;
	s14 =	sadd.s32 s5, s15;
	[smem:$0x7FA] =	sst s9  }
0x39: {  	s18 =	sadd.s32 s5, s25;
	s25 =	sadd.s32 $0xE7600, s1;
	[dreg:$0x1c] =	wrdreg s14  }
0x3a: {  	s17 =	sadd.s32 $0xB600, s0;
	s5 =	sadd.s32 $0xDB200, s1;
	[dreg:$0x1d] =	wrdreg s25  }
0x3b: {  	s20 =	sadd.s32 $0x155600, s0;
	s8 =	sadd.s32 $0xE1400, s1;
	[dreg:$0x1f] =	wrdreg s5  }
0x3c: {  	s19 =	sadd.s32 $0xF3A00, s0;
	s21 =	sadd.s32 $0x1B7200, s0;
	[smem:$0x7F9] =	sst s8  }
0x3d: {  	s22 =	sadd.s32 $0x218E00, s0;
	s23 =	sadd.s32 $0x27AA00, s0;
	[dreg:$0x17] =	wrdreg s10  }
0x3e: {  	s24 =	sadd.s32 $0x2DC600, s0;
	s0 =	simm.s32 $0x7530;
	[dreg:$0x18] =	wrdreg s11  }
0x3f: {  	s9 =	simm.s32 $0x6D60;
	s2 =	simm.s32 $0x84D0;
	[dreg:$0x19] =	wrdreg s12  }
0x40: {  	s14 =	sadd.s32 $0xD5000, s1;
	s25 =	smax.u32 s7, $0x1;
	[dreg:$0x1a] =	wrdreg s18  }
0x41: {  	s8 =	simm.s32 $0xB3B0;
	s7 =	simm.s32 $0x55F0;
	[smem:$0x7FB] =	sst s14  }
0x42: {  	s1 =	simm.s32 $0x7D00;
	s5 =	simm.s32 $0x0;
	[smem:$0x7FC] =	sst s25  }
0x43: {  	v0 =	vimm.f32 $0.0e+00;
	s14 =	simm.s32 $0x7D0;
	s25 =	simm.s32 $0x2;
	[smem:$0x7FD] =	sst s5  }
.LBB3_1:
0x44: {  	s5 =	rddreg [dreg:$0xf]  }
0x45: {  	[tilespmem:s8], [sflag:$0x3] =	stream.linear.gather [hbm4b:s5+s13], $0x1880, $0x38;
	[tilespmem:$0x1C130] =	vst v63  }
0x46: {  	_ =	swait.ge [sflag:s31], $0x1880  }
0x47: {  	[sflag:s31] =	ssyncset.done $0x0  }
0x48: {  	s5 =	rddreg [dreg:$0x13];
	[sflag:s31] =	ssyncadd.s32 $0xFFFFE780  }
0x49: {  	[spmem:s5] =	stream.linear.scatter [tilespmem:s8], [sflag:$0x3], $0x1880, $0x38;
	[tilespmem:$0x1C130] =	vst v63  }
0x4a: {  	_ =	swait.ge [sflag:s31], $0x1880  }
0x4b: {  	[sflag:s31] =	ssyncset.done $0x0  }
0x4c: {  	s5 =	rddreg [dreg:$0x10];
	[sflag:s31] =	ssyncadd.s32 $0xFFFFE780  }
0x4d: {  	[tilespmem:s8], [sflag:$0x3] =	stream.linear.gather [hbm4b:s5+s13], $0x1880, $0x38;
	[tilespmem:$0x1C130] =	vst v63  }
0x4e: {  	_ =	swait.ge [sflag:s31], $0x1880  }
0x4f: {  	[sflag:s31] =	ssyncset.done $0x0  }
0x50: {  	s5 =	rddreg [dreg:$0x14];
	[sflag:s31] =	ssyncadd.s32 $0xFFFFE780  }
0x51: {  	[spmem:s5] =	stream.linear.scatter [tilespmem:s8], [sflag:$0x3], $0x1880, $0x38;
	[tilespmem:$0x1C130] =	vst v63  }
0x52: {  	_ =	swait.ge [sflag:s31], $0x1880  }
0x53: {  	[sflag:s31] =	ssyncset.done $0x0  }
0x54: {  	s5 =	rddreg [dreg:$0x11];
	[sflag:s31] =	ssyncadd.s32 $0xFFFFE780  }
0x55: {  	[tilespmem:s8], [sflag:$0x3] =	stream.linear.gather [hbm4b:s5+s13], $0x1880, $0x38;
	[tilespmem:$0x1C130] =	vst v63  }
0x56: {  	_ =	swait.ge [sflag:s31], $0x1880  }
0x57: {  	[sflag:s31] =	ssyncset.done $0x0  }
0x58: {  	s5 =	rddreg [dreg:$0x15];
	[sflag:s31] =	ssyncadd.s32 $0xFFFFE780  }
0x59: {  	[spmem:s5] =	stream.linear.scatter [tilespmem:s8], [sflag:$0x3], $0x1880, $0x38;
	[tilespmem:$0x1C130] =	vst v63  }
0x5a: {  	_ =	swait.ge [sflag:s31], $0x1880  }
0x5b: {  	[sflag:s31] =	ssyncset.done $0x0  }
0x5c: {  	s5 =	rddreg [dreg:$0x12];
	[sflag:s31] =	ssyncadd.s32 $0xFFFFE780  }
0x5d: {  	[tilespmem:s8], [sflag:$0x3] =	stream.linear.gather [hbm4b:s5+s13], $0x1880, $0x38;
	[tilespmem:$0x1C130] =	vst v63  }
0x5e: {  	_ =	swait.ge [sflag:s31], $0x1880  }
0x5f: {  	[sflag:s31] =	ssyncset.done $0x0  }
0x60: {  	s5 =	rddreg [dreg:$0x16];
	[sflag:s31] =	ssyncadd.s32 $0xFFFFE780  }
0x61: {  	[spmem:s5] =	stream.linear.scatter [tilespmem:s8], [sflag:$0x3], $0x1880, $0x38;
	[tilespmem:$0x1C130] =	vst v63  }
0x62: {  	_ =	swait.ge [sflag:s31], $0x1880  }
0x63: {  	[sflag:s31] =	ssyncset.done $0x0  }
0x64: {  	s5 =	simm.s32 $0x40;
	s8 =	simm.s32 $0x0;
	[sflag:s31] =	ssyncadd.s32 $0xFFFFE780  }
.LBB3_2:
0x65: {  	p0 =	sne.s32 s5, $0x61C0;
	[tilespmem:s8+$0xB3B0] =	vst v0;
	s8 =	smov.u32 s5;
	s5 =	sadd.s32 $0x40, s5  }
.Ltmp0:
0x66: {  	(pc) =	sbr.rel @p0 .LBB3_2-.Ltmp0, $2  }
0x67: {  	_ =	sdelay $0x2  }
0x68: {  	s8 =	sshra.s32 s8, $0x2  }
0x69: {  	[tilespmem:s8+$0xB3B0] =	vst v0;
	s8 =	simm.s32 $0xB3B0  }
0x6a: {  	[spmem:s10] =	stream.linear.scatter [tilespmem:s8], [sflag:$0x3], $0x1880, $0x38;
	[tilespmem:$0x1C130] =	vst v63  }
0x6b: {  	_ =	swait.ge [sflag:s31], $0x1880  }
0x6c: {  	[sflag:s31] =	ssyncset.done $0x0  }
0x6d: {  	[sflag:s31] =	ssyncadd.s32 $0xFFFFE780  }
0x6e: {  	[spmem:s11] =	stream.linear.scatter [tilespmem:s8], [sflag:$0x3], $0x1880, $0x38;
	[tilespmem:$0x1C130] =	vst v63  }
0x6f: {  	_ =	swait.ge [sflag:s31], $0x1880  }
0x70: {  	[sflag:s31] =	ssyncset.done $0x0  }
0x71: {  	[sflag:s31] =	ssyncadd.s32 $0xFFFFE780  }
0x72: {  	[spmem:s12] =	stream.linear.scatter [tilespmem:s8], [sflag:$0x3], $0x1880, $0x38;
	[tilespmem:$0x1C130] =	vst v63  }
0x73: {  	_ =	swait.ge [sflag:s31], $0x1880  }
0x74: {  	[sflag:s31] =	ssyncset.done $0x0  }
0x75: {  	[sflag:s31] =	ssyncadd.s32 $0xFFFFE780  }
0x76: {  	[spmem:s18] =	stream.linear.scatter [tilespmem:s8], [sflag:$0x3], $0x1880, $0x38;
	[tilespmem:$0x1C130] =	vst v63  }
0x77: {  	_ =	swait.ge [sflag:s31], $0x1880  }
0x78: {  	[sflag:s31] =	ssyncset.done $0x0  }
0x79: {  	[sflag:s31] =	ssyncadd.s32 $0xFFFFE780  }
0x7a: {  	[spmem:s26] =	stream.linear.scatter [tilespmem:s8], [sflag:$0x3], $0x1880, $0x38;
	[tilespmem:$0x1C130] =	vst v63  }
0x7b: {  	_ =	swait.ge [sflag:s31], $0x1880  }
0x7c: {  	[sflag:s31] =	ssyncset.done $0x0  }
0x7d: {  	s5 =	rddreg [dreg:$0x1c];
	[sflag:s31] =	ssyncadd.s32 $0xFFFFE780  }
0x7e: {  	[spmem:s5] =	stream.linear.scatter [tilespmem:s8], [sflag:$0x3], $0x1880, $0x38;
	[tilespmem:$0x1C130] =	vst v63  }
0x7f: {  	_ =	swait.ge [sflag:s31], $0x1880  }
0x80: {  	[sflag:s31] =	ssyncset.done $0x0  }
0x81: {  	[sflag:s31] =	ssyncadd.s32 $0xFFFFE780  }
0x82: {  	s5 =	simm.s32 $0x0;
	s8 =	simm.s32 $0x0;
	[bflag:$0x0] =	sbarrier.arrive $0xFFFF  }
.LBB3_4:
0x83: {  	s10 =	smul.u32 $0x7D0, s8;
	_ =	sdelay $0x1  }
0x84: {  	s10 =	sadd.s32 s30, s10  }
0x85: {  	s11 =	rddreg [dreg:$0x0];
	s10 =	sshrl.u32 s10, $0x3  }
0x86: {  	s18 =	rddreg [dreg:$0x1];
	s11 =	sadd.s32 s11, s10  }
0x87: {  	[tilespmem:s5], [sflag:$0x1] =	stream.linear.gather [hbm4b:s11+s5], $0x7D0, $0x38;
	[tilespmem:$0x1C130] =	vst v63  }
0x88: {  	s11 =	sadd.s32 s18, s10  }
0x89: {  	[tilespmem:s14], [sflag:$0x1] =	stream.linear.gather [hbm4b:s11+s5], $0x7D0, $0x38;
	[tilespmem:$0x1C130] =	vst v63  }
0x8a: {  	s12 =	simm.s32 $0xFA0;
	s26 =	sadd.s32 s16, s10  }
0x8b: {  	[tilespmem:s12], [sflag:$0x1] =	stream.linear.gather [hbm4b:s26+s5], $0x7D0, $0x38;
	[tilespmem:$0x1C130] =	vst v63  }
0x8c: {  	s18 =	sadd.s32 s17, s10;
	s26 =	simm.s32 $0x1770;
	s12 =	rddreg [dreg:$0x3]  }
0x8d: {  	[tilespmem:s26], [sflag:$0x1] =	stream.linear.gather [hbm4b:s18+s5], $0x7D0, $0x38;
	[tilespmem:$0x1C130] =	vst v63  }
0x8e: {  	s11 =	sadd.s32 s12, s10;
	s18 =	simm.s32 $0x1F40  }
0x8f: {  	[tilespmem:s18], [sflag:$0x1] =	stream.linear.gather [hbm4b:s11+s5], $0x7D0, $0x38;
	[tilespmem:$0x1C130] =	vst v63  }
0x90: {  	_ =	swait.ge [sflag:s28], $0x7D0  }
0x91: {  	[sflag:s28] =	ssyncset.done $0x0  }
0x92: {  	[sflag:s28] =	ssyncadd.s32 $0xFFFFF830  }
0x93: {  	_ =	swait.ge [sflag:s28], $0x7D0  }
0x94: {  	[sflag:s28] =	ssyncset.done $0x0  }
0x95: {  	[sflag:s28] =	ssyncadd.s32 $0xFFFFF830  }
0x96: {  	_ =	swait.ge [sflag:s28], $0x7D0  }
0x97: {  	[sflag:s28] =	ssyncset.done $0x0  }
0x98: {  	[sflag:s28] =	ssyncadd.s32 $0xFFFFF830  }
0x99: {  	_ =	swait.ge [sflag:s28], $0x7D0  }
0x9a: {  	[sflag:s28] =	ssyncset.done $0x0  }
0x9b: {  	[sflag:s28] =	ssyncadd.s32 $0xFFFFF830  }
0x9c: {  	_ =	swait.ge [sflag:s28], $0x7D0  }
0x9d: {  	[sflag:s28] =	ssyncset.done $0x0  }
0x9e: {  	s26 =	simm.s32 $0x2710;
	[sflag:s28] =	ssyncadd.s32 $0xFFFFF830  }
0x9f: {  	[tilespmem:s26], [sflag:$0x1] =	stream.indirect.gather [spmem:s3], $0x1, s5, s14, $0xb8;
	[tilespmem:$0x1C130] =	vst v63  }
0xa0: {  	s12 =	simm.s32 $0x2EE0  }
0xa1: {  	[tilespmem:s12], [sflag:$0x1] =	stream.indirect.gather [spmem:s4], $0x1, s5, s14, $0xb8;
	[tilespmem:$0x1C130] =	vst v63  }
0xa2: {  	s18 =	simm.s32 $0x36B0  }
0xa3: {  	[tilespmem:s18], [sflag:$0x1] =	stream.indirect.gather [spmem:s3], $0x1, s14, s14, $0xb8;
	[tilespmem:$0x1C130] =	vst v63  }
0xa4: {  	s26 =	simm.s32 $0x3E80  }
0xa5: {  	[tilespmem:s26], [sflag:$0x1] =	stream.indirect.gather [spmem:s4], $0x1, s14, s14, $0xb8;
	[tilespmem:$0x1C130] =	vst v63  }
0xa6: {  	s12 =	simm.s32 $0x4650  }
0xa7: {  	[tilespmem:s12], [sflag:$0x1] =	stream.indirect.gather [spmem:s6], $0x1, s5, s14, $0xb8;
	[tilespmem:$0x1C130] =	vst v63  }
0xa8: {  	s18 =	simm.s32 $0x4E20  }
0xa9: {  	[tilespmem:s18], [sflag:$0x1] =	stream.indirect.gather [spmem:s6], $0x1, s14, s14, $0xb8;
	[tilespmem:$0x1C130] =	vst v63  }
0xaa: {  	s26 =	rddreg [dreg:$0x7]  }
0xab: {  	[tilespmem:s7], [sflag:$0x1] =	stream.indirect.gather [spmem:s26], $0x1, s14, s14, $0xb8;
	[tilespmem:$0x1C130] =	vst v63  }
0xac: {  	_ =	swait.ge [sflag:s28], $0x7D0  }
0xad: {  	[sflag:s28] =	ssyncset.done $0x0  }
0xae: {  	[sflag:s28] =	ssyncadd.s32 $0xFFFFF830  }
0xaf: {  	_ =	swait.ge [sflag:s28], $0x7D0  }
0xb0: {  	[sflag:s28] =	ssyncset.done $0x0  }
0xb1: {  	[sflag:s28] =	ssyncadd.s32 $0xFFFFF830  }
0xb2: {  	_ =	swait.ge [sflag:s28], $0x7D0  }
0xb3: {  	[sflag:s28] =	ssyncset.done $0x0  }
0xb4: {  	[sflag:s28] =	ssyncadd.s32 $0xFFFFF830  }
0xb5: {  	_ =	swait.ge [sflag:s28], $0x7D0  }
0xb6: {  	[sflag:s28] =	ssyncset.done $0x0  }
0xb7: {  	[sflag:s28] =	ssyncadd.s32 $0xFFFFF830  }
0xb8: {  	_ =	swait.ge [sflag:s28], $0x7D0  }
0xb9: {  	[sflag:s28] =	ssyncset.done $0x0  }
0xba: {  	[sflag:s28] =	ssyncadd.s32 $0xFFFFF830  }
0xbb: {  	_ =	swait.ge [sflag:s28], $0x7D0  }
0xbc: {  	[sflag:s28] =	ssyncset.done $0x0  }
0xbd: {  	[sflag:s28] =	ssyncadd.s32 $0xFFFFF830  }
0xbe: {  	_ =	swait.ge [sflag:s28], $0x7D0  }
0xbf: {  	[sflag:s28] =	ssyncset.done $0x0  }
0xc0: {  	s18 =	simm.s32 $0x0;
	[sflag:s28] =	ssyncadd.s32 $0xFFFFF830  }
0xc1: {  	v1 =	vld [tilespmem:s18+$0x1F40];
	_ =	sdelay $0x2  }
0xc2: {  	v3 =	vld [tilespmem:s18+$0x4E20]  }
0xc3: {  	v4 =	vld [tilespmem:s18+$0x4650]  }
0xc4: {  	v5 =	vld [tilespmem:s18+$0xFA0];
	v7 =	vsub.f32 $1.000000000e+00, v1  }
0xc5: {  	v2 =	vld [tilespmem:s18+$0x36B0]  }
0xc6: {  	v6 =	vld [tilespmem:s18+$0x2710];
	v9 =	vmul.f32 v7, v7  }
0xc7: {  	v8 =	vld [tilespmem:s18+$0x1770]  }
0xc8: {  	v10 =	vld [tilespmem:s18+$0x3E80];
	v1 =	vmul.f32 $-2.000000000e+01, v1;
	v7 =	vmul.f32 v9, v7  }
0xc9: {  	s11 =	simm.s32 $0x10;
	v11 =	vld [tilespmem:s18+$0x2EE0]  }
0xca: {  	v12 =	vld [tilespmem:s11+$0x1F40];
	v1 =	vmul.f32 v7, v1  }
0xcb: {  	v13 =	vld [tilespmem:s11+$0x4E20]  }
0xcc: {  	v14 =	vld [tilespmem:s11+$0x4650];
	v15 =	vsub.f32 v2, v6;
	v6 =	vmul.f32 $1.426028280e+05, v1  }
0xcd: {  	v2 =	vld [tilespmem:s18+$0x55F0];
	v16 =	vmul.f32 $1.000000000e+03, v4  }
0xce: {  	[tilespmem:s18+$0x9C40] =	vst v15;
	v7 =	vmul.f32 $1.000000000e+03, v3;
	v3 =	vmul.f32 v6, v8;
	v8 =	vsub.f32 v10, v11  }
0xcf: {  	v9 =	vld [tilespmem:s11+$0x36B0];
	v4 =	vmul.f32 v6, v5;
	v5 =	vsub.f32 $1.000000000e+00, v12  }
0xd0: {  	v11 =	vld [tilespmem:s11+$0x2710];
	v10 =	vsub.f32 v7, v16;
	v16 =	vmul.f32 $1.000000000e+03, v13;
	v13 =	vmul.f32 v8, v3  }
0xd1: {  	v18 =	vmul.f32 $1.000000000e+03, v14;
	v1 =	vld [tilespmem:s11+$0xFA0];
	v17 =	vmul.f32 v5, v5  }
0xd2: {  	v6 =	vld [tilespmem:s11+$0x1770];
	[tilespmem:s18+$0x8CA0] =	vst v4;
	v19 =	vmul.f32 v10, v2;
	v20 =	vmul.f32 v13, v2  }
0xd3: {  	v7 =	vld [tilespmem:s11+$0x3E80];
	[tilespmem:s18+$0x9470] =	vst v3;
	v13 =	vmul.f32 $-2.000000000e+01, v12;
	v14 =	vmul.f32 v17, v5;
	v5 =	vsub.f32 v16, v18  }
0xd4: {  	s12 =	simm.s32 $0x20;
	s26 =	simm.s32 $0xC0;
	v10 =	vld [tilespmem:s11+$0x2EE0];
	v12 =	vadd.f32 v19, v19;
	v16 =	vmul.f32 v4, v15;
	v15 =	vmul.f32 v3, v15;
	[tilespmem:s18+$0x7530] =	vst v20  }
.LBB3_5:
0xd5: {  	p0 =	sne.s32 s26, $0x1F00;
	v17 =	vld [tilespmem:s12+$0x1F40];
	v13 =	vmul.f32 v14, v13;
	v18 =	vsub.f32 v9, v11;
	v9 =	vmul.f32 v8, v4;
	[tilespmem:s18+$0xA410] =	vst v8  }
0xd6: {  	v14 =	vld [tilespmem:s12+$0x4E20];
	v8 =	vmul.f32 v2, v16;
	v11 =	vmul.f32 v2, v15;
	[tilespmem:s18+$0xABE0] =	vst v12  }
0xd7: {  	v15 =	vld [tilespmem:s12+$0x4650];
	v13 =	vmul.f32 $1.426028280e+05, v13;
	[tilespmem:s11+$0x9C40] =	vst v18;
	v16 =	vmul.f32 v9, v2  }
0xd8: {  	v19 =	vmul.f32 v12, v4;
	v12 =	vmul.f32 v12, v3;
	v2 =	vld [tilespmem:s11+$0x55F0];
	[tilespmem:s18+$0x5DC0] =	vst v8  }
0xd9: {  	v4 =	vmul.f32 v13, v1;
	v1 =	vld [tilespmem:s12+$0xFA0];
	v3 =	vmul.f32 v13, v6;
	v8 =	vsub.f32 v7, v10;
	[tilespmem:s18+$0x6590] =	vst v11  }
0xda: {  	v7 =	vsub.f32 $1.000000000e+00, v17;
	v9 =	vld [tilespmem:s12+$0x36B0];
	[tilespmem:s18+$0x6D60] =	vst v16  }
.Ltmp1:
0xdb: {  	v11 =	vld [tilespmem:s12+$0x2710];
	v10 =	vmul.f32 $1.000000000e+03, v14;
	v13 =	vmul.f32 v8, v3;
	[tilespmem:s18+$0x7D00] =	vst v19;
	(pc) =	sbr.rel @p0 .LBB3_5-.Ltmp1, $4  }
0xdc: {  	v14 =	vmul.f32 v7, v7;
	v15 =	vmul.f32 $1.000000000e+03, v15;
	[tilespmem:s18+$0x84D0] =	vst v12;
	s18 =	smov.u32 s11;
	s11 =	smov.u32 s12  }
0xdd: {  	v6 =	vld [tilespmem:s11+$0x1770];
	v12 =	vmul.f32 v5, v2;
	v19 =	vmul.f32 v13, v2;
	[tilespmem:s18+$0x8CA0] =	vst v4  }
0xde: {  	v13 =	vmul.f32 $-2.000000000e+01, v17;
	v14 =	vmul.f32 v14, v7;
	v7 =	vld [tilespmem:s11+$0x3E80];
	v5 =	vsub.f32 v10, v15;
	[tilespmem:s18+$0x9470] =	vst v3  }
0xdf: {  	v16 =	vmul.f32 v4, v18;
	s12 =	sshra.s32 s26, $0x2;
	s26 =	sadd.s32 $0x40, s26;
	v15 =	vmul.f32 v3, v18;
	v10 =	vld [tilespmem:s11+$0x2EE0];
	v12 =	vadd.f32 v12, v12;
	[tilespmem:s18+$0x7530] =	vst v19  }
0xe0: {  	v17 =	vld [tilespmem:s12+$0x1F40];
	[tilespmem:s18+$0xA410] =	vst v8;
	v9 =	vsub.f32 v9, v11  }
0xe1: {  	v46 =	vmul.f32 v8, v4;
	v18 =	vld [tilespmem:s12+$0x4E20];
	[tilespmem:s18+$0xABE0] =	vst v12;
	v16 =	vmul.f32 v2, v16  }
0xe2: {  	v15 =	vmul.f32 v2, v15;
	v45 =	vld [tilespmem:s12+$0x4650];
	[tilespmem:s11+$0x9C40] =	vst v9  }
0xe3: {  	v47 =	vmul.f32 v14, v13;
	v19 =	vld [tilespmem:s11+$0x55F0];
	v2 =	vmul.f32 v46, v2;
	[tilespmem:s18+$0x5DC0] =	vst v16  }
0xe4: {  	v16 =	vld [tilespmem:s12+$0xFA0];
	[tilespmem:s18+$0x6590] =	vst v15  }
0xe5: {  	v3 =	vmul.f32 v12, v3;
	v48 =	vld [tilespmem:s12+$0x36B0];
	[tilespmem:s18+$0x6D60] =	vst v2;
	v2 =	vmul.f32 $1.426028280e+05, v47  }
0xe6: {  	v49 =	vmul.f32 v12, v4;
	v51 =	vsub.f32 $1.000000000e+00, v17  }
0xe7: {  	v50 =	vld [tilespmem:s12+$0x2710];
	[tilespmem:s18+$0x84D0] =	vst v3;
	v3 =	vsub.f32 v7, v10;
	v1 =	vmul.f32 v2, v1;
	v2 =	vmul.f32 v2, v6  }
0xe8: {  	[tilespmem:s18+$0x7D00] =	vst v49;
	v53 =	vmul.f32 v51, v51;
	v5 =	vmul.f32 v5, v19  }
0xe9: {  	v52 =	vld [tilespmem:s12+$0x1770];
	v7 =	vmul.f32 v3, v2;
	[tilespmem:s11+$0x8CA0] =	vst v1  }
0xea: {  	v56 =	vmul.f32 $-2.000000000e+01, v17;
	v4 =	vmul.f32 v53, v51;
	v5 =	vadd.f32 v5, v5;
	v54 =	vld [tilespmem:s12+$0x3E80];
	[tilespmem:s11+$0x9470] =	vst v2  }
0xeb: {  	v58 =	vmul.f32 v1, v9;
	v7 =	vmul.f32 v7, v19;
	v55 =	vld [tilespmem:s12+$0x2EE0];
	[tilespmem:s11+$0xA410] =	vst v3  }
0xec: {  	v9 =	vmul.f32 v2, v9;
	v8 =	vsub.f32 v48, v50;
	v4 =	vmul.f32 v4, v56;
	[tilespmem:s11+$0xABE0] =	vst v5  }
0xed: {  	v3 =	vmul.f32 v3, v1;
	v59 =	vmul.f32 v19, v58;
	[tilespmem:s11+$0x7530] =	vst v7  }
0xee: {  	v57 =	vmul.f32 $1.000000000e+03, v18;
	v9 =	vmul.f32 v19, v9;
	[tilespmem:s12+$0x9C40] =	vst v8  }
0xef: {  	v4 =	vmul.f32 $1.426028280e+05, v4;
	v3 =	vmul.f32 v3, v19;
	v60 =	vld [tilespmem:s12+$0x55F0];
	[tilespmem:s11+$0x5DC0] =	vst v59  }
0xf0: {  	v11 =	vmul.f32 $1.000000000e+03, v45;
	v1 =	vmul.f32 v5, v1;
	[tilespmem:s11+$0x6590] =	vst v9  }
0xf1: {  	v2 =	vmul.f32 v5, v2;
	v6 =	vmul.f32 v4, v52;
	[tilespmem:s11+$0x6D60] =	vst v3  }
0xf2: {  	v3 =	vsub.f32 v57, v11;
	v4 =	vmul.f32 v4, v16;
	[tilespmem:s11+$0x7D00] =	vst v1;
	v61 =	vsub.f32 v54, v55  }
0xf3: {  	[tilespmem:s11+$0x84D0] =	vst v2;
	v63 =	vmul.f32 v6, v8  }
0xf4: {  	[tilespmem:s12+$0x8CA0] =	vst v4;
	v62 =	vmul.f32 v61, v6;
	v1 =	vmul.f32 v3, v60  }
0xf5: {  	[tilespmem:s12+$0x9470] =	vst v6;
	v3 =	vmul.f32 v4, v8;
	v5 =	vmul.f32 v60, v63  }
0xf6: {  	[tilespmem:s12+$0xA410] =	vst v61;
	v2 =	vmul.f32 v62, v60  }
0xf7: {  	v1 =	vadd.f32 v1, v1;
	v3 =	vmul.f32 v60, v3;
	[tilespmem:s12+$0x6590] =	vst v5  }
0xf8: {  	[tilespmem:s12+$0x7530] =	vst v2  }
0xf9: {  	v2 =	vmul.f32 v61, v4;
	[tilespmem:s12+$0x5DC0] =	vst v3;
	v3 =	vmul.f32 v1, v4  }
0xfa: {  	[tilespmem:s12+$0xABE0] =	vst v1;
	v1 =	vmul.f32 v1, v6  }
0xfb: {  	v2 =	vmul.f32 v2, v60;
	[tilespmem:s12+$0x7D00] =	vst v3  }
0xfc: {  	[tilespmem:s12+$0x84D0] =	vst v1  }
0xfd: {  	s26 =	simm.s32 $0x8CA0;
	s18 =	sadd.s32 s19, s10;
	[tilespmem:s12+$0x6D60] =	vst v2  }
0xfe: {  	[hbm4b:s18+s13] =	stream.linear.scatter [tilespmem:s26], [sflag:$0x2], $0x7D0, $0x38;
	[tilespmem:$0x1C130] =	vst v63  }
0xff: {  	s18 =	sadd.s32 s20, s10;
	s26 =	simm.s32 $0x9470  }
0x100: {  	[hbm4b:s18+s13] =	stream.linear.scatter [tilespmem:s26], [sflag:$0x2], $0x7D0, $0x38;
	[tilespmem:$0x1C130] =	vst v63  }
0x101: {  	s18 =	sadd.s32 s21, s10;
	s26 =	simm.s32 $0x9C40  }
0x102: {  	[hbm4b:s18+s13] =	stream.linear.scatter [tilespmem:s26], [sflag:$0x2], $0x7D0, $0x38;
	[tilespmem:$0x1C130] =	vst v63  }
0x103: {  	s18 =	sadd.s32 s22, s10;
	s26 =	simm.s32 $0xA410  }
0x104: {  	[hbm4b:s18+s13] =	stream.linear.scatter [tilespmem:s26], [sflag:$0x2], $0x7D0, $0x38;
	[tilespmem:$0x1C130] =	vst v63  }
0x105: {  	s18 =	sadd.s32 s23, s10;
	s26 =	simm.s32 $0xABE0  }
0x106: {  	[hbm4b:s18+s13] =	stream.linear.scatter [tilespmem:s26], [sflag:$0x2], $0x7D0, $0x38;
	[tilespmem:$0x1C130] =	vst v63  }
0x107: {  	s12 =	sadd.s32 s24, s10  }
0x108: {  	[hbm4b:s12+s13] =	stream.linear.scatter [tilespmem:s7], [sflag:$0x2], $0x7D0, $0x38;
	[tilespmem:$0x1C130] =	vst v63  }
0x109: {  	_ =	swait.ge [sflag:s25], $0x7D0  }
0x10a: {  	[sflag:s25] =	ssyncset.done $0x0  }
0x10b: {  	[sflag:s25] =	ssyncadd.s32 $0xFFFFF830  }
0x10c: {  	_ =	swait.ge [sflag:s25], $0x7D0  }
0x10d: {  	[sflag:s25] =	ssyncset.done $0x0  }
0x10e: {  	[sflag:s25] =	ssyncadd.s32 $0xFFFFF830  }
0x10f: {  	_ =	swait.ge [sflag:s25], $0x7D0  }
0x110: {  	[sflag:s25] =	ssyncset.done $0x0  }
0x111: {  	[sflag:s25] =	ssyncadd.s32 $0xFFFFF830  }
0x112: {  	_ =	swait.ge [sflag:s25], $0x7D0  }
0x113: {  	[sflag:s25] =	ssyncset.done $0x0  }
0x114: {  	[sflag:s25] =	ssyncadd.s32 $0xFFFFF830  }
0x115: {  	_ =	swait.ge [sflag:s25], $0x7D0  }
0x116: {  	[sflag:s25] =	ssyncset.done $0x0  }
0x117: {  	[sflag:s25] =	ssyncadd.s32 $0xFFFFF830  }
0x118: {  	_ =	swait.ge [sflag:s25], $0x7D0  }
0x119: {  	[sflag:s25] =	ssyncset.done $0x0  }
0x11a: {  	[sflag:s25] =	ssyncadd.s32 $0xFFFFF830  }
0x11b: {  	s26 =	simm.s32 $0x5DC0;
	s18 =	rddreg [dreg:$0x9]  }
0x11c: {  	[spmem:s18] =	stream.indirect.scatter.add.f32 [tilespmem:s26], [sflag:$0x1], $0x1, s13, s14, $0xb8;
	[tilespmem:$0x1C130] =	vst v63  }
0x11d: {  	s11 =	rddreg [dreg:$0xa]  }
0x11e: {  	[spmem:s11] =	stream.indirect.scatter.add.f32 [tilespmem:s29], [sflag:$0x1], $0x1, s13, s14, $0xb8;
	[tilespmem:$0x1C130] =	vst v63  }
0x11f: {  	s12 =	rddreg [dreg:$0xb]  }
0x120: {  	[spmem:s12] =	stream.indirect.scatter.add.f32 [tilespmem:s9], [sflag:$0x1], $0x1, s13, s14, $0xb8;
	[tilespmem:$0x1C130] =	vst v63  }
0x121: {  	s18 =	rddreg [dreg:$0xc]  }
0x122: {  	[spmem:s18] =	stream.indirect.scatter.add.f32 [tilespmem:s0], [sflag:$0x1], $0x1, s13, s14, $0xb8;
	[tilespmem:$0x1C130] =	vst v63  }
0x123: {  	s26 =	rddreg [dreg:$0xd]  }
0x124: {  	[spmem:s26] =	stream.indirect.scatter.add.f32 [tilespmem:s1], [sflag:$0x1], $0x1, s13, s14, $0xb8;
	[tilespmem:$0x1C130] =	vst v63  }
0x125: {  	_ = 	snop  }
0x126: {  	[spmem:s15] =	stream.indirect.scatter.add.f32 [tilespmem:s2], [sflag:$0x1], $0x1, s13, s14, $0xb8;
	[tilespmem:$0x1C130] =	vst v63  }
0x127: {  	_ =	swait.ge [sflag:s28], $0x7D0  }
0x128: {  	[sflag:s28] =	ssyncset.done $0x0  }
0x129: {  	[sflag:s28] =	ssyncadd.s32 $0xFFFFF830  }
0x12a: {  	_ =	swait.ge [sflag:s28], $0x7D0  }
0x12b: {  	[sflag:s28] =	ssyncset.done $0x0  }
0x12c: {  	[sflag:s28] =	ssyncadd.s32 $0xFFFFF830  }
0x12d: {  	_ =	swait.ge [sflag:s28], $0x7D0  }
0x12e: {  	[sflag:s28] =	ssyncset.done $0x0  }
0x12f: {  	[sflag:s28] =	ssyncadd.s32 $0xFFFFF830  }
0x130: {  	_ =	swait.ge [sflag:s28], $0x7D0  }
0x131: {  	[sflag:s28] =	ssyncset.done $0x0  }
0x132: {  	s8 =	sadd.s32 $0x1, s8;
	[sflag:s28] =	ssyncadd.s32 $0xFFFFF830  }
0x133: {  	p0 =	sne.s32 s8, $0x32;
	_ =	swait.ge [sflag:s28], $0x7D0  }
.Ltmp2:
0x134: {  	[sflag:s28] =	ssyncset.done $0x0;
	(pc) =	sbr.rel @p0 .LBB3_4-.Ltmp2, $4  }
0x135: {  	[sflag:s28] =	ssyncadd.s32 $0xFFFFF830  }
0x136: {  	_ =	swait.ge [sflag:s28], $0x7D0  }
0x137: {  	[sflag:s28] =	ssyncset.done $0x0  }
0x138: {  	[sflag:s28] =	ssyncadd.s32 $0xFFFFF830  }
0x139: {  	[bflag:$0x0] =	sbarrier.arrive $0xFFFF  }
0x13a: {  	s8 =	simm.s32 $0xB3B0;
	s10 =	rddreg [dreg:$0x17]  }
0x13b: {  	[tilespmem:s8], [sflag:$0x3] =	stream.linear.gather [spmem:s10], $0x1880, $0x38;
	[tilespmem:$0x1C130] =	vst v63  }
0x13c: {  	_ =	swait.ge [sflag:s31], $0x1880  }
0x13d: {  	[sflag:s31] =	ssyncset.done $0x0  }
0x13e: {  	s5 =	rddreg [dreg:$0x1d];
	[sflag:s31] =	ssyncadd.s32 $0xFFFFE780  }
0x13f: {  	[hbm4b:s5+s13] =	stream.linear.scatter [tilespmem:s8], [sflag:$0x3], $0x1880, $0x38;
	[tilespmem:$0x1C130] =	vst v63  }
0x140: {  	_ =	swait.ge [sflag:s31], $0x1880  }
0x141: {  	[sflag:s31] =	ssyncset.done $0x0  }
0x142: {  	s11 =	rddreg [dreg:$0x18];
	[sflag:s31] =	ssyncadd.s32 $0xFFFFE780  }
0x143: {  	[tilespmem:s8], [sflag:$0x3] =	stream.linear.gather [spmem:s11], $0x1880, $0x38;
	[tilespmem:$0x1C130] =	vst v63  }
0x144: {  	_ =	swait.ge [sflag:s31], $0x1880  }
0x145: {  	[sflag:s31] =	ssyncset.done $0x0  }
0x146: {  	s12 =	rddreg [dreg:$0x1e];
	[sflag:s31] =	ssyncadd.s32 $0xFFFFE780  }
0x147: {  	[hbm4b:s12+s13] =	stream.linear.scatter [tilespmem:s8], [sflag:$0x3], $0x1880, $0x38;
	[tilespmem:$0x1C130] =	vst v63  }
0x148: {  	_ =	swait.ge [sflag:s31], $0x1880  }
0x149: {  	[sflag:s31] =	ssyncset.done $0x0  }
0x14a: {  	s12 =	rddreg [dreg:$0x19];
	[sflag:s31] =	ssyncadd.s32 $0xFFFFE780  }
0x14b: {  	[tilespmem:s8], [sflag:$0x3] =	stream.linear.gather [spmem:s12], $0x1880, $0x38;
	[tilespmem:$0x1C130] =	vst v63  }
0x14c: {  	_ =	swait.ge [sflag:s31], $0x1880  }
0x14d: {  	[sflag:s31] =	ssyncset.done $0x0  }
0x14e: {  	s18 =	rddreg [dreg:$0x1f];
	[sflag:s31] =	ssyncadd.s32 $0xFFFFE780  }
0x14f: {  	[hbm4b:s18+s13] =	stream.linear.scatter [tilespmem:s8], [sflag:$0x3], $0x1880, $0x38;
	[tilespmem:$0x1C130] =	vst v63  }
0x150: {  	_ =	swait.ge [sflag:s31], $0x1880  }
0x151: {  	[sflag:s31] =	ssyncset.done $0x0  }
0x152: {  	s18 =	rddreg [dreg:$0x1a];
	[sflag:s31] =	ssyncadd.s32 $0xFFFFE780  }
0x153: {  	[tilespmem:s8], [sflag:$0x3] =	stream.linear.gather [spmem:s18], $0x1880, $0x38;
	[tilespmem:$0x1C130] =	vst v63  }
0x154: {  	_ =	swait.ge [sflag:s31], $0x1880  }
0x155: {  	s26 =	sld [smem:$0x7F9]  }
0x156: {  	[sflag:s31] =	ssyncset.done $0x0  }
0x157: {  	[sflag:s31] =	ssyncadd.s32 $0xFFFFE780  }
0x158: {  	[hbm4b:s26+s13] =	stream.linear.scatter [tilespmem:s8], [sflag:$0x3], $0x1880, $0x38;
	[tilespmem:$0x1C130] =	vst v63  }
0x159: {  	_ =	swait.ge [sflag:s31], $0x1880  }
0x15a: {  	[sflag:s31] =	ssyncset.done $0x0  }
0x15b: {  	s26 =	rddreg [dreg:$0x1b];
	[sflag:s31] =	ssyncadd.s32 $0xFFFFE780  }
0x15c: {  	[tilespmem:s8], [sflag:$0x3] =	stream.linear.gather [spmem:s26], $0x1880, $0x38;
	[tilespmem:$0x1C130] =	vst v63  }
0x15d: {  	_ =	swait.ge [sflag:s31], $0x1880  }
0x15e: {  	s5 =	sld [smem:$0x7FA]  }
0x15f: {  	[sflag:s31] =	ssyncset.done $0x0  }
0x160: {  	[sflag:s31] =	ssyncadd.s32 $0xFFFFE780  }
0x161: {  	[hbm4b:s5+s13] =	stream.linear.scatter [tilespmem:s8], [sflag:$0x3], $0x1880, $0x38;
	[tilespmem:$0x1C130] =	vst v63  }
0x162: {  	_ =	swait.ge [sflag:s31], $0x1880  }
0x163: {  	[sflag:s31] =	ssyncset.done $0x0  }
0x164: {  	s5 =	rddreg [dreg:$0x1c];
	[sflag:s31] =	ssyncadd.s32 $0xFFFFE780  }
0x165: {  	[tilespmem:s8], [sflag:$0x3] =	stream.linear.gather [spmem:s5], $0x1880, $0x38;
	[tilespmem:$0x1C130] =	vst v63  }
0x166: {  	_ =	swait.ge [sflag:s31], $0x1880  }
0x167: {  	s5 =	sld [smem:$0x7FB]  }
0x168: {  	[sflag:s31] =	ssyncset.done $0x0  }
0x169: {  	[sflag:s31] =	ssyncadd.s32 $0xFFFFE780  }
0x16a: {  	[hbm4b:s5+s13] =	stream.linear.scatter [tilespmem:s8], [sflag:$0x3], $0x1880, $0x38;
	[tilespmem:$0x1C130] =	vst v63  }
0x16b: {  	_ =	swait.ge [sflag:s31], $0x1880  }
0x16c: {  	s29 =	sld [smem:$0x7FD]  }
0x16d: {  	s5 =	sld [smem:$0x7FC];
	_ =	sdelay $0x1  }
0x16e: {  	s29 =	sadd.s32 $0x1, s29  }
0x16f: {  	p0 =	sne.s32 s29, s5  }
.Ltmp3:
0x170: {  	_ = 	snop;
	(pc) =	sbr.rel @p0 .LBB3_1-.Ltmp3, $3  }
0x171: {  	_ =	sdelay $0x1  }
0x172: {  	[sflag:s31] =	ssyncset.done $0x0  }
0x173: {  	[sflag:s31] =	ssyncadd.s32 $0xFFFFE780;
	[smem:$0x7FD] =	sst s29;
	s29 =	simm.s32 $0x6590  }
0x174: {  	_ =	sfence.sel $0x180000  }
0x175: {  	[bflag:$0x0] =	sbarrier.arrive $0xFFFF  }
0x176: {  	_ =	strace $0x90000047  }
0x177: {  	s0 =	stileid.u32;
	[bflag:$0x2] =	sbarrier.arrive $0xFFFF  }
0x178: {  	p0 =	sne.s32 s0, $0x0;
	s0 =	rddreg [dreg:$0xe]  }
0x179: {  	s0 =	sadd.s32 @!p0 $0x100000, s0  }
0x17a: {  	[sflag:s0] =	ssyncadd.tile.s32 @!p0 $0x1;
	_ =	shalt  }
.Lfunc_end3:
_tile_overlayer_lowered:
.L_overlay_start_3:
0x17b: {  	(tag) =	ssettag $0x3  }
0x17c: {  	s0 =	rddreg [dreg:$0x0];
	s2 =	stileid.u32  }
0x17d: {  	s1 =	rddreg [dreg:$0x1];
	p0 =	sne.s32 s2, $0x0  }
0x17e: {  	s3 =	rddreg [dreg:$0x2];
	[bflag:$0x3] =	sbarrier.arrive $0xFFFF;
	s2 =	simm.s32 @!p0 $0x1C03  }
0x17f: {  	[timem:s3], [sflag:s2] =	dma.local @!p0 [hbm:s0], s1  }
0x180: {  	s0 =	simm.s32 @!p0 $0x3  }
0x181: {  	_ =	swait.ge @!p0 [sflag:s0], s1  }
0x182: {  	s1 =	ssub.s32 @!p0 $0x0, s1;
	[sflag:s0] =	ssyncset.done @!p0 $0x0  }
0x183: {  	[sflag:s0] =	ssyncadd.s32 @!p0 s1  }
0x184: {  	[bflag:$0x3] =	sbarrier.arrive $0xFFFF  }
0x185: {  	_ =	shalt  }

// kernel: kernel.9.cloned.1.call-start
scs
__scs_entry_jumppad:
0x0: {  	(pc) =	sbr.rel $0x88, $3  }
0x1: {  	(tag) =	ssettag $0x0;
	lr =	simm.s32 $0x1  }
0x2: {  	[smem:$0x3F9A] =	sst lr;
	_ =	strace $0xD0000000  }
0x3: {  	_ = 	snop  }
0x4: {  	_ = 	snop  }
0x5: {  	_ = 	snop  }
0x6: {  	_ = 	snop  }
0x7: {  	_ = 	snop  }
__scs_overlays_trampoline_lowered:
0x8: {  	[smem:$0x3FA9] =	sst s0  }
0x9: {  	[smem:$0x3FAA] =	sst s1  }
0xa: {  	[smem:$0x3FAB] =	sst s2  }
0xb: {  	[smem:$0x3FAC] =	sst s3  }
0xc: {  	[smem:$0x3FAD] =	sst s4  }
0xd: {  	[smem:$0x3FAE] =	sst s5  }
0xe: {  	[smem:$0x3FAF] =	sst s6  }
0xf: {  	[smem:$0x3FB0] =	sst s7  }
0x10: {  	[smem:$0x3FB1] =	sst s8  }
0x11: {  	[smem:$0x3FB2] =	sst s9;
	s0 =	simm.s32 @!p0 $0x0  }
0x12: {  	s1 =	sld [smem:$0x3F98];
	s0 =	simm.s32 @p0 $0x1  }
0x13: {  	[smem:$0x3FB3] =	sst s0;
	s0 =	simm.s32 @!p1 $0x0  }
0x14: {  	s2 =	sld [smem:$0x3F97];
	s0 =	simm.s32 @p1 $0x1  }
0x15: {  	[smem:$0x3FB4] =	sst s0;
	s0 =	simm.s32 @!p2 $0x0  }
0x16: {  	s3 =	sld [smem:$0x3FDB];
	s0 =	simm.s32 @p2 $0x1  }
0x17: {  	s4 =	simm.s32 $0x1BF5;
	[smem:$0x3FB6] =	sst s0  }
0x18: {  	s0 =	sld [smem:$0x3F99];
	_ =	swait.ge [sflag:s4], $0x0  }
0x19: {  	s7 =	sld [smem:$0x3F9A]  }
0x1a: {  	s8 =	sadd.s32 $0xFFFFE003, lr  }
0x1b: {  	s9 =	sadd.s32 $0xFFFFFEF7, lr;
	s5 =	simm.s32 $0xFFFFFFFF;
	p2 =	slt.u32 s8, $0xFFFFF086  }
0x1c: {  	p1 =	slt.u32 s9, $0xF7A;
	s5 =	simm.s32 @!p2 $0x0  }
0x1d: {  	s5 =	simm.s32 @p1 $0x1;
	p0 =	seq.s32 s7, s2  }
0x1e: {  	s7 =	smul.u32 @!p0 $0xF7A, s2;
	p2 =	seq.s32 @!p0 s5, $0x0  }
0x1f: {  	s9 =	smul.u32 $0xF7A, s1;
	s8 =	simm.s32 @!p0 $0x1BF5;
	p2 =	por !p2, p0  }
0x20: {  	[sflag:s8] =	ssyncset.s32 @!p0 $0xFFFFF086;
	s6 =	sadd.s32 @!p0 s3, s7;
	s7 =	simm.s32 @!p0 $0x108  }
0x21: {  	s3 =	sadd.s32 s3, s9;
	s6 =	sadd.s32 @!p0 $0x88, s6;
	s7 =	simm.s32 @p2 $0x1082  }
0x22: {  	[simem:s7], [sflag:s8] =	dma.local @!p0 [hbm:s6], $0xF7A  }
0x23: {  	s9 =	sor.u32 $0xD0000000, s2;
	s6 =	simm.s32 $0x108;
	_ =	swait.ge @!p0 [sflag:s8], $0x0  }
0x24: {  	s3 =	sadd.s32 $0x88, s3;
	s6 =	simm.s32 @!p1 $0x1082;
	[sflag:s4] =	ssyncset.s32 $0xFFFFF086  }
0x25: {  	[simem:s6], [sflag:s4] =	dma.local [hbm:s3], $0xF7A  }
0x26: {  	[smem:$0x3F9A] =	sst s1;
	(tag) =	ssettag s2;
	_ =	strace s9  }
0x27: {  	s1 =	sld [smem:$0x3FAA]  }
0x28: {  	s2 =	sld [smem:$0x3FAB]  }
0x29: {  	s4 =	sld [smem:$0x3FAD]  }
0x2a: {  	p0 =	seq.s32 s5, $0x0;
	s5 =	sld [smem:$0x3FAE]  }
0x2b: {  	s6 =	sld [smem:$0x3FAF]  }
0x2c: {  	s7 =	sld [smem:$0x3FB0]  }
0x2d: {  	s3 =	simm.s32 $0x108;
	s8 =	sld [smem:$0x3FB1]  }
0x2e: {  	s3 =	simm.s32 @!p0 $0x1082;
	s9 =	sld [smem:$0x3FB2]  }
0x2f: {  	lr =	sadd.s32 s0, s3;
	s0 =	sld [smem:$0x3FA9]  }
0x30: {  	s3 =	sld [smem:$0x3FAC]  }
0x31: {  	[smem:$0x3FB5] =	sst s10  }
0x32: {  	s10 =	sld [smem:$0x3FB3];
	_ =	sdelay $0x3  }
0x33: {  	p0 =	seq.s32 s10, $0x1;
	s10 =	sld [smem:$0x3FB5];
	_ =	sdelay $0x3  }
0x34: {  	[smem:$0x3FB5] =	sst s10  }
0x35: {  	s10 =	sld [smem:$0x3FB4];
	_ =	sdelay $0x3  }
0x36: {  	p1 =	seq.s32 s10, $0x1;
	s10 =	sld [smem:$0x3FB5];
	_ =	sdelay $0x3  }
0x37: {  	[smem:$0x3FB5] =	sst s10  }
0x38: {  	s10 =	sld [smem:$0x3FB6]  }
0x39: {  	_ = 	snop;
	(pc) =	sbr.ind lr, $3  }
0x3a: {  	_ = 	snop  }
0x3b: {  	_ = 	snop  }
0x3c: {  	p2 =	seq.s32 s10, $0x1;
	s10 =	sld [smem:$0x3FB5]  }
0x3d: {  	_ =	shalt  }
0x3e: {  	_ =	shalt  }
0x3f: {  	_ =	shalt  }
0x40: {  	_ =	shalt  }
0x41: {  	_ =	shalt  }
0x42: {  	_ =	shalt  }
0x43: {  	_ =	shalt  }
0x44: {  	_ =	shalt  }
0x45: {  	_ =	shalt  }
0x46: {  	_ =	shalt  }
0x47: {  	_ =	shalt  }
0x48: {  	_ =	shalt  }
0x49: {  	_ =	shalt  }
0x4a: {  	_ =	shalt  }
0x4b: {  	_ =	shalt  }
0x4c: {  	_ =	shalt  }
0x4d: {  	_ =	shalt  }
0x4e: {  	_ =	shalt  }
0x4f: {  	_ =	shalt  }
0x50: {  	_ =	shalt  }
0x51: {  	_ =	shalt  }
0x52: {  	_ =	shalt  }
0x53: {  	_ =	shalt  }
0x54: {  	_ =	shalt  }
0x55: {  	_ =	shalt  }
0x56: {  	_ =	shalt  }
0x57: {  	_ =	shalt  }
0x58: {  	_ =	shalt  }
0x59: {  	_ =	shalt  }
0x5a: {  	_ =	shalt  }
0x5b: {  	_ =	shalt  }
0x5c: {  	_ =	shalt  }
0x5d: {  	_ =	shalt  }
0x5e: {  	_ =	shalt  }
0x5f: {  	_ =	shalt  }
0x60: {  	_ =	shalt  }
0x61: {  	_ =	shalt  }
0x62: {  	_ =	shalt  }
0x63: {  	_ =	shalt  }
0x64: {  	_ =	shalt  }
0x65: {  	_ =	shalt  }
0x66: {  	_ =	shalt  }
0x67: {  	_ =	shalt  }
0x68: {  	_ =	shalt  }
0x69: {  	_ =	shalt  }
0x6a: {  	_ =	shalt  }
0x6b: {  	_ =	shalt  }
0x6c: {  	_ =	shalt  }
0x6d: {  	_ =	shalt  }
0x6e: {  	_ =	shalt  }
0x6f: {  	_ =	shalt  }
0x70: {  	_ =	shalt  }
0x71: {  	_ =	shalt  }
0x72: {  	_ =	shalt  }
0x73: {  	_ =	shalt  }
0x74: {  	_ =	shalt  }
0x75: {  	_ =	shalt  }
0x76: {  	_ =	shalt  }
0x77: {  	_ =	shalt  }
0x78: {  	_ =	shalt  }
0x79: {  	_ =	shalt  }
0x7a: {  	_ =	shalt  }
0x7b: {  	_ =	shalt  }
0x7c: {  	_ =	shalt  }
0x7d: {  	_ =	shalt  }
0x7e: {  	_ =	shalt  }
0x7f: {  	_ =	shalt  }
0x80: {  	_ =	shalt  }
0x81: {  	_ =	shalt  }
0x82: {  	_ =	shalt  }
0x83: {  	_ =	shalt  }
0x84: {  	_ =	shalt  }
0x85: {  	_ =	shalt  }
0x86: {  	_ =	shalt  }
0x87: {  	_ =	shalt  }
.Lfunc_end0:
.L_simem_size_0:
called_computation.1_lowered:
.L_overlay_start_0:
0x88: {  	s2 =	sld [smem:$0x3FD9]  }
0x89: {  	s3 =	sld [smem:$0x3FFE];
	_ =	sdelay $0x1  }
0x8a: {  	s1 =	srdreg.scid  }
0x8b: {  	s0 =	sand.u32 $0x1, s1  }
0x8c: {  	s17 =	sshll.u32 s0, $0xA;
	s2 =	sadd.s32 s3, s2  }
0x8d: {  	s2 =	sadd.s32 s2, s17  }
0x8e: {  	[smem:$0x3FC1] =	sst s2  }
0x8f: {  	_ = 	snop  }
0x90: {  	s2 =	sld [smem:$0x3FC4]  }
0x91: {  	s18 =	sld [smem:$0x3FC3]  }
0x92: {  	s4 =	sld [smem:$0x3FD0];
	(tm) =	ssettm $0x1  }
0x93: {  	s5 =	sld [smem:$0x3FFB];
	_ =	sdelay $0x3  }
0x94: {  	_ =	strace s5  }
0x95: {  	s5 =	sld [smem:$0x3FFC];
	_ =	sdelay $0x3  }
0x96: {  	_ =	strace s5  }
0x97: {  	s5 =	sld [smem:$0x3FFD];
	_ =	sdelay $0x3  }
0x98: {  	_ =	strace s5  }
0x99: {  	_ =	strace $0x8FFFFFFF  }
0x9a: {  	s19 =	sld [smem:$0x3FDB];
	_ =	sdelay $0x1  }
0x9b: {  	s6 =	simm.s32 $_scs_section_size  }
0x9c: {  	s7 =	simm.s32 $_size__tile_overlayer_lowered;
	s8 =	simm.s32 $_tile_overlayer_lowered  }
0x9d: {  	s22 =	simm.s32 $0x1BFF;
	s21 =	sshll.u32 s8, $0x1;
	s5 =	sadd.s32 s6, s19  }
0x9e: {  	s9 =	simm.s32 $0x0;
	s20 =	sshll.u32 s7, $0x1;
	s7 =	sadd.s32 s21, s5  }
0x9f: {  	[timem:s9], [sflag:s22] =	dma.local [hbm:s7], s20  }
0xa0: {  	_ =	swait.ge [sflag:s22], s20  }
0xa1: {  	s6 =	ssub.s32 $0x0, s20;
	[sflag:s22] =	ssyncset.done $0x0  }
0xa2: {  	[sflag:s22] =	ssyncadd.s32 s6;
	_ =	sdelay $0x1  }
0xa3: {  	s23 =	simm.s32 $0x1B8B  }
0xa4: {  	_ =	swait.ge [sflag:s23], $0x1  }
0xa5: {  	[sflag:s23] =	ssyncset.done $0x0  }
0xa6: {  	s25 =	simm.s32 $0x1B8E;
	s24 =	sld [smem:$0x3FFE];
	[sflag:s23] =	ssyncadd.s32 $0xFFFFFFFF  }
0xa7: {  	s26 =	simm.s32 $execute0_lowered;
	[smem:$0x3FD2] =	sst s25  }
0xa8: {  	s7 =	sshll.u32 s26, $0x1;
	_ =	strace $0x80000049;
	[dreg:$0x1] =	wrdreg $0xFFFFFFFF  }
0xa9: {  	s28 =	simm.s32 $_size_execute0_lowered;
	s5 =	sadd.s32 s5, s7;
	[dreg:$0x0] =	wrdreg $0x0  }
0xaa: {  	s7 =	sshll.u32 s28, $0x1;
	[dreg:$0x2] =	wrdreg s5  }
0xab: {  	[dreg:$0x3] =	wrdreg s7  }
0xac: {  	[dreg:$0x4] =	wrdreg $0xC0  }
0xad: {  	_ =	task [dreg:s9], $0x5FFFF  }
0xae: {  	[dreg:$0x1] =	wrdreg $0xFFFFFFFF  }
0xaf: {  	[dreg:$0x0] =	wrdreg $0x60  }
0xb0: {  	[dreg:$0x2] =	wrdreg s2  }
0xb1: {  	[dreg:$0x3] =	wrdreg s18  }
0xb2: {  	[dreg:$0x4] =	wrdreg s24  }
0xb3: {  	[dreg:$0x5] =	wrdreg s4  }
0xb4: {  	[dreg:$0x6] =	wrdreg $0x7E100  }
0xb5: {  	[dreg:$0x7] =	wrdreg $0x96900  }
0xb6: {  	[dreg:$0x8] =	wrdreg $0xAF100  }
0xb7: {  	[dreg:$0x9] =	wrdreg $0xC7900  }
0xb8: {  	[dreg:$0xa] =	wrdreg $0xE0100  }
0xb9: {  	[dreg:$0xb] =	wrdreg $0x9  }
0xba: {  	_ =	task.clear_ibuf [dreg:s9], $0xCFFFF;
	_ =	strace $0x90000049  }
0xbb: {  	s29 =	simm.s32 $0x9;
	_ =	strace $0x8000004B  }
0xbc: {  	_ =	swait.ge [sflag:s29], $0x1  }
0xbd: {  	[sflag:s29] =	ssyncadd.s32 $0xFFFFFFFF  }
0xbe: {  	_ =	strace $0x9000004B  }
0xbf: {  	_ =	sfence  }
0xc0: {  	s30 =	sld [smem:$0x0];
	_ =	sdelay $0x2  }
0xc1: {  	s31 =	sshll.u32 s1, $0xD;
	s1 =	sshrl.u32 s1, $0x2  }
0xc2: {  	s3 =	sand.u32 $0x4000, s31;
	s1 =	sadd.s32 s1, s30  }
0xc3: {  	s0 =	sor.u32 s3, s0;
	s1 =	sshll.u32 s1, $0x11  }
0xc4: {  	s0 =	sor.u32 s1, s0  }
0xc5: {  	s0 =	sadd.s32 $0x8F2B, s0  }
0xc6: {  	[sflag:s0] =	ssyncadd.remote.s32 $0x1  }
0xc7: {  	_ =	sfence.sel $0xFFFF  }
0xc8: {  	[dreg:$0x0] =	wrdreg $0xFFFFFFFF;
	(pc) =	sbr.abs _section_cstart, $3  }
0xc9: {  	[dreg:$0x1] =	wrdreg $0xFFFFFFFF  }
0xca: {  	_ =	task.clear_ibuf [dreg:s9], $0x2FFFF;
	_ =	strace $0x9FFFFFFF  }
0xcb: {  	(tm) =	ssettm $0x7FFFFFFF  }
tec
execute0_lowered:
.L_overlay_start_1:
0x0: {  	(tag) =	ssettag $0x1  }
0x1: {  	s0 =	rddreg [dreg:$0x2]  }
0x2: {  	s1 =	rddreg [dreg:$0x3]  }
0x3: {  	s6 =	rddreg [dreg:$0x4]  }
0x4: {  	s7 =	rddreg [dreg:$0x5]  }
0x5: {  	s18 =	rddreg [dreg:$0x6]  }
0x6: {  	s19 =	rddreg [dreg:$0x7]  }
0x7: {  	s20 =	rddreg [dreg:$0x8];
	s9 =	simm.s32 $0x0;
	s17 =	stileid.u32  }
0x8: {  	s2 =	srdreg.scid;
	s30 =	simm.s32 $0x2;
	s31 =	simm.s32 $0x7D0  }
0x9: {  	s28 =	simm.s32 $0x4E20;
	s29 =	simm.s32 $0x0;
	[smem:$0x7FF] =	sst s9  }
0xa: {  	s10 =	sadd.s32 $0x155600, s0;
	s3 =	smul.u32 $0x1880, s17;
	s11 =	sadd.s32 $0xF3A00, s0  }
0xb: {  	s2 =	sand.u32 $0x1, s2;
	s12 =	sadd.s32 $0x1B7200, s0;
	s13 =	sadd.s32 $0x218E00, s0  }
0xc: {  	s14 =	sadd.s32 $0x27AA00, s0;
	s15 =	sadd.s32 $0x2DC600, s0;
	s17 =	sshll.u32 s17, $0x1  }
0xd: {  	_ =	strace $0x8000004A;
	s4 =	smul.u32 $0x18800, s2;
	s16 =	ssub.s32 $0x2, s2  }
0xe: {  	s2 =	sor.u32 s2, s17;
	s17 =	simm.s32 $0x2710;
	s5 =	sshrl.u32 s3, $0x3  }
0xf: {  	s26 =	sshrl.u32 s16, $0x1;
	s21 =	sadd.s32 s3, s6;
	s23 =	sadd.s32 s3, s7  }
0x10: {  	s6 =	sadd.s32 s3, s19;
	s7 =	smov.u32 s20;
	s19 =	simm.s32 $0x36B0  }
0x11: {  	s4 =	sadd.s32 s3, s4;
	s8 =	sadd.s32 s5, s0;
	[dreg:$0xb] =	wrdreg s21  }
0x12: {  	s1 =	sadd.s32 s1, s5;
	[dreg:$0xd] =	wrdreg s23;
	s5 =	sadd.s32 s3, s18  }
0x13: {  	s3 =	sadd.s32 s3, s20;
	s23 =	smul.u32 $0x186A0, s2;
	[dreg:$0xf] =	wrdreg s6  }
0x14: {  	s2 =	simm.s32 $0xFA0;
	s18 =	simm.s32 $0x2EE0;
	[dreg:$0xa] =	wrdreg s1  }
0x15: {  	s20 =	simm.s32 $0x55F0;
	s4 =	sshrl.u32 s4, $0x3;
	[dreg:$0xe] =	wrdreg s5  }
0x16: {  	s22 =	sadd.s32 $0x2000, s8;
	[dreg:$0x10] =	wrdreg s3;
	s0 =	sadd.s32 s4, s0  }
0x17: {  	s21 =	simm.s32 $0x5DC0;
	[dreg:$0xc] =	wrdreg s22;
	s24 =	sadd.s32 $0x11600, s0  }
0x18: {  	s8 =	simm.s32 $0x1770;
	s25 =	sadd.s32 $0xB400, s0;
	[dreg:$0x11] =	wrdreg s24  }
0x19: {  	s4 =	ssub.s32 s16, s26;
	s0 =	sadd.s32 $0x5200, s0;
	[dreg:$0x12] =	wrdreg s25  }
0x1a: {  	s1 =	simm.s32 $0x0;
	s26 =	smax.u32 s4, $0x1;
	[dreg:$0x13] =	wrdreg s0  }
0x1b: {  	s16 =	simm.s32 $0x1F40;
	s4 =	simm.s32 $0x6590;
	[dreg:$0x14] =	wrdreg s26  }
0x1c: {  	v0 =	vimm.f32 $0.0e+00;
	s24 =	simm.s32 $0x1;
	s25 =	simm.s32 $0x3E80;
	s26 =	simm.s32 $0x4650  }
.LBB2_1:
0x1d: {  	[dreg:$0x15] =	wrdreg s1  }
0x1e: {  	s0 =	rddreg [dreg:$0xa]  }
0x1f: {  	[tilespmem:s4], [sflag:$0x2] =	stream.linear.gather [hbm4b:s0+s9], $0x1880, $0x38;
	[tilespmem:$0xF890] =	vst v63  }
0x20: {  	_ =	swait.ge [sflag:s30], $0x1880  }
0x21: {  	[sflag:s30] =	ssyncset.done $0x0  }
0x22: {  	s22 =	rddreg [dreg:$0xb];
	[sflag:s30] =	ssyncadd.s32 $0xFFFFE780  }
0x23: {  	[spmem:s22] =	stream.linear.scatter [tilespmem:s4], [sflag:$0x2], $0x1880, $0x38;
	[tilespmem:$0xF890] =	vst v63  }
0x24: {  	_ =	swait.ge [sflag:s30], $0x1880  }
0x25: {  	[sflag:s30] =	ssyncset.done $0x0  }
0x26: {  	s1 =	rddreg [dreg:$0xc];
	[sflag:s30] =	ssyncadd.s32 $0xFFFFE780  }
0x27: {  	[tilespmem:s4], [sflag:$0x2] =	stream.linear.gather [hbm4b:s1+s9], $0x1880, $0x38;
	[tilespmem:$0xF890] =	vst v63  }
0x28: {  	_ =	swait.ge [sflag:s30], $0x1880  }
0x29: {  	[sflag:s30] =	ssyncset.done $0x0  }
0x2a: {  	s22 =	rddreg [dreg:$0xd];
	[sflag:s30] =	ssyncadd.s32 $0xFFFFE780  }
0x2b: {  	[spmem:s22] =	stream.linear.scatter [tilespmem:s4], [sflag:$0x2], $0x1880, $0x38;
	[tilespmem:$0xF890] =	vst v63  }
0x2c: {  	_ =	swait.ge [sflag:s30], $0x1880  }
0x2d: {  	[sflag:s30] =	ssyncset.done $0x0  }
0x2e: {  	s0 =	simm.s32 $0x40;
	s1 =	simm.s32 $0x0;
	[sflag:s30] =	ssyncadd.s32 $0xFFFFE780  }
.LBB2_2:
0x2f: {  	p0 =	sne.s32 s0, $0x61C0;
	[tilespmem:s1+$0x6590] =	vst v0;
	s1 =	smov.u32 s0;
	s0 =	sadd.s32 $0x40, s0  }
.Ltmp0:
0x30: {  	(pc) =	sbr.rel @p0 .LBB2_2-.Ltmp0, $2  }
0x31: {  	_ =	sdelay $0x2  }
0x32: {  	s1 =	sshra.s32 s1, $0x2  }
0x33: {  	[tilespmem:s1+$0x6590] =	vst v0  }
0x34: {  	[spmem:s5] =	stream.linear.scatter [tilespmem:s4], [sflag:$0x2], $0x1880, $0x38;
	[tilespmem:$0xF890] =	vst v63  }
0x35: {  	_ =	swait.ge [sflag:s30], $0x1880  }
0x36: {  	[sflag:s30] =	ssyncset.done $0x0  }
0x37: {  	[sflag:s30] =	ssyncadd.s32 $0xFFFFE780  }
0x38: {  	[spmem:s6] =	stream.linear.scatter [tilespmem:s4], [sflag:$0x2], $0x1880, $0x38;
	[tilespmem:$0xF890] =	vst v63  }
0x39: {  	_ =	swait.ge [sflag:s30], $0x1880  }
0x3a: {  	[sflag:s30] =	ssyncset.done $0x0  }
0x3b: {  	[sflag:s30] =	ssyncadd.s32 $0xFFFFE780  }
0x3c: {  	[spmem:s3] =	stream.linear.scatter [tilespmem:s4], [sflag:$0x2], $0x1880, $0x38;
	[tilespmem:$0xF890] =	vst v63  }
0x3d: {  	_ =	swait.ge [sflag:s30], $0x1880  }
0x3e: {  	[sflag:s30] =	ssyncset.done $0x0  }
0x3f: {  	[sflag:s30] =	ssyncadd.s32 $0xFFFFE780  }
0x40: {  	s22 =	simm.s32 $0x0;
	[bflag:$0x0] =	sbarrier.arrive $0xFFFF  }
.LBB2_4:
0x41: {  	s0 =	smul.u32 $0x7D0, s22;
	_ =	sdelay $0x1  }
0x42: {  	s0 =	sadd.s32 s23, s0  }
0x43: {  	s1 =	rddreg [dreg:$0x0];
	s0 =	sshrl.u32 s0, $0x3  }
0x44: {  	s3 =	rddreg [dreg:$0x1];
	s1 =	sadd.s32 s1, s0  }
0x45: {  	[tilespmem:s29], [sflag:$0x1] =	stream.linear.gather [hbm4b:s1+s29], $0x7D0, $0x38;
	[tilespmem:$0xF890] =	vst v63  }
0x46: {  	s1 =	sadd.s32 s3, s0  }
0x47: {  	[tilespmem:s31], [sflag:$0x1] =	stream.linear.gather [hbm4b:s1+s29], $0x7D0, $0x38;
	[tilespmem:$0xF890] =	vst v63  }
0x48: {  	s4 =	sadd.s32 s11, s0  }
0x49: {  	[tilespmem:s2], [sflag:$0x1] =	stream.linear.gather [hbm4b:s4+s29], $0x7D0, $0x38;
	[tilespmem:$0xF890] =	vst v63  }
0x4a: {  	s5 =	sadd.s32 s10, s0  }
0x4b: {  	[tilespmem:s8], [sflag:$0x1] =	stream.linear.gather [hbm4b:s5+s29], $0x7D0, $0x38;
	[tilespmem:$0xF890] =	vst v63  }
0x4c: {  	s6 =	sadd.s32 s12, s0  }
0x4d: {  	[tilespmem:s16], [sflag:$0x1] =	stream.linear.gather [hbm4b:s6+s29], $0x7D0, $0x38;
	[tilespmem:$0xF890] =	vst v63  }
0x4e: {  	s3 =	sadd.s32 s13, s0  }
0x4f: {  	[tilespmem:s17], [sflag:$0x1] =	stream.linear.gather [hbm4b:s3+s29], $0x7D0, $0x38;
	[tilespmem:$0xF890] =	vst v63  }
0x50: {  	s4 =	sadd.s32 s14, s0  }
0x51: {  	[tilespmem:s18], [sflag:$0x1] =	stream.linear.gather [hbm4b:s4+s29], $0x7D0, $0x38;
	[tilespmem:$0xF890] =	vst v63  }
0x52: {  	s0 =	sadd.s32 s15, s0  }
0x53: {  	[tilespmem:s19], [sflag:$0x1] =	stream.linear.gather [hbm4b:s0+s29], $0x7D0, $0x38;
	[tilespmem:$0xF890] =	vst v63  }
0x54: {  	_ =	swait.ge [sflag:s24], $0x7D0  }
0x55: {  	[sflag:s24] =	ssyncset.done $0x0  }
0x56: {  	[sflag:s24] =	ssyncadd.s32 $0xFFFFF830  }
0x57: {  	_ =	swait.ge [sflag:s24], $0x7D0  }
0x58: {  	[sflag:s24] =	ssyncset.done $0x0  }
0x59: {  	[sflag:s24] =	ssyncadd.s32 $0xFFFFF830  }
0x5a: {  	_ =	swait.ge [sflag:s24], $0x7D0  }
0x5b: {  	[sflag:s24] =	ssyncset.done $0x0  }
0x5c: {  	[sflag:s24] =	ssyncadd.s32 $0xFFFFF830  }
0x5d: {  	_ =	swait.ge [sflag:s24], $0x7D0  }
0x5e: {  	[sflag:s24] =	ssyncset.done $0x0  }
0x5f: {  	[sflag:s24] =	ssyncadd.s32 $0xFFFFF830  }
0x60: {  	_ =	swait.ge [sflag:s24], $0x7D0  }
0x61: {  	[sflag:s24] =	ssyncset.done $0x0  }
0x62: {  	[sflag:s24] =	ssyncadd.s32 $0xFFFFF830  }
0x63: {  	_ =	swait.ge [sflag:s24], $0x7D0  }
0x64: {  	[sflag:s24] =	ssyncset.done $0x0  }
0x65: {  	[sflag:s24] =	ssyncadd.s32 $0xFFFFF830  }
0x66: {  	_ =	swait.ge [sflag:s24], $0x7D0  }
0x67: {  	[sflag:s24] =	ssyncset.done $0x0  }
0x68: {  	[sflag:s24] =	ssyncadd.s32 $0xFFFFF830  }
0x69: {  	_ =	swait.ge [sflag:s24], $0x7D0  }
0x6a: {  	[sflag:s24] =	ssyncset.done $0x0  }
0x6b: {  	[sflag:s24] =	ssyncadd.s32 $0xFFFFF830  }
0x6c: {  	s5 =	rddreg [dreg:$0x4]  }
0x6d: {  	[tilespmem:s25], [sflag:$0x1] =	stream.indirect.gather [spmem:s5], $0x1, s31, s31, $0xb8;
	[tilespmem:$0xF890] =	vst v63  }
0x6e: {  	s6 =	rddreg [dreg:$0x5]  }
0x6f: {  	[tilespmem:s26], [sflag:$0x1] =	stream.indirect.gather [spmem:s6], $0x1, s31, s31, $0xb8;
	[tilespmem:$0xF890] =	vst v63  }
0x70: {  	_ =	swait.ge [sflag:s24], $0x7D0  }
0x71: {  	[sflag:s24] =	ssyncset.done $0x0  }
0x72: {  	[sflag:s24] =	ssyncadd.s32 $0xFFFFF830  }
0x73: {  	_ =	swait.ge [sflag:s24], $0x7D0  }
0x74: {  	[sflag:s24] =	ssyncset.done $0x0  }
0x75: {  	s4 =	simm.s32 $0x0;
	[sflag:s24] =	ssyncadd.s32 $0xFFFFF830  }
0x76: {  	v15 =	vld [tilespmem:s4+$0x1F40]  }
0x77: {  	v16 =	vld [tilespmem:s4+$0x2710];
	_ =	sdelay $0x4  }
0x78: {  	s1 =	simm.s32 $0x10;
	v1 =	vmul.f32 v15, v15;
	v2 =	vmul.f32 v16, v16  }
0x79: {  	v4 =	vld [tilespmem:s1+$0x1F40]  }
0x7a: {  	v6 =	vld [tilespmem:s1+$0x2710];
	v1 =	vadd.f32 v2, v1;
	_ =	sdelay $0x1  }
0x7b: {  	v1 =	vadd.f32 $6.250000300e-05, v1;
	_ =	sdelay $0x1  }
0x7c: {  	(erf) = vrcp.f32 v1  }
0x7d: {  	v8 =	vld [tilespmem:s4+$0x36B0];
	v7 =	vmul.f32 v6, v6;
	v1 =	vmul.f32 v4, v4  }
0x7e: {  	s0 =	simm.s32 $0x20;
	v3 =	vld [tilespmem:s4+$0x3E80]  }
0x7f: {  	v5 =	vld [tilespmem:s0+$0x1F40];
	v1 =	vadd.f32 v7, v1  }
0x80: {  	v2 =	vld [tilespmem:s0+$0x2710]  }
0x81: {  	v12 =	vld [tilespmem:s4+$0x2EE0];
	v1 =	vadd.f32 $6.250000300e-05, v1  }
0x82: {  	v13 =	vld [tilespmem:s4+$0x4650]  }
0x83: {  	v11 =	vld [tilespmem:s4+$0xFA0];
	(erf) = vrcp.f32 v1  }
0x84: {  	v9 =	vld [tilespmem:s4+$0x1770]  }
0x85: {  	v14 =	vmul.f32 v5, v5;
	v17 =	vmul.f32 v2, v2;
	v7 =	vld [tilespmem:s1+$0x36B0];
	v1 =	vpop (erf)  }
0x86: {  	s3 =	simm.s32 $0x30;
	v10 =	vld [tilespmem:s1+$0x3E80];
	v18 =	vmul.f32 v1, v12  }
0x87: {  	v13 =	vmul.f32 v13, v8;
	v14 =	vadd.f32 v17, v14;
	v1 =	vld [tilespmem:s3+$0x1F40];
	v12 =	vmul.f32 v3, v8  }
0x88: {  	s5 =	simm.s32 $0x100;
	v3 =	vld [tilespmem:s3+$0x2710];
	v15 =	vmul.f32 v18, v15;
	v16 =	vmul.f32 v18, v16  }
.LBB2_5:
0x89: {  	p0 =	sne.s32 s5, $0x1F00;
	v24 =	vadd.f32 $6.250000300e-05, v14;
	v17 =	vld [tilespmem:s1+$0x2EE0];
	v18 =	vmul.f32 v8, v11;
	v19 =	vmul.f32 v8, v9;
	v20 =	vmovc v5;
	v21 =	vmovc v6;
	s6 =	smov.u32 s0;
	s0 =	smov.u32 s3  }
0x8a: {  	v6 =	vmovc v2;
	v22 =	vld [tilespmem:s1+$0x4650];
	v15 =	vsub.f32 v15, v12;
	v12 =	vsub.f32 v16, v13;
	v8 =	vmov v7  }
0x8b: {  	(erf) = vrcp.f32 v24;
	v23 =	vld [tilespmem:s1+$0xFA0];
	[tilespmem:s4+$0x55F0] =	vst v18;
	v13 =	vmov v10  }
.Ltmp1:
0x8c: {  	v14 =	vpop (erf);
	v11 =	vmul.f32 v15, v11;
	v12 =	vmul.f32 v12, v9;
	v9 =	vld [tilespmem:s1+$0x1770];
	[tilespmem:s4+$0x5DC0] =	vst v19;
	v5 =	vmov v1;
	(pc) =	sbr.rel @p0 .LBB2_5-.Ltmp1, $4  }
0x8d: {  	v15 =	vmul.f32 v1, v5;
	v16 =	vmul.f32 v3, v3;
	v7 =	vld [tilespmem:s6+$0x36B0];
	v2 =	vmov v3  }
0x8e: {  	s3 =	sshra.s32 s5, $0x2;
	v10 =	vld [tilespmem:s6+$0x3E80];
	v17 =	vmul.f32 v14, v17;
	v18 =	vadd.f32 v12, v11  }
0x8f: {  	v12 =	vmul.f32 v13, v8;
	v1 =	vld [tilespmem:s3+$0x1F40];
	v14 =	vadd.f32 v16, v15;
	v13 =	vmul.f32 v22, v8  }
0x90: {  	s5 =	sadd.s32 $0x40, s5;
	v3 =	vld [tilespmem:s3+$0x2710];
	v15 =	vmul.f32 v17, v4;
	v16 =	vmul.f32 v17, v21;
	[tilespmem:s4+$0x4E20] =	vst v18;
	v11 =	vmovc v23;
	v4 =	vmov v20;
	s4 =	smov.u32 s1;
	s1 =	smov.u32 s6  }
0x91: {  	v17 =	vld [tilespmem:s1+$0x2EE0]  }
0x92: {  	v19 =	vld [tilespmem:s1+$0x4650];
	v12 =	vsub.f32 v15, v12  }
0x93: {  	v18 =	vmul.f32 v8, v11  }
0x94: {  	v37 =	vmul.f32 v8, v9;
	v13 =	vsub.f32 v16, v13;
	v39 =	vmul.f32 v12, v11  }
0x95: {  	v36 =	vld [tilespmem:s1+$0xFA0];
	[tilespmem:s4+$0x55F0] =	vst v18;
	v42 =	vpop (erf);
	v43 =	vmul.f32 v1, v1;
	v44 =	vmul.f32 v3, v3  }
0x96: {  	v41 =	vadd.f32 $6.250000300e-05, v14;
	v38 =	vld [tilespmem:s1+$0x1770];
	v40 =	vmul.f32 v13, v9;
	v8 =	vmul.f32 v42, v17  }
0x97: {  	v10 =	vmul.f32 v10, v7;
	v47 =	vmul.f32 v19, v7;
	v46 =	vadd.f32 v44, v43  }
0x98: {  	[tilespmem:s4+$0x5DC0] =	vst v37;
	v9 =	vadd.f32 v40, v39;
	v4 =	vmul.f32 v8, v4;
	v6 =	vmul.f32 v8, v6  }
0x99: {  	(erf) = vrcp.f32 v41;
	v18 =	vld [tilespmem:s0+$0x36B0];
	v49 =	vadd.f32 $6.250000300e-05, v46  }
0x9a: {  	v45 =	vld [tilespmem:s0+$0x3E80];
	v50 =	vmul.f32 v7, v36;
	[tilespmem:s4+$0x4E20] =	vst v9;
	v4 =	vsub.f32 v4, v10;
	v6 =	vsub.f32 v6, v47  }
0x9b: {  	v48 =	vld [tilespmem:s0+$0x2EE0];
	v53 =	vmul.f32 v7, v38;
	(erf) = vrcp.f32 v49  }
0x9c: {  	v51 =	vld [tilespmem:s0+$0x4650];
	v4 =	vmul.f32 v4, v36;
	v6 =	vmul.f32 v6, v38  }
0x9d: {  	v52 =	vld [tilespmem:s0+$0xFA0];
	[tilespmem:s1+$0x55F0] =	vst v50  }
0x9e: {  	v54 =	vld [tilespmem:s0+$0x1770];
	[tilespmem:s1+$0x5DC0] =	vst v53;
	v4 =	vadd.f32 v6, v4  }
0x9f: {  	v7 =	vld [tilespmem:s3+$0x36B0]  }
0xa0: {  	v55 =	vld [tilespmem:s3+$0x3E80];
	[tilespmem:s1+$0x4E20] =	vst v4  }
0xa1: {  	v12 =	vld [tilespmem:s3+$0x2EE0]  }
0xa2: {  	v56 =	vpop (erf);
	v57 =	vld [tilespmem:s3+$0x4650]  }
0xa3: {  	v11 =	vmul.f32 v45, v18;
	v4 =	vmul.f32 v56, v48  }
0xa4: {  	v58 =	vmul.f32 v18, v52;
	v14 =	vmul.f32 v51, v18  }
0xa5: {  	v5 =	vmul.f32 v4, v5;
	v2 =	vmul.f32 v4, v2;
	v60 =	vpop (erf)  }
0xa6: {  	v59 =	vld [tilespmem:s3+$0xFA0];
	[tilespmem:s0+$0x55F0] =	vst v58;
	v6 =	vmul.f32 v55, v7;
	v61 =	vmul.f32 v60, v12  }
0xa7: {  	v62 =	vld [tilespmem:s3+$0x1770];
	v5 =	vsub.f32 v5, v11;
	v2 =	vsub.f32 v2, v14;
	v8 =	vmul.f32 v57, v7  }
0xa8: {  	v1 =	vmul.f32 v61, v1;
	v3 =	vmul.f32 v61, v3  }
0xa9: {  	v5 =	vmul.f32 v5, v52;
	v2 =	vmul.f32 v2, v54  }
0xaa: {  	v9 =	vmul.f32 v18, v54;
	v1 =	vsub.f32 v1, v6;
	v3 =	vsub.f32 v3, v8  }
0xab: {  	v63 =	vmul.f32 v7, v59;
	v2 =	vadd.f32 v2, v5  }
0xac: {  	[tilespmem:s0+$0x5DC0] =	vst v9;
	v1 =	vmul.f32 v1, v59;
	v3 =	vmul.f32 v3, v62  }
0xad: {  	[tilespmem:s0+$0x4E20] =	vst v2;
	v2 =	vmul.f32 v7, v62  }
0xae: {  	[tilespmem:s3+$0x55F0] =	vst v63;
	v1 =	vadd.f32 v3, v1  }
0xaf: {  	[tilespmem:s3+$0x5DC0] =	vst v2  }
0xb0: {  	s5 =	rddreg [dreg:$0x6];
	[tilespmem:s3+$0x4E20] =	vst v1  }
0xb1: {  	[spmem:s5] =	stream.indirect.scatter.add.f32 [tilespmem:s28], [sflag:$0x1], $0x1, s9, s31, $0xb8;
	[tilespmem:$0xF890] =	vst v63  }
0xb2: {  	s6 =	rddreg [dreg:$0x7]  }
0xb3: {  	[spmem:s6] =	stream.indirect.scatter.add.f32 [tilespmem:s20], [sflag:$0x1], $0x1, s9, s31, $0xb8;
	[tilespmem:$0xF890] =	vst v63  }
0xb4: {  	_ = 	snop  }
0xb5: {  	[spmem:s7] =	stream.indirect.scatter.add.f32 [tilespmem:s21], [sflag:$0x1], $0x1, s9, s31, $0xb8;
	[tilespmem:$0xF890] =	vst v63  }
0xb6: {  	_ =	swait.ge [sflag:s24], $0x7D0  }
0xb7: {  	[sflag:s24] =	ssyncset.done $0x0  }
0xb8: {  	s22 =	sadd.s32 $0x1, s22;
	[sflag:s24] =	ssyncadd.s32 $0xFFFFF830  }
0xb9: {  	p0 =	sne.s32 s22, $0x32;
	_ =	swait.ge [sflag:s24], $0x7D0  }
.Ltmp2:
0xba: {  	[sflag:s24] =	ssyncset.done $0x0;
	(pc) =	sbr.rel @p0 .LBB2_4-.Ltmp2, $4  }
0xbb: {  	[sflag:s24] =	ssyncadd.s32 $0xFFFFF830  }
0xbc: {  	_ =	swait.ge [sflag:s24], $0x7D0  }
0xbd: {  	[sflag:s24] =	ssyncset.done $0x0  }
0xbe: {  	[sflag:s24] =	ssyncadd.s32 $0xFFFFF830  }
0xbf: {  	[bflag:$0x0] =	sbarrier.arrive $0xFFFF  }
0xc0: {  	s4 =	simm.s32 $0x6590;
	s5 =	rddreg [dreg:$0xe]  }
0xc1: {  	[tilespmem:s4], [sflag:$0x2] =	stream.linear.gather [spmem:s5], $0x1880, $0x38;
	[tilespmem:$0xF890] =	vst v63  }
0xc2: {  	_ =	swait.ge [sflag:s30], $0x1880  }
0xc3: {  	[sflag:s30] =	ssyncset.done $0x0  }
0xc4: {  	s0 =	rddreg [dreg:$0x11];
	[sflag:s30] =	ssyncadd.s32 $0xFFFFE780  }
0xc5: {  	[hbm4b:s0+s9] =	stream.linear.scatter [tilespmem:s4], [sflag:$0x2], $0x1880, $0x38;
	[tilespmem:$0xF890] =	vst v63  }
0xc6: {  	_ =	swait.ge [sflag:s30], $0x1880  }
0xc7: {  	[sflag:s30] =	ssyncset.done $0x0  }
0xc8: {  	s6 =	rddreg [dreg:$0xf];
	[sflag:s30] =	ssyncadd.s32 $0xFFFFE780  }
0xc9: {  	[tilespmem:s4], [sflag:$0x2] =	stream.linear.gather [spmem:s6], $0x1880, $0x38;
	[tilespmem:$0xF890] =	vst v63  }
0xca: {  	_ =	swait.ge [sflag:s30], $0x1880  }
0xcb: {  	[sflag:s30] =	ssyncset.done $0x0  }
0xcc: {  	s22 =	rddreg [dreg:$0x12];
	[sflag:s30] =	ssyncadd.s32 $0xFFFFE780  }
0xcd: {  	[hbm4b:s22+s9] =	stream.linear.scatter [tilespmem:s4], [sflag:$0x2], $0x1880, $0x38;
	[tilespmem:$0xF890] =	vst v63  }
0xce: {  	_ =	swait.ge [sflag:s30], $0x1880  }
0xcf: {  	[sflag:s30] =	ssyncset.done $0x0  }
0xd0: {  	s3 =	rddreg [dreg:$0x10];
	[sflag:s30] =	ssyncadd.s32 $0xFFFFE780  }
0xd1: {  	[tilespmem:s4], [sflag:$0x2] =	stream.linear.gather [spmem:s3], $0x1880, $0x38;
	[tilespmem:$0xF890] =	vst v63  }
0xd2: {  	_ =	swait.ge [sflag:s30], $0x1880  }
0xd3: {  	[sflag:s30] =	ssyncset.done $0x0  }
0xd4: {  	s1 =	rddreg [dreg:$0x13];
	[sflag:s30] =	ssyncadd.s32 $0xFFFFE780  }
0xd5: {  	[hbm4b:s1+s9] =	stream.linear.scatter [tilespmem:s4], [sflag:$0x2], $0x1880, $0x38;
	[tilespmem:$0xF890] =	vst v63  }
0xd6: {  	_ =	swait.ge [sflag:s30], $0x1880  }
0xd7: {  	s1 =	rddreg [dreg:$0x15]  }
0xd8: {  	s22 =	rddreg [dreg:$0x14];
	s1 =	sadd.s32 $0x1, s1  }
0xd9: {  	p0 =	sne.s32 s1, s22  }
.Ltmp3:
0xda: {  	_ = 	snop;
	(pc) =	sbr.rel @p0 .LBB2_1-.Ltmp3, $3  }
0xdb: {  	_ =	sdelay $0x1  }
0xdc: {  	[sflag:s30] =	ssyncset.done $0x0  }
0xdd: {  	[sflag:s30] =	ssyncadd.s32 $0xFFFFE780  }
0xde: {  	_ =	sfence.sel $0x180000  }
0xdf: {  	[bflag:$0x0] =	sbarrier.arrive $0xFFFF  }
0xe0: {  	_ =	strace $0x9000004A  }
0xe1: {  	s0 =	stileid.u32;
	[bflag:$0x2] =	sbarrier.arrive $0xFFFF  }
0xe2: {  	p0 =	sne.s32 s0, $0x0;
	s0 =	rddreg [dreg:$0x9]  }
0xe3: {  	s0 =	sadd.s32 @!p0 $0x100000, s0  }
0xe4: {  	[sflag:s0] =	ssyncadd.tile.s32 @!p0 $0x1;
	_ =	shalt  }
.Lfunc_end2:
_tile_overlayer_lowered:
.L_overlay_start_2:
0xe5: {  	(tag) =	ssettag $0x2  }
0xe6: {  	s0 =	rddreg [dreg:$0x0];
	s2 =	stileid.u32  }
0xe7: {  	s1 =	rddreg [dreg:$0x1];
	p0 =	sne.s32 s2, $0x0  }
0xe8: {  	s3 =	rddreg [dreg:$0x2];
	[bflag:$0x3] =	sbarrier.arrive $0xFFFF;
	s2 =	simm.s32 @!p0 $0x1C02  }
0xe9: {  	[timem:s3], [sflag:s2] =	dma.local @!p0 [hbm:s0], s1  }
0xea: {  	s0 =	simm.s32 @!p0 $0x2  }
0xeb: {  	_ =	swait.ge @!p0 [sflag:s0], s1  }
0xec: {  	s1 =	ssub.s32 @!p0 $0x0, s1;
	[sflag:s0] =	ssyncset.done @!p0 $0x0  }
0xed: {  	[sflag:s0] =	ssyncadd.s32 @!p0 s1  }
0xee: {  	[bflag:$0x3] =	sbarrier.arrive $0xFFFF  }
0xef: {  	_ =	shalt  }

</sc_bundles>
